<compile_context>
chip_gen: v7x
topology: tpu7x:2x2x1
jax: 0.10.2.dev20260603
libtpu: 0.0.44.dev20260713+nightly
codegen_flags: <defaults>
</compile_context>

<pallas_src>
import functools

import jax
import jax.numpy as jnp
from jax import lax
from jax.experimental import pallas as pl
from jax.experimental.pallas import tpu as pltpu
from jax.experimental.pallas import tpu_sc as plsc

M = 92160
N = 512 ** 2
B = 4
NNZ = M * 32
SCALE = 0.82 * 0.0322

NC = 2
NS = 16
NW = NC * NS
PER_W = NNZ // NW
K = 3840
CHUNKS = PER_W // K
Q = K // 16
MH = M // 2
ACC_PER_TILE = MH // NS

RW = 8192
RROUNDS = (N * B) // (NW * RW)
RG = RW // 16

_mesh = plsc.VectorSubcoreMesh(core_axis_name="c", subcore_axis_name="s")
_cp = pltpu.CompilerParams(needs_layout_passes=False, use_tc_tiling_on_sc=False)


def _repack_body(xp_hbm, x2_hbm, xr_v, xw_v):
    c = lax.axis_index("c")
    s = lax.axis_index("s")
    w = c * NS + s

    ii = lax.iota(jnp.int32, 16)
    ir2 = lax.shift_right_logical(ii, 3)
    ic8 = lax.bitwise_and(ii, 7)
    rconst = lax.bitwise_and(ii, 3) * 128 + 2 * ir2 + \
        lax.shift_right_logical(lax.bitwise_and(ii, 7), 2)

    def rep_round(p, _):
        fb = (w * RROUNDS + p) * RW
        pltpu.sync_copy(xp_hbm.at[pl.ds(fb, RW)], xr_v)

        @plsc.parallel_loop(0, RG, unroll=8)
        def _(g):
            binidx = (g // 32) * 512 + (4 * g) % 128
            v16 = plsc.load_gather(xr_v, [rconst + binidx])
            plsc.store_scatter(xw_v, [2 * g + ir2, ic8], v16)

        pltpu.sync_copy(xw_v, x2_hbm.at[pl.ds((w * RROUNDS + p) * (RW // 8),
                                              RW // 8)])
        return 0
    lax.fori_loop(0, RROUNDS, rep_round, 0)


_repack = functools.partial(
    pl.kernel,
    out_type=jax.ShapeDtypeStruct((N // 2, 8), jnp.float32),
    mesh=_mesh,
    compiler_params=_cp,
    scratch_types=[
        pltpu.VMEM((RW,), jnp.float32),
        pltpu.VMEM((RW // 8, 8), jnp.float32),
    ],
)(_repack_body)


def _sc_body(x2_hbm, vals_hbm, rows_hbm, cols_hbm, out_hbm,
             cols0_v, cols1_v, rows0_v, rows1_v, vals0_v, vals1_v,
             colh_v, rowh_v, xg_v, ct_v, acc_sh, isem0, isem1):
    c = lax.axis_index("c")
    s = lax.axis_index("s")
    start = (c * NS + s) * PER_W

    ii = lax.iota(jnp.int32, 16)
    zf = jnp.zeros((16,), jnp.float32)
    ir2 = lax.shift_right_logical(ii, 3)
    ic8 = lax.bitwise_and(ii, 7)

    @plsc.parallel_loop(0, K // 2, unroll=8)
    def _(q):
        plsc.store_scatter(ct_v, [q * 2 + ir2, ic8], zf)

    r0 = s * ACC_PER_TILE
    pltpu.sync_copy(ct_v.at[pl.ds(0, ACC_PER_TILE)],
                    acc_sh.at[pl.ds(r0, ACC_PER_TILE)])
    plsc.subcore_barrier()

    jvs = [jnp.full((16,), j, jnp.int32) for j in range(B)]
    bufs = [(cols0_v, vals0_v, rows0_v, isem0),
            (cols1_v, vals1_v, rows1_v, isem1)]

    def fire_idx(j, cv, vv, rv, sem):
        base = start + j * K
        pltpu.async_copy(cols_hbm.at[pl.ds(base, K)], cv, sem)
        pltpu.async_copy(vals_hbm.at[pl.ds(base, K)], vv, sem)
        pltpu.async_copy(rows_hbm.at[pl.ds(base, K)], rv, sem)

    def wait_idx(j, cv, vv, rv, sem):
        base = start + j * K
        pltpu.make_async_copy(cols_hbm.at[pl.ds(base, K)], cv, sem).wait()
        pltpu.make_async_copy(vals_hbm.at[pl.ds(base, K)], vv, sem).wait()
        pltpu.make_async_copy(rows_hbm.at[pl.ds(base, K)], rv, sem).wait()

    fire_idx(0, *bufs[0])

    def chunk_pair(i, _):
        for sub in range(2):
            cv, vv, rv, sem = bufs[sub]
            j = 2 * i + sub
            wait_idx(j, cv, vv, rv, sem)

            @plsc.parallel_loop(0, Q, unroll=8)
            def _(q):
                b16 = q * 16
                colh_v[pl.ds(b16, 16)] = lax.shift_right_logical(
                    cv[pl.ds(b16, 16)], 1)
                rowh_v[pl.ds(b16, 16)] = lax.shift_right_logical(
                    rv[pl.ds(b16, 16)], 1)

            ncv, nvv, nrv, nsem = bufs[1 - sub]
            if sub == 0:
                fire_idx(j + 1, ncv, nvv, nrv, nsem)
            else:
                @pl.when(i < CHUNKS // 2 - 1)
                def _():
                    fire_idx(j + 1, ncv, nvv, nrv, nsem)
            pltpu.sync_copy(x2_hbm.at[colh_v], xg_v)

            @plsc.parallel_loop(0, Q, unroll=4)
            def _(q):
                b16 = q * 16
                e16 = ii + b16
                v16 = vv[pl.ds(b16, 16)]
                par4 = lax.shift_left(
                    lax.bitwise_and(cv[pl.ds(b16, 16)], 1), 2)
                pr4 = lax.shift_left(
                    lax.bitwise_and(rv[pl.ds(b16, 16)], 1), 2)
                prc4 = lax.bitwise_xor(pr4, 4)
                for j2 in range(B):
                    xf = plsc.load_gather(xg_v, [e16, par4 + jvs[j2]])
                    plsc.store_scatter(ct_v, [e16, pr4 + jvs[j2]], v16 * xf)
                    plsc.store_scatter(ct_v, [e16, prc4 + jvs[j2]], zf)

            pltpu.sync_copy(ct_v, acc_sh.at[rowh_v], add=True)
        return 0

    lax.fori_loop(0, CHUNKS // 2, chunk_pair, 0)
    plsc.subcore_barrier()

    pltpu.sync_copy(acc_sh.at[pl.ds(r0, ACC_PER_TILE)],
                    xg_v.at[pl.ds(0, ACC_PER_TILE)])
    ih = lax.shift_right_logical(ii, 1)
    colc = lax.bitwise_and(ii, 1) * 4

    @plsc.parallel_loop(0, ACC_PER_TILE * 8 // 16, unroll=8)
    def _(k):
        row16 = 64 * (k // 32) + 8 * (k % 8) + ih
        col16 = colc + (k // 8) % 4
        v16 = plsc.load_gather(xg_v, [row16, col16])
        plsc.store_scatter(ct_v, [2 * k + ir2, ic8], v16)

    pltpu.sync_copy(ct_v.at[pl.ds(0, ACC_PER_TILE)],
                    out_hbm.at[c, pl.ds(r0, ACC_PER_TILE)])


_sc_project = functools.partial(
    pl.kernel,
    out_type=jax.ShapeDtypeStruct((NC, MH, 8), jnp.float32),
    mesh=_mesh,
    compiler_params=_cp,
    scratch_types=[
        pltpu.VMEM((K,), jnp.int32),
        pltpu.VMEM((K,), jnp.int32),
        pltpu.VMEM((K,), jnp.int32),
        pltpu.VMEM((K,), jnp.int32),
        pltpu.VMEM((K,), jnp.float32),
        pltpu.VMEM((K,), jnp.float32),
        pltpu.VMEM((K,), jnp.int32),
        pltpu.VMEM((K,), jnp.int32),
        pltpu.VMEM((K, 8), jnp.float32),
        pltpu.VMEM((K, 8), jnp.float32),
        pltpu.VMEM_SHARED((MH, 8), jnp.float32),
        pltpu.SemaphoreType.DMA,
        pltpu.SemaphoreType.DMA,
    ],
)(_sc_body)

_LANES = M * B // 128


def _combine_body(p_ref, o_ref):
    o_ref[...] = SCALE * (p_ref[0] + p_ref[1])


_combine = pl.pallas_call(
    _combine_body,
    out_shape=jax.ShapeDtypeStruct((_LANES, 128), jnp.float32),
)


@jax.jit
def kernel(x, H_vals, H_rows, H_cols):
    xp = x.T.reshape(B, N // 128, 128).transpose(1, 0, 2).reshape(N * B)
    x2 = _repack(xp)
    parts = _sc_project(x2, H_vals, H_rows, H_cols)
    g = _combine(parts.reshape(NC, _LANES, 128))
    return (g.reshape(M * B // 512, B, 128).transpose(1, 0, 2)
            .reshape(B, M).T.reshape(1, 1, M, B))

# --- scband reference (transcript-rebuilt; emitter-appended) ---
"""Pipeline reference for scband-projector-68539088109898 (READ-ONLY COPY).

The authoritative reference and input builder live on the scoring server;
editing this copy changes nothing except your own understanding.
"""

import jax, jax.numpy as jnp
import numpy as np

M = 92160          # sinogram rows (views * detectors)
N = 512 ** 2       # image pixels, hardcoded in forward
NNZ = M * 32       # ~32 nonzeros per projection row
MU_MAX = 0.0322
BATCH = 4


def setup_inputs(seed: int = 0) -> dict:
    key = jax.random.key(seed)
    k1, k2, k3, k4 = jax.random.split(key, 4)
    # COO representation of the scipy.sparse CSC matrix H (92160 x 262144)
    H_rows = jnp.sort(jax.random.randint(k1, (NNZ,), 0, M))
    H_cols = jax.random.randint(k2, (NNZ,), 0, N)
    H_vals = jax.random.uniform(k3, (NNZ,), dtype=jnp.float32)
    x = jax.random.uniform(k4, (N, BATCH), dtype=jnp.float32)
    return {"x": x, "H_vals": H_vals, "H_rows": H_rows, "H_cols": H_cols}


def reference(x, H_vals, H_rows, H_cols):
    # x.view(512**2, -1)
    x_vec = x.reshape(N, -1)
    # torch.sparse.mm(H, x_vec): gather columns of x then scatter-add into rows
    gathered = H_vals[:, None] * jnp.take(x_vec, H_cols, axis=0)
    g = jax.ops.segment_sum(gathered, H_rows, num_segments=M)
    g = 0.82 * MU_MAX * g
    # g.unsqueeze(0).unsqueeze(0)
    return g[None, None]

if __name__ == "__main__":
    import jax
    _d = setup_inputs()
    print(jax.jit(kernel)(*tuple(_d.values())))

</pallas_src>

<mosaic_0001>
#map = affine_map<(d0, d1) -> (0)>
#map1 = affine_map<(d0, d1) -> (0, 0)>
module attributes {stable_mosaic.version = 14 : i64} {
  func.func @_repack_body(%arg0: i32, %arg1: i32, %arg2: memref<1048576xf32, #tpu.memory_space<hbm>>, %arg3: memref<131072x8xf32, #tpu.memory_space<hbm>>, %arg4: memref<8192xf32, #tpu.memory_space<vmem>>, %arg5: memref<1024x8xf32, #tpu.memory_space<vmem>>) attributes {dimension_semantics = [#tpu.dimension_semantics<core_parallel>, #tpu.dimension_semantics<subcore_parallel>], iteration_bounds = array<i64: 2, 16>, scalar_prefetch = 0 : i64, scratch_operands = 2 : i64, tpu.core_type = #tpu.core_type<sc_vector_subcore>, window_params = [{transform_indices = #map}, {transform_indices = #map1}]} {
    %mul3A = arith.constant 16 : i32
    %mul3A_0 = arith.muli %arg0, %mul3A : i32
    %add3A = arith.addi %mul3A_0, %arg1 : i32
    %iota3A = tpu.iota {dimensions = array<i32: 0>} : vector<16xi32>
    %shift_right_logical3A = arith.constant 3 : i32
    %shift_right_logical3A_1 = vector.broadcast %shift_right_logical3A : i32 to vector<16xi32>
    %shift_right_logical3A_2 = arith.shrui %iota3A, %shift_right_logical3A_1 : vector<16xi32>
    %and3A = arith.constant 7 : i32
    %and3A_3 = vector.broadcast %and3A : i32 to vector<16xi32>
    %and3A_4 = arith.andi %iota3A, %and3A_3 : vector<16xi32>
    %and3A_5 = arith.constant 3 : i32
    %and3A_6 = vector.broadcast %and3A_5 : i32 to vector<16xi32>
    %and3A_7 = arith.andi %iota3A, %and3A_6 : vector<16xi32>
    %mul3A_8 = arith.constant 128 : i32
    %mul3A_9 = vector.broadcast %mul3A_8 : i32 to vector<16xi32>
    %mul3A_10 = arith.muli %and3A_7, %mul3A_9 : vector<16xi32>
    %mul3A_11 = arith.constant 2 : i32
    %mul3A_12 = vector.broadcast %mul3A_11 : i32 to vector<16xi32>
    %mul3A_13 = arith.muli %mul3A_12, %shift_right_logical3A_2 : vector<16xi32>
    %add3A_14 = arith.addi %mul3A_10, %mul3A_13 : vector<16xi32>
    %and3A_15 = arith.constant 7 : i32
    %and3A_16 = vector.broadcast %and3A_15 : i32 to vector<16xi32>
    %and3A_17 = arith.andi %iota3A, %and3A_16 : vector<16xi32>
    %shift_right_logical3A_18 = arith.constant 2 : i32
    %shift_right_logical3A_19 = vector.broadcast %shift_right_logical3A_18 : i32 to vector<16xi32>
    %shift_right_logical3A_20 = arith.shrui %and3A_17, %shift_right_logical3A_19 : vector<16xi32>
    %add3A_21 = arith.addi %add3A_14, %shift_right_logical3A_20 : vector<16xi32>
    %scan3A = arith.constant 0 : i32
    %scan3A_22 = arith.constant 0 : i32
    %scan3A_23 = arith.constant 4 : i32
    %scan3A_24 = arith.addi %scan3A_22, %scan3A_23 : i32
    %scan3A_25 = arith.constant 1 : i32
    %scan3A_26 = scf.for %scan3A_28 = %scan3A_22 to %scan3A_24 step %scan3A_25 iter_args(%scan3A_29 = %scan3A) -> (i32)  : i32 {
      %mul3A_30 = arith.constant 4 : i32
      %mul3A_31 = arith.muli %add3A, %mul3A_30 : i32
      %add3A_32 = arith.addi %mul3A_31, %scan3A_28 : i32
      %mul3A_33 = arith.constant 8192 : i32
      %mul3A_34 = arith.muli %add3A_32, %mul3A_33 : i32
      "tpu.region"() ({
        %run_scoped3A = tpu.sem_alloc : memref<!tpu.dma_semaphore, #tpu.memory_space<semaphore_mem>>
        %dma_start3A = tpu.memref_slice %arg2[%mul3A_34] : memref<1048576xf32, #tpu.memory_space<hbm>> -> memref<8192xf32, #tpu.memory_space<hbm>>
        %dma_start3A_43 = tpu.memref_slice %arg2[%mul3A_34] : memref<1048576xf32, #tpu.memory_space<hbm>> -> memref<8192xf32, #tpu.memory_space<hbm>>
        tpu.enqueue_dma source(%dma_start3A_43 : memref<8192xf32, #tpu.memory_space<hbm>>) target(%arg4 : memref<8192xf32, #tpu.memory_space<vmem>>) target_semaphore(%run_scoped3A : memref<!tpu.dma_semaphore, #tpu.memory_space<semaphore_mem>>)
        %dma_wait3A = tpu.memref_slice %arg2[%mul3A_34] : memref<1048576xf32, #tpu.memory_space<hbm>> -> memref<8192xf32, #tpu.memory_space<hbm>>
        %dma_wait3A_44 = tpu.memref_slice %arg2[%mul3A_34] : memref<1048576xf32, #tpu.memory_space<hbm>> -> memref<8192xf32, #tpu.memory_space<hbm>>
        tpu.wait_dma2 semaphore(%run_scoped3A : memref<!tpu.dma_semaphore, #tpu.memory_space<semaphore_mem>>) src(%dma_wait3A_44 : memref<8192xf32, #tpu.memory_space<hbm>>) dst(%arg4 : memref<8192xf32, #tpu.memory_space<vmem>>)
        tpu.yield
      }) : () -> ()
      %parallel_loop3A = arith.constant 0 : i32
      %parallel_loop3A_35 = arith.constant 512 : i32
      %parallel_loop3A_36 = arith.constant 1 : i32
      scf.for %parallel_loop3A_43 = %parallel_loop3A to %parallel_loop3A_35 step %parallel_loop3A_36  : i32 {
        %parallel_loop3A_44 = arith.constant 32 : i32
        %parallel_loop3A_45 = arith.divsi %parallel_loop3A_43, %parallel_loop3A_44 : i32
        %parallel_loop3A_46 = arith.constant 0 : i32
        %parallel_loop3A_47 = arith.cmpi sgt, %parallel_loop3A_43, %parallel_loop3A_46 : i32
        %parallel_loop3A_48 = arith.extui %parallel_loop3A_47 : i1 to i32
        %parallel_loop3A_49 = arith.constant 0 : i32
        %parallel_loop3A_50 = arith.cmpi slt, %parallel_loop3A_43, %parallel_loop3A_49 : i32
        %parallel_loop3A_51 = arith.extui %parallel_loop3A_50 : i1 to i32
        %parallel_loop3A_52 = arith.subi %parallel_loop3A_48, %parallel_loop3A_51 : i32
        %parallel_loop3A_53 = arith.constant 0 : i32
        %parallel_loop3A_54 = arith.cmpi sgt, %parallel_loop3A_44, %parallel_loop3A_53 : i32
        %parallel_loop3A_55 = arith.extui %parallel_loop3A_54 : i1 to i32
        %parallel_loop3A_56 = arith.constant 0 : i32
        %parallel_loop3A_57 = arith.cmpi slt, %parallel_loop3A_44, %parallel_loop3A_56 : i32
        %parallel_loop3A_58 = arith.extui %parallel_loop3A_57 : i1 to i32
        %parallel_loop3A_59 = arith.subi %parallel_loop3A_55, %parallel_loop3A_58 : i32
        %parallel_loop3A_60 = arith.cmpi ne, %parallel_loop3A_52, %parallel_loop3A_59 : i32
        %parallel_loop3A_61 = arith.remsi %parallel_loop3A_43, %parallel_loop3A_44 : i32
        %parallel_loop3A_62 = arith.constant 0 : i32
        %parallel_loop3A_63 = arith.cmpi ne, %parallel_loop3A_61, %parallel_loop3A_62 : i32
        %parallel_loop3A_64 = arith.andi %parallel_loop3A_60, %parallel_loop3A_63 : i1
        %parallel_loop3A_65 = arith.constant 1 : i32
        %parallel_loop3A_66 = arith.subi %parallel_loop3A_45, %parallel_loop3A_65 : i32
        %parallel_loop3A_67 = arith.select %parallel_loop3A_64, %parallel_loop3A_66, %parallel_loop3A_45 : i32
        %parallel_loop3A_68 = arith.constant 512 : i32
        %parallel_loop3A_69 = arith.muli %parallel_loop3A_67, %parallel_loop3A_68 : i32
        %parallel_loop3A_70 = arith.constant 4 : i32
        %parallel_loop3A_71 = arith.muli %parallel_loop3A_70, %parallel_loop3A_43 : i32
        %parallel_loop3A_72 = arith.constant 128 : i32
        %parallel_loop3A_73 = arith.constant 0 : i32
        %parallel_loop3A_74 = arith.cmpi eq, %parallel_loop3A_72, %parallel_loop3A_73 : i32
        %parallel_loop3A_75 = arith.constant 1 : i32
        %parallel_loop3A_76 = arith.select %parallel_loop3A_74, %parallel_loop3A_75, %parallel_loop3A_72 : i32
        %parallel_loop3A_77 = arith.remsi %parallel_loop3A_71, %parallel_loop3A_76 : i32
        %parallel_loop3A_78 = arith.constant 0 : i32
        %parallel_loop3A_79 = arith.cmpi ne, %parallel_loop3A_77, %parallel_loop3A_78 : i32
        %parallel_loop3A_80 = arith.constant 0 : i32
        %parallel_loop3A_81 = arith.cmpi slt, %parallel_loop3A_77, %parallel_loop3A_80 : i32
        %parallel_loop3A_82 = arith.constant 0 : i32
        %parallel_loop3A_83 = arith.cmpi slt, %parallel_loop3A_76, %parallel_loop3A_82 : i32
        %parallel_loop3A_84 = arith.xori %parallel_loop3A_81, %parallel_loop3A_83 : i1
        %parallel_loop3A_85 = arith.andi %parallel_loop3A_84, %parallel_loop3A_79 : i1
        %parallel_loop3A_86 = arith.addi %parallel_loop3A_77, %parallel_loop3A_76 : i32
        %parallel_loop3A_87 = arith.select %parallel_loop3A_85, %parallel_loop3A_86, %parallel_loop3A_77 : i32
        %parallel_loop3A_88 = arith.addi %parallel_loop3A_69, %parallel_loop3A_87 : i32
        %parallel_loop3A_89 = vector.broadcast %parallel_loop3A_88 : i32 to vector<16xi32>
        %parallel_loop3A_90 = arith.addi %add3A_21, %parallel_loop3A_89 : vector<16xi32>
        %parallel_loop3A_91 = tpu.vector_load_idx %arg4[%parallel_loop3A_90] : memref<8192xf32, #tpu.memory_space<vmem>>[vector<16xi32>], vector<16xf32>,
        %parallel_loop3A_92 = arith.constant 2 : i32
        %parallel_loop3A_93 = arith.muli %parallel_loop3A_92, %parallel_loop3A_43 : i32
        %parallel_loop3A_94 = vector.broadcast %parallel_loop3A_93 : i32 to vector<16xi32>
        %parallel_loop3A_95 = arith.addi %parallel_loop3A_94, %shift_right_logical3A_2 : vector<16xi32>
        tpu.vector_store_idx %arg5[%parallel_loop3A_95, %and3A_4], %parallel_loop3A_91 : memref<1024x8xf32, #tpu.memory_space<vmem>>[vector<16xi32>, vector<16xi32>], vector<16xf32>,
      } {sc.loop_unroll_factor = 8 : i64, sc.parallel_access}
      %mul3A_37 = arith.constant 4 : i32
      %mul3A_38 = arith.muli %add3A, %mul3A_37 : i32
      %add3A_39 = arith.addi %mul3A_38, %scan3A_28 : i32
      %mul3A_40 = arith.constant 1024 : i32
      %mul3A_41 = arith.muli %add3A_39, %mul3A_40 : i32
      "tpu.region"() ({
        %run_scoped3A = tpu.sem_alloc : memref<!tpu.dma_semaphore, #tpu.memory_space<semaphore_mem>>
        %dma_start3A = arith.constant 0 : i32
        %dma_start3A_43 = tpu.memref_slice %arg3[%mul3A_41, %dma_start3A] : memref<131072x8xf32, #tpu.memory_space<hbm>> -> memref<1024x8xf32, #tpu.memory_space<hbm>>
        %dma_start3A_44 = arith.constant 0 : i32
        %dma_start3A_45 = tpu.memref_slice %arg3[%mul3A_41, %dma_start3A_44] : memref<131072x8xf32, #tpu.memory_space<hbm>> -> memref<1024x8xf32, #tpu.memory_space<hbm>>
        tpu.enqueue_dma source(%arg5 : memref<1024x8xf32, #tpu.memory_space<vmem>>) target(%dma_start3A_45 : memref<1024x8xf32, #tpu.memory_space<hbm>>) target_semaphore(%run_scoped3A : memref<!tpu.dma_semaphore, #tpu.memory_space<semaphore_mem>>)
        %dma_wait3A = arith.constant 0 : i32
        %dma_wait3A_46 = tpu.memref_slice %arg3[%mul3A_41, %dma_wait3A] : memref<131072x8xf32, #tpu.memory_space<hbm>> -> memref<1024x8xf32, #tpu.memory_space<hbm>>
        %dma_wait3A_47 = arith.constant 0 : i32
        %dma_wait3A_48 = tpu.memref_slice %arg3[%mul3A_41, %dma_wait3A_47] : memref<131072x8xf32, #tpu.memory_space<hbm>> -> memref<1024x8xf32, #tpu.memory_space<hbm>>
        tpu.wait_dma2 semaphore(%run_scoped3A : memref<!tpu.dma_semaphore, #tpu.memory_space<semaphore_mem>>) src(%arg5 : memref<1024x8xf32, #tpu.memory_space<vmem>>) dst(%dma_wait3A_48 : memref<1024x8xf32, #tpu.memory_space<hbm>>)
        tpu.yield
      }) : () -> ()
      %scan3A_42 = arith.constant 0 : i32
      scf.yield %scan3A_42 : i32
    }
    %scan3A_27 = arith.constant 4 : i32
    return
  }
}

#map = affine_map<(d0, d1) -> (0, 0)>
#map1 = affine_map<(d0, d1) -> (0)>
#map2 = affine_map<(d0, d1) -> (0, 0, 0)>
module attributes {stable_mosaic.version = 14 : i64} {
  func.func @_sc_body(%arg0: i32, %arg1: i32, %arg2: memref<131072x8xf32, #tpu.memory_space<hbm>>, %arg3: memref<2949120xf32, #tpu.memory_space<hbm>>, %arg4: memref<2949120xi32, #tpu.memory_space<hbm>>, %arg5: memref<2949120xi32, #tpu.memory_space<hbm>>, %arg6: memref<2x46080x8xf32, #tpu.memory_space<hbm>>, %arg7: memref<3840xi32, #tpu.memory_space<vmem>>, %arg8: memref<3840xi32, #tpu.memory_space<vmem>>, %arg9: memref<3840xi32, #tpu.memory_space<vmem>>, %arg10: memref<3840xi32, #tpu.memory_space<vmem>>, %arg11: memref<3840xf32, #tpu.memory_space<vmem>>, %arg12: memref<3840xf32, #tpu.memory_space<vmem>>, %arg13: memref<3840xi32, #tpu.memory_space<vmem>>, %arg14: memref<3840xi32, #tpu.memory_space<vmem>>, %arg15: memref<3840x8xf32, #tpu.memory_space<vmem>>, %arg16: memref<3840x8xf32, #tpu.memory_space<vmem>>, %arg17: memref<46080x8xf32, #tpu.memory_space<vmem_shared>>, %arg18: memref<!tpu.dma_semaphore, #tpu.memory_space<semaphore_mem>>, %arg19: memref<!tpu.dma_semaphore, #tpu.memory_space<semaphore_mem>>) attributes {dimension_semantics = [#tpu.dimension_semantics<core_parallel>, #tpu.dimension_semantics<subcore_parallel>], iteration_bounds = array<i64: 2, 16>, scalar_prefetch = 0 : i64, scratch_operands = 13 : i64, tpu.core_type = #tpu.core_type<sc_vector_subcore>, window_params = [{transform_indices = #map}, {transform_indices = #map1}, {transform_indices = #map1}, {transform_indices = #map1}, {transform_indices = #map2}]} {
    %mul3A = arith.constant 16 : i32
    %mul3A_0 = arith.muli %arg0, %mul3A : i32
    %add3A = arith.addi %mul3A_0, %arg1 : i32
    %mul3A_1 = arith.constant 92160 : i32
    %mul3A_2 = arith.muli %add3A, %mul3A_1 : i32
    %iota3A = tpu.iota {dimensions = array<i32: 0>} : vector<16xi32>
    %broadcast_in_dim3A = arith.constant 0.000000e+00 : f32
    %broadcast_in_dim3A_3 = vector.broadcast %broadcast_in_dim3A : f32 to vector<16xf32>
    %shift_right_logical3A = arith.constant 3 : i32
    %shift_right_logical3A_4 = vector.broadcast %shift_right_logical3A : i32 to vector<16xi32>
    %shift_right_logical3A_5 = arith.shrui %iota3A, %shift_right_logical3A_4 : vector<16xi32>
    %and3A = arith.constant 7 : i32
    %and3A_6 = vector.broadcast %and3A : i32 to vector<16xi32>
    %and3A_7 = arith.andi %iota3A, %and3A_6 : vector<16xi32>
    %parallel_loop3A = arith.constant 0 : i32
    %parallel_loop3A_8 = arith.constant 1920 : i32
    %parallel_loop3A_9 = arith.constant 1 : i32
    scf.for %parallel_loop3A_46 = %parallel_loop3A to %parallel_loop3A_8 step %parallel_loop3A_9  : i32 {
      %parallel_loop3A_47 = arith.constant 2 : i32
      %parallel_loop3A_48 = arith.muli %parallel_loop3A_46, %parallel_loop3A_47 : i32
      %parallel_loop3A_49 = vector.broadcast %parallel_loop3A_48 : i32 to vector<16xi32>
      %parallel_loop3A_50 = arith.addi %parallel_loop3A_49, %shift_right_logical3A_5 : vector<16xi32>
      tpu.vector_store_idx %arg16[%parallel_loop3A_50, %and3A_7], %broadcast_in_dim3A_3 : memref<3840x8xf32, #tpu.memory_space<vmem>>[vector<16xi32>, vector<16xi32>], vector<16xf32>,
    } {sc.loop_unroll_factor = 8 : i64, sc.parallel_access}
    %mul3A_10 = arith.constant 2880 : i32
    %mul3A_11 = arith.muli %arg1, %mul3A_10 : i32
    "tpu.region"() ({
      %run_scoped3A = tpu.sem_alloc : memref<!tpu.dma_semaphore, #tpu.memory_space<semaphore_mem>>
      %dma_start3A_46 = arith.constant 0 : i32
      %dma_start3A_47 = arith.constant 0 : i32
      %dma_start3A_48 = tpu.memref_slice %arg16[%dma_start3A_46, %dma_start3A_47] : memref<3840x8xf32, #tpu.memory_space<vmem>> -> memref<2880x8xf32, #tpu.memory_space<vmem>>
      %dma_start3A_49 = arith.constant 0 : i32
      %dma_start3A_50 = tpu.memref_slice %arg17[%mul3A_11, %dma_start3A_49] : memref<46080x8xf32, #tpu.memory_space<vmem_shared>> -> memref<2880x8xf32, #tpu.memory_space<vmem_shared>>
      %dma_start3A_51 = arith.constant 0 : i32
      %dma_start3A_52 = tpu.memref_slice %arg17[%mul3A_11, %dma_start3A_51] : memref<46080x8xf32, #tpu.memory_space<vmem_shared>> -> memref<2880x8xf32, #tpu.memory_space<vmem_shared>>
      %dma_start3A_53 = arith.constant 0 : i32
      %dma_start3A_54 = arith.constant 0 : i32
      %dma_start3A_55 = tpu.memref_slice %arg16[%dma_start3A_53, %dma_start3A_54] : memref<3840x8xf32, #tpu.memory_space<vmem>> -> memref<2880x8xf32, #tpu.memory_space<vmem>>
      tpu.enqueue_dma source(%dma_start3A_55 : memref<2880x8xf32, #tpu.memory_space<vmem>>) target(%dma_start3A_52 : memref<2880x8xf32, #tpu.memory_space<vmem_shared>>) target_semaphore(%run_scoped3A : memref<!tpu.dma_semaphore, #tpu.memory_space<semaphore_mem>>)
      %dma_wait3A = arith.constant 0 : i32
      %dma_wait3A_56 = arith.constant 0 : i32
      %dma_wait3A_57 = tpu.memref_slice %arg16[%dma_wait3A, %dma_wait3A_56] : memref<3840x8xf32, #tpu.memory_space<vmem>> -> memref<2880x8xf32, #tpu.memory_space<vmem>>
      %dma_wait3A_58 = arith.constant 0 : i32
      %dma_wait3A_59 = tpu.memref_slice %arg17[%mul3A_11, %dma_wait3A_58] : memref<46080x8xf32, #tpu.memory_space<vmem_shared>> -> memref<2880x8xf32, #tpu.memory_space<vmem_shared>>
      %dma_wait3A_60 = arith.constant 0 : i32
      %dma_wait3A_61 = tpu.memref_slice %arg17[%mul3A_11, %dma_wait3A_60] : memref<46080x8xf32, #tpu.memory_space<vmem_shared>> -> memref<2880x8xf32, #tpu.memory_space<vmem_shared>>
      %dma_wait3A_62 = arith.constant 0 : i32
      %dma_wait3A_63 = arith.constant 0 : i32
      %dma_wait3A_64 = tpu.memref_slice %arg16[%dma_wait3A_62, %dma_wait3A_63] : memref<3840x8xf32, #tpu.memory_space<vmem>> -> memref<2880x8xf32, #tpu.memory_space<vmem>>
      tpu.wait_dma2 semaphore(%run_scoped3A : memref<!tpu.dma_semaphore, #tpu.memory_space<semaphore_mem>>) src(%dma_wait3A_64 : memref<2880x8xf32, #tpu.memory_space<vmem>>) dst(%dma_wait3A_61 : memref<2880x8xf32, #tpu.memory_space<vmem_shared>>)
      tpu.yield
    }) : () -> ()
    %barrier3A = arith.constant 0 : index
    tpu.barrier barrier_id(%barrier3A)
    %broadcast_in_dim3A_12 = arith.constant 0 : i32
    %broadcast_in_dim3A_13 = vector.broadcast %broadcast_in_dim3A_12 : i32 to vector<16xi32>
    %broadcast_in_dim3A_14 = arith.constant 1 : i32
    %broadcast_in_dim3A_15 = vector.broadcast %broadcast_in_dim3A_14 : i32 to vector<16xi32>
    %broadcast_in_dim3A_16 = arith.constant 2 : i32
    %broadcast_in_dim3A_17 = vector.broadcast %broadcast_in_dim3A_16 : i32 to vector<16xi32>
    %broadcast_in_dim3A_18 = arith.constant 3 : i32
    %broadcast_in_dim3A_19 = vector.broadcast %broadcast_in_dim3A_18 : i32 to vector<16xi32>
    %add3A_20 = arith.constant 0 : i32
    %add3A_21 = arith.addi %mul3A_2, %add3A_20 : i32
    %dma_start3A = tpu.memref_slice %arg5[%add3A_21] : memref<2949120xi32, #tpu.memory_space<hbm>> -> memref<3840xi32, #tpu.memory_space<hbm>>
    %dma_start3A_22 = tpu.memref_slice %arg5[%add3A_21] : memref<2949120xi32, #tpu.memory_space<hbm>> -> memref<3840xi32, #tpu.memory_space<hbm>>
    tpu.enqueue_dma source(%dma_start3A_22 : memref<3840xi32, #tpu.memory_space<hbm>>) target(%arg7 : memref<3840xi32, #tpu.memory_space<vmem>>) target_semaphore(%arg18 : memref<!tpu.dma_semaphore, #tpu.memory_space<semaphore_mem>>)
    %dma_start3A_23 = tpu.memref_slice %arg3[%add3A_21] : memref<2949120xf32, #tpu.memory_space<hbm>> -> memref<3840xf32, #tpu.memory_space<hbm>>
    %dma_start3A_24 = tpu.memref_slice %arg3[%add3A_21] : memref<2949120xf32, #tpu.memory_space<hbm>> -> memref<3840xf32, #tpu.memory_space<hbm>>
    tpu.enqueue_dma source(%dma_start3A_24 : memref<3840xf32, #tpu.memory_space<hbm>>) target(%arg11 : memref<3840xf32, #tpu.memory_space<vmem>>) target_semaphore(%arg18 : memref<!tpu.dma_semaphore, #tpu.memory_space<semaphore_mem>>)
    %dma_start3A_25 = tpu.memref_slice %arg4[%add3A_21] : memref<2949120xi32, #tpu.memory_space<hbm>> -> memref<3840xi32, #tpu.memory_space<hbm>>
    %dma_start3A_26 = tpu.memref_slice %arg4[%add3A_21] : memref<2949120xi32, #tpu.memory_space<hbm>> -> memref<3840xi32, #tpu.memory_space<hbm>>
    tpu.enqueue_dma source(%dma_start3A_26 : memref<3840xi32, #tpu.memory_space<hbm>>) target(%arg9 : memref<3840xi32, #tpu.memory_space<vmem>>) target_semaphore(%arg18 : memref<!tpu.dma_semaphore, #tpu.memory_space<semaphore_mem>>)
    %scan3A = arith.constant 0 : i32
    %scan3A_27 = arith.constant 0 : i32
    %scan3A_28 = arith.constant 12 : i32
    %scan3A_29 = arith.addi %scan3A_27, %scan3A_28 : i32
    %scan3A_30 = arith.constant 1 : i32
    %scan3A_31 = scf.for %scan3A_46 = %scan3A_27 to %scan3A_29 step %scan3A_30 iter_args(%scan3A_47 = %scan3A) -> (i32)  : i32 {
      %mul3A_48 = arith.constant 2 : i32
      %mul3A_49 = arith.muli %mul3A_48, %scan3A_46 : i32
      %add3A_50 = arith.constant 0 : i32
      %add3A_51 = arith.addi %mul3A_49, %add3A_50 : i32
      %mul3A_52 = arith.constant 3840 : i32
      %mul3A_53 = arith.muli %add3A_51, %mul3A_52 : i32
      %add3A_54 = arith.addi %mul3A_2, %mul3A_53 : i32
      %dma_wait3A = tpu.memref_slice %arg5[%add3A_54] : memref<2949120xi32, #tpu.memory_space<hbm>> -> memref<3840xi32, #tpu.memory_space<hbm>>
      %dma_wait3A_55 = tpu.memref_slice %arg5[%add3A_54] : memref<2949120xi32, #tpu.memory_space<hbm>> -> memref<3840xi32, #tpu.memory_space<hbm>>
      tpu.wait_dma2 semaphore(%arg18 : memref<!tpu.dma_semaphore, #tpu.memory_space<semaphore_mem>>) src(%dma_wait3A_55 : memref<3840xi32, #tpu.memory_space<hbm>>) dst(%arg7 : memref<3840xi32, #tpu.memory_space<vmem>>)
      %dma_wait3A_56 = tpu.memref_slice %arg3[%add3A_54] : memref<2949120xf32, #tpu.memory_space<hbm>> -> memref<3840xf32, #tpu.memory_space<hbm>>
      %dma_wait3A_57 = tpu.memref_slice %arg3[%add3A_54] : memref<2949120xf32, #tpu.memory_space<hbm>> -> memref<3840xf32, #tpu.memory_space<hbm>>
      tpu.wait_dma2 semaphore(%arg18 : memref<!tpu.dma_semaphore, #tpu.memory_space<semaphore_mem>>) src(%dma_wait3A_57 : memref<3840xf32, #tpu.memory_space<hbm>>) dst(%arg11 : memref<3840xf32, #tpu.memory_space<vmem>>)
      %dma_wait3A_58 = tpu.memref_slice %arg4[%add3A_54] : memref<2949120xi32, #tpu.memory_space<hbm>> -> memref<3840xi32, #tpu.memory_space<hbm>>
      %dma_wait3A_59 = tpu.memref_slice %arg4[%add3A_54] : memref<2949120xi32, #tpu.memory_space<hbm>> -> memref<3840xi32, #tpu.memory_space<hbm>>
      tpu.wait_dma2 semaphore(%arg18 : memref<!tpu.dma_semaphore, #tpu.memory_space<semaphore_mem>>) src(%dma_wait3A_59 : memref<3840xi32, #tpu.memory_space<hbm>>) dst(%arg9 : memref<3840xi32, #tpu.memory_space<vmem>>)
      %parallel_loop3A_60 = arith.constant 0 : i32
      %parallel_loop3A_61 = arith.constant 240 : i32
      %parallel_loop3A_62 = arith.constant 1 : i32
      scf.for %parallel_loop3A_99 = %parallel_loop3A_60 to %parallel_loop3A_61 step %parallel_loop3A_62  : i32 {
        %parallel_loop3A_100 = arith.constant 16 : i32
        %parallel_loop3A_101 = arith.muli %parallel_loop3A_99, %parallel_loop3A_100 : i32
        %parallel_loop3A_102 = arith.index_cast %parallel_loop3A_101 : i32 to index
        %parallel_loop3A_103 = tpu.vector_load %arg7[%parallel_loop3A_102] {strides = array<i32>} : memref<3840xi32, #tpu.memory_space<vmem>>, vector<16xi32>,
        %parallel_loop3A_104 = arith.constant 1 : i32
        %parallel_loop3A_105 = vector.broadcast %parallel_loop3A_104 : i32 to vector<16xi32>
        %parallel_loop3A_106 = arith.shrui %parallel_loop3A_103, %parallel_loop3A_105 : vector<16xi32>
        %parallel_loop3A_107 = arith.index_cast %parallel_loop3A_101 : i32 to index
        %parallel_loop3A_108 = tpu.vector_load %arg13[%parallel_loop3A_107] {strides = array<i32>} : memref<3840xi32, #tpu.memory_space<vmem>>, vector<16xi32>,
        tpu.vector_store %arg13[%parallel_loop3A_107], %parallel_loop3A_106 {strides = array<i32>} : memref<3840xi32, #tpu.memory_space<vmem>>, vector<16xi32>,
        %parallel_loop3A_109 = arith.index_cast %parallel_loop3A_101 : i32 to index
        %parallel_loop3A_110 = tpu.vector_load %arg9[%parallel_loop3A_109] {strides = array<i32>} : memref<3840xi32, #tpu.memory_space<vmem>>, vector<16xi32>,
        %parallel_loop3A_111 = arith.constant 1 : i32
        %parallel_loop3A_112 = vector.broadcast %parallel_loop3A_111 : i32 to vector<16xi32>
        %parallel_loop3A_113 = arith.shrui %parallel_loop3A_110, %parallel_loop3A_112 : vector<16xi32>
        %parallel_loop3A_114 = arith.index_cast %parallel_loop3A_101 : i32 to index
        %parallel_loop3A_115 = tpu.vector_load %arg14[%parallel_loop3A_114] {strides = array<i32>} : memref<3840xi32, #tpu.memory_space<vmem>>, vector<16xi32>,
        tpu.vector_store %arg14[%parallel_loop3A_114], %parallel_loop3A_113 {strides = array<i32>} : memref<3840xi32, #tpu.memory_space<vmem>>, vector<16xi32>,
      } {sc.loop_unroll_factor = 8 : i64, sc.parallel_access}
      %add3A_63 = arith.constant 1 : i32
      %add3A_64 = arith.addi %add3A_51, %add3A_63 : i32
      %mul3A_65 = arith.constant 3840 : i32
      %mul3A_66 = arith.muli %add3A_64, %mul3A_65 : i32
      %add3A_67 = arith.addi %mul3A_2, %mul3A_66 : i32
      %dma_start3A_68 = tpu.memref_slice %arg5[%add3A_67] : memref<2949120xi32, #tpu.memory_space<hbm>> -> memref<3840xi32, #tpu.memory_space<hbm>>
      %dma_start3A_69 = tpu.memref_slice %arg5[%add3A_67] : memref<2949120xi32, #tpu.memory_space<hbm>> -> memref<3840xi32, #tpu.memory_space<hbm>>
      tpu.enqueue_dma source(%dma_start3A_69 : memref<3840xi32, #tpu.memory_space<hbm>>) target(%arg8 : memref<3840xi32, #tpu.memory_space<vmem>>) target_semaphore(%arg19 : memref<!tpu.dma_semaphore, #tpu.memory_space<semaphore_mem>>)
      %dma_start3A_70 = tpu.memref_slice %arg3[%add3A_67] : memref<2949120xf32, #tpu.memory_space<hbm>> -> memref<3840xf32, #tpu.memory_space<hbm>>
      %dma_start3A_71 = tpu.memref_slice %arg3[%add3A_67] : memref<2949120xf32, #tpu.memory_space<hbm>> -> memref<3840xf32, #tpu.memory_space<hbm>>
      tpu.enqueue_dma source(%dma_start3A_71 : memref<3840xf32, #tpu.memory_space<hbm>>) target(%arg12 : memref<3840xf32, #tpu.memory_space<vmem>>) target_semaphore(%arg19 : memref<!tpu.dma_semaphore, #tpu.memory_space<semaphore_mem>>)
      %dma_start3A_72 = tpu.memref_slice %arg4[%add3A_67] : memref<2949120xi32, #tpu.memory_space<hbm>> -> memref<3840xi32, #tpu.memory_space<hbm>>
      %dma_start3A_73 = tpu.memref_slice %arg4[%add3A_67] : memref<2949120xi32, #tpu.memory_space<hbm>> -> memref<3840xi32, #tpu.memory_space<hbm>>
      tpu.enqueue_dma source(%dma_start3A_73 : memref<3840xi32, #tpu.memory_space<hbm>>) target(%arg10 : memref<3840xi32, #tpu.memory_space<vmem>>) target_semaphore(%arg19 : memref<!tpu.dma_semaphore, #tpu.memory_space<semaphore_mem>>)
      "tpu.region"() ({
        %run_scoped3A = tpu.sem_alloc : memref<!tpu.dma_semaphore, #tpu.memory_space<semaphore_mem>>
        %dma_start3A_99 = arith.constant 0 : i32
        %dma_start3A_100 = arith.constant 0 : i32
        %dma_start3A_101 = tpu.memref_slice %arg2[%dma_start3A_99, %dma_start3A_100] : memref<131072x8xf32, #tpu.memory_space<hbm>> -> memref<131072x8xf32, #tpu.memory_space<hbm>>
        tpu.enqueue_indirect_dma source(%dma_start3A_101 : memref<131072x8xf32, #tpu.memory_space<hbm>>) target(%arg15 : memref<3840x8xf32, #tpu.memory_space<vmem>>) offsets(%arg13 : memref<3840xi32, #tpu.memory_space<vmem>>) semaphore(%run_scoped3A : memref<!tpu.dma_semaphore, #tpu.memory_space<semaphore_mem>>)
        %dma_wait3A_102 = arith.constant 0 : i32
        %dma_wait3A_103 = arith.constant 0 : i32
        %dma_wait3A_104 = tpu.memref_slice %arg2[%dma_wait3A_102, %dma_wait3A_103] : memref<131072x8xf32, #tpu.memory_space<hbm>> -> memref<131072x8xf32, #tpu.memory_space<hbm>>
        tpu.wait_indirect_dma semaphore(%run_scoped3A : memref<!tpu.dma_semaphore, #tpu.memory_space<semaphore_mem>>) src(%dma_wait3A_104 : memref<131072x8xf32, #tpu.memory_space<hbm>>) dst(%arg15 : memref<3840x8xf32, #tpu.memory_space<vmem>>)
        tpu.yield
      }) : () -> ()
      %parallel_loop3A_74 = arith.constant 0 : i32
      %parallel_loop3A_75 = arith.constant 240 : i32
      %parallel_loop3A_76 = arith.constant 1 : i32
      scf.for %parallel_loop3A_99 = %parallel_loop3A_74 to %parallel_loop3A_75 step %parallel_loop3A_76  : i32 {
        %parallel_loop3A_100 = arith.constant 16 : i32
        %parallel_loop3A_101 = arith.muli %parallel_loop3A_99, %parallel_loop3A_100 : i32
        %parallel_loop3A_102 = vector.broadcast %parallel_loop3A_101 : i32 to vector<16xi32>
        %parallel_loop3A_103 = arith.addi %iota3A, %parallel_loop3A_102 : vector<16xi32>
        %parallel_loop3A_104 = arith.index_cast %parallel_loop3A_101 : i32 to index
        %parallel_loop3A_105 = tpu.vector_load %arg11[%parallel_loop3A_104] {strides = array<i32>} : memref<3840xf32, #tpu.memory_space<vmem>>, vector<16xf32>,
        %parallel_loop3A_106 = arith.index_cast %parallel_loop3A_101 : i32 to index
        %parallel_loop3A_107 = tpu.vector_load %arg7[%parallel_loop3A_106] {strides = array<i32>} : memref<3840xi32, #tpu.memory_space<vmem>>, vector<16xi32>,
        %parallel_loop3A_108 = arith.constant 1 : i32
        %parallel_loop3A_109 = vector.broadcast %parallel_loop3A_108 : i32 to vector<16xi32>
        %parallel_loop3A_110 = arith.andi %parallel_loop3A_107, %parallel_loop3A_109 : vector<16xi32>
        %parallel_loop3A_111 = arith.constant 2 : i32
        %parallel_loop3A_112 = vector.broadcast %parallel_loop3A_111 : i32 to vector<16xi32>
        %parallel_loop3A_113 = arith.shli %parallel_loop3A_110, %parallel_loop3A_112 : vector<16xi32>
        %parallel_loop3A_114 = arith.index_cast %parallel_loop3A_101 : i32 to index
        %parallel_loop3A_115 = tpu.vector_load %arg9[%parallel_loop3A_114] {strides = array<i32>} : memref<3840xi32, #tpu.memory_space<vmem>>, vector<16xi32>,
        %parallel_loop3A_116 = arith.constant 1 : i32
        %parallel_loop3A_117 = vector.broadcast %parallel_loop3A_116 : i32 to vector<16xi32>
        %parallel_loop3A_118 = arith.andi %parallel_loop3A_115, %parallel_loop3A_117 : vector<16xi32>
        %parallel_loop3A_119 = arith.constant 2 : i32
        %parallel_loop3A_120 = vector.broadcast %parallel_loop3A_119 : i32 to vector<16xi32>
        %parallel_loop3A_121 = arith.shli %parallel_loop3A_118, %parallel_loop3A_120 : vector<16xi32>
        %parallel_loop3A_122 = arith.constant 4 : i32
        %parallel_loop3A_123 = vector.broadcast %parallel_loop3A_122 : i32 to vector<16xi32>
        %parallel_loop3A_124 = arith.xori %parallel_loop3A_121, %parallel_loop3A_123 : vector<16xi32>
        %parallel_loop3A_125 = arith.addi %parallel_loop3A_113, %broadcast_in_dim3A_13 : vector<16xi32>
        %parallel_loop3A_126 = tpu.vector_load_idx %arg15[%parallel_loop3A_103, %parallel_loop3A_125] : memref<3840x8xf32, #tpu.memory_space<vmem>>[vector<16xi32>, vector<16xi32>], vector<16xf32>,
        %parallel_loop3A_127 = arith.addi %parallel_loop3A_121, %broadcast_in_dim3A_13 : vector<16xi32>
        %parallel_loop3A_128 = arith.mulf %parallel_loop3A_105, %parallel_loop3A_126 : vector<16xf32>
        tpu.vector_store_idx %arg16[%parallel_loop3A_103, %parallel_loop3A_127], %parallel_loop3A_128 : memref<3840x8xf32, #tpu.memory_space<vmem>>[vector<16xi32>, vector<16xi32>], vector<16xf32>,
        %parallel_loop3A_129 = arith.addi %parallel_loop3A_124, %broadcast_in_dim3A_13 : vector<16xi32>
        tpu.vector_store_idx %arg16[%parallel_loop3A_103, %parallel_loop3A_129], %broadcast_in_dim3A_3 : memref<3840x8xf32, #tpu.memory_space<vmem>>[vector<16xi32>, vector<16xi32>], vector<16xf32>,
        %parallel_loop3A_130 = arith.addi %parallel_loop3A_113, %broadcast_in_dim3A_15 : vector<16xi32>
        %parallel_loop3A_131 = tpu.vector_load_idx %arg15[%parallel_loop3A_103, %parallel_loop3A_130] : memref<3840x8xf32, #tpu.memory_space<vmem>>[vector<16xi32>, vector<16xi32>], vector<16xf32>,
        %parallel_loop3A_132 = arith.addi %parallel_loop3A_121, %broadcast_in_dim3A_15 : vector<16xi32>
        %parallel_loop3A_133 = arith.mulf %parallel_loop3A_105, %parallel_loop3A_131 : vector<16xf32>
        tpu.vector_store_idx %arg16[%parallel_loop3A_103, %parallel_loop3A_132], %parallel_loop3A_133 : memref<3840x8xf32, #tpu.memory_space<vmem>>[vector<16xi32>, vector<16xi32>], vector<16xf32>,
        %parallel_loop3A_134 = arith.addi %parallel_loop3A_124, %broadcast_in_dim3A_15 : vector<16xi32>
        tpu.vector_store_idx %arg16[%parallel_loop3A_103, %parallel_loop3A_134], %broadcast_in_dim3A_3 : memref<3840x8xf32, #tpu.memory_space<vmem>>[vector<16xi32>, vector<16xi32>], vector<16xf32>,
        %parallel_loop3A_135 = arith.addi %parallel_loop3A_113, %broadcast_in_dim3A_17 : vector<16xi32>
        %parallel_loop3A_136 = tpu.vector_load_idx %arg15[%parallel_loop3A_103, %parallel_loop3A_135] : memref<3840x8xf32, #tpu.memory_space<vmem>>[vector<16xi32>, vector<16xi32>], vector<16xf32>,
        %parallel_loop3A_137 = arith.addi %parallel_loop3A_121, %broadcast_in_dim3A_17 : vector<16xi32>
        %parallel_loop3A_138 = arith.mulf %parallel_loop3A_105, %parallel_loop3A_136 : vector<16xf32>
        tpu.vector_store_idx %arg16[%parallel_loop3A_103, %parallel_loop3A_137], %parallel_loop3A_138 : memref<3840x8xf32, #tpu.memory_space<vmem>>[vector<16xi32>, vector<16xi32>], vector<16xf32>,
        %parallel_loop3A_139 = arith.addi %parallel_loop3A_124, %broadcast_in_dim3A_17 : vector<16xi32>
        tpu.vector_store_idx %arg16[%parallel_loop3A_103, %parallel_loop3A_139], %broadcast_in_dim3A_3 : memref<3840x8xf32, #tpu.memory_space<vmem>>[vector<16xi32>, vector<16xi32>], vector<16xf32>,
        %parallel_loop3A_140 = arith.addi %parallel_loop3A_113, %broadcast_in_dim3A_19 : vector<16xi32>
        %parallel_loop3A_141 = tpu.vector_load_idx %arg15[%parallel_loop3A_103, %parallel_loop3A_140] : memref<3840x8xf32, #tpu.memory_space<vmem>>[vector<16xi32>, vector<16xi32>], vector<16xf32>,
        %parallel_loop3A_142 = arith.addi %parallel_loop3A_121, %broadcast_in_dim3A_19 : vector<16xi32>
        %parallel_loop3A_143 = arith.mulf %parallel_loop3A_105, %parallel_loop3A_141 : vector<16xf32>
        tpu.vector_store_idx %arg16[%parallel_loop3A_103, %parallel_loop3A_142], %parallel_loop3A_143 : memref<3840x8xf32, #tpu.memory_space<vmem>>[vector<16xi32>, vector<16xi32>], vector<16xf32>,
        %parallel_loop3A_144 = arith.addi %parallel_loop3A_124, %broadcast_in_dim3A_19 : vector<16xi32>
        tpu.vector_store_idx %arg16[%parallel_loop3A_103, %parallel_loop3A_144], %broadcast_in_dim3A_3 : memref<3840x8xf32, #tpu.memory_space<vmem>>[vector<16xi32>, vector<16xi32>], vector<16xf32>,
      } {sc.loop_unroll_factor = 4 : i64, sc.parallel_access}
      "tpu.region"() ({
        %run_scoped3A = tpu.sem_alloc : memref<!tpu.dma_semaphore, #tpu.memory_space<semaphore_mem>>
        %dma_start3A_99 = arith.constant 0 : i32
        %dma_start3A_100 = arith.constant 0 : i32
        %dma_start3A_101 = tpu.memref_slice %arg17[%dma_start3A_99, %dma_start3A_100] : memref<46080x8xf32, #tpu.memory_space<vmem_shared>> -> memref<46080x8xf32, #tpu.memory_space<vmem_shared>>
        tpu.enqueue_indirect_dma source(%arg16 : memref<3840x8xf32, #tpu.memory_space<vmem>>) target(%dma_start3A_101 : memref<46080x8xf32, #tpu.memory_space<vmem_shared>>) offsets(%arg14 : memref<3840xi32, #tpu.memory_space<vmem>>) semaphore(%run_scoped3A : memref<!tpu.dma_semaphore, #tpu.memory_space<semaphore_mem>>) {add = true}
        %dma_wait3A_102 = arith.constant 0 : i32
        %dma_wait3A_103 = arith.constant 0 : i32
        %dma_wait3A_104 = tpu.memref_slice %arg17[%dma_wait3A_102, %dma_wait3A_103] : memref<46080x8xf32, #tpu.memory_space<vmem_shared>> -> memref<46080x8xf32, #tpu.memory_space<vmem_shared>>
        tpu.wait_indirect_dma semaphore(%run_scoped3A : memref<!tpu.dma_semaphore, #tpu.memory_space<semaphore_mem>>) src(%arg16 : memref<3840x8xf32, #tpu.memory_space<vmem>>) dst(%dma_wait3A_104 : memref<46080x8xf32, #tpu.memory_space<vmem_shared>>)
        tpu.yield
      }) : () -> ()
      %mul3A_77 = arith.constant 2 : i32
      %mul3A_78 = arith.muli %mul3A_77, %scan3A_46 : i32
      %add3A_79 = arith.constant 1 : i32
      %add3A_80 = arith.addi %mul3A_78, %add3A_79 : i32
      %mul3A_81 = arith.constant 3840 : i32
      %mul3A_82 = arith.muli %add3A_80, %mul3A_81 : i32
      %add3A_83 = arith.addi %mul3A_2, %mul3A_82 : i32
      %dma_wait3A_84 = tpu.memref_slice %arg5[%add3A_83] : memref<2949120xi32, #tpu.memory_space<hbm>> -> memref<3840xi32, #tpu.memory_space<hbm>>
      %dma_wait3A_85 = tpu.memref_slice %arg5[%add3A_83] : memref<2949120xi32, #tpu.memory_space<hbm>> -> memref<3840xi32, #tpu.memory_space<hbm>>
      tpu.wait_dma2 semaphore(%arg19 : memref<!tpu.dma_semaphore, #tpu.memory_space<semaphore_mem>>) src(%dma_wait3A_85 : memref<3840xi32, #tpu.memory_space<hbm>>) dst(%arg8 : memref<3840xi32, #tpu.memory_space<vmem>>)
      %dma_wait3A_86 = tpu.memref_slice %arg3[%add3A_83] : memref<2949120xf32, #tpu.memory_space<hbm>> -> memref<3840xf32, #tpu.memory_space<hbm>>
      %dma_wait3A_87 = tpu.memref_slice %arg3[%add3A_83] : memref<2949120xf32, #tpu.memory_space<hbm>> -> memref<3840xf32, #tpu.memory_space<hbm>>
      tpu.wait_dma2 semaphore(%arg19 : memref<!tpu.dma_semaphore, #tpu.memory_space<semaphore_mem>>) src(%dma_wait3A_87 : memref<3840xf32, #tpu.memory_space<hbm>>) dst(%arg12 : memref<3840xf32, #tpu.memory_space<vmem>>)
      %dma_wait3A_88 = tpu.memref_slice %arg4[%add3A_83] : memref<2949120xi32, #tpu.memory_space<hbm>> -> memref<3840xi32, #tpu.memory_space<hbm>>
      %dma_wait3A_89 = tpu.memref_slice %arg4[%add3A_83] : memref<2949120xi32, #tpu.memory_space<hbm>> -> memref<3840xi32, #tpu.memory_space<hbm>>
      tpu.wait_dma2 semaphore(%arg19 : memref<!tpu.dma_semaphore, #tpu.memory_space<semaphore_mem>>) src(%dma_wait3A_89 : memref<3840xi32, #tpu.memory_space<hbm>>) dst(%arg10 : memref<3840xi32, #tpu.memory_space<vmem>>)
      %parallel_loop3A_90 = arith.constant 0 : i32
      %parallel_loop3A_91 = arith.constant 240 : i32
      %parallel_loop3A_92 = arith.constant 1 : i32
      scf.for %parallel_loop3A_99 = %parallel_loop3A_90 to %parallel_loop3A_91 step %parallel_loop3A_92  : i32 {
        %parallel_loop3A_100 = arith.constant 16 : i32
        %parallel_loop3A_101 = arith.muli %parallel_loop3A_99, %parallel_loop3A_100 : i32
        %parallel_loop3A_102 = arith.index_cast %parallel_loop3A_101 : i32 to index
        %parallel_loop3A_103 = tpu.vector_load %arg8[%parallel_loop3A_102] {strides = array<i32>} : memref<3840xi32, #tpu.memory_space<vmem>>, vector<16xi32>,
        %parallel_loop3A_104 = arith.constant 1 : i32
        %parallel_loop3A_105 = vector.broadcast %parallel_loop3A_104 : i32 to vector<16xi32>
        %parallel_loop3A_106 = arith.shrui %parallel_loop3A_103, %parallel_loop3A_105 : vector<16xi32>
        %parallel_loop3A_107 = arith.index_cast %parallel_loop3A_101 : i32 to index
        %parallel_loop3A_108 = tpu.vector_load %arg13[%parallel_loop3A_107] {strides = array<i32>} : memref<3840xi32, #tpu.memory_space<vmem>>, vector<16xi32>,
        tpu.vector_store %arg13[%parallel_loop3A_107], %parallel_loop3A_106 {strides = array<i32>} : memref<3840xi32, #tpu.memory_space<vmem>>, vector<16xi32>,
        %parallel_loop3A_109 = arith.index_cast %parallel_loop3A_101 : i32 to index
        %parallel_loop3A_110 = tpu.vector_load %arg10[%parallel_loop3A_109] {strides = array<i32>} : memref<3840xi32, #tpu.memory_space<vmem>>, vector<16xi32>,
        %parallel_loop3A_111 = arith.constant 1 : i32
        %parallel_loop3A_112 = vector.broadcast %parallel_loop3A_111 : i32 to vector<16xi32>
        %parallel_loop3A_113 = arith.shrui %parallel_loop3A_110, %parallel_loop3A_112 : vector<16xi32>
        %parallel_loop3A_114 = arith.index_cast %parallel_loop3A_101 : i32 to index
        %parallel_loop3A_115 = tpu.vector_load %arg14[%parallel_loop3A_114] {strides = array<i32>} : memref<3840xi32, #tpu.memory_space<vmem>>, vector<16xi32>,
        tpu.vector_store %arg14[%parallel_loop3A_114], %parallel_loop3A_113 {strides = array<i32>} : memref<3840xi32, #tpu.memory_space<vmem>>, vector<16xi32>,
      } {sc.loop_unroll_factor = 8 : i64, sc.parallel_access}
      %lt3A = arith.constant 11 : i32
      %lt3A_93 = arith.cmpi slt, %scan3A_46, %lt3A : i32
      %convert_element_type3A = arith.extui %lt3A_93 : i1 to i32
      %cond3A = arith.constant 0 : i32
      %cond3A_94 = arith.cmpi ne, %convert_element_type3A, %cond3A : i32
      scf.if %cond3A_94 {
        %add3A_99 = arith.constant 1 : i32
        %add3A_100 = arith.addi %add3A_80, %add3A_99 : i32
        %mul3A_101 = arith.constant 3840 : i32
        %mul3A_102 = arith.muli %add3A_100, %mul3A_101 : i32
        %add3A_103 = arith.addi %mul3A_2, %mul3A_102 : i32
        %dma_start3A_104 = tpu.memref_slice %arg5[%add3A_103] : memref<2949120xi32, #tpu.memory_space<hbm>> -> memref<3840xi32, #tpu.memory_space<hbm>>
        %dma_start3A_105 = tpu.memref_slice %arg5[%add3A_103] : memref<2949120xi32, #tpu.memory_space<hbm>> -> memref<3840xi32, #tpu.memory_space<hbm>>
        tpu.enqueue_dma source(%dma_start3A_105 : memref<3840xi32, #tpu.memory_space<hbm>>) target(%arg7 : memref<3840xi32, #tpu.memory_space<vmem>>) target_semaphore(%arg18 : memref<!tpu.dma_semaphore, #tpu.memory_space<semaphore_mem>>)
        %dma_start3A_106 = tpu.memref_slice %arg3[%add3A_103] : memref<2949120xf32, #tpu.memory_space<hbm>> -> memref<3840xf32, #tpu.memory_space<hbm>>
        %dma_start3A_107 = tpu.memref_slice %arg3[%add3A_103] : memref<2949120xf32, #tpu.memory_space<hbm>> -> memref<3840xf32, #tpu.memory_space<hbm>>
        tpu.enqueue_dma source(%dma_start3A_107 : memref<3840xf32, #tpu.memory_space<hbm>>) target(%arg11 : memref<3840xf32, #tpu.memory_space<vmem>>) target_semaphore(%arg18 : memref<!tpu.dma_semaphore, #tpu.memory_space<semaphore_mem>>)
        %dma_start3A_108 = tpu.memref_slice %arg4[%add3A_103] : memref<2949120xi32, #tpu.memory_space<hbm>> -> memref<3840xi32, #tpu.memory_space<hbm>>
        %dma_start3A_109 = tpu.memref_slice %arg4[%add3A_103] : memref<2949120xi32, #tpu.memory_space<hbm>> -> memref<3840xi32, #tpu.memory_space<hbm>>
        tpu.enqueue_dma source(%dma_start3A_109 : memref<3840xi32, #tpu.memory_space<hbm>>) target(%arg9 : memref<3840xi32, #tpu.memory_space<vmem>>) target_semaphore(%arg18 : memref<!tpu.dma_semaphore, #tpu.memory_space<semaphore_mem>>)
      } else {
      }
      "tpu.region"() ({
        %run_scoped3A = tpu.sem_alloc : memref<!tpu.dma_semaphore, #tpu.memory_space<semaphore_mem>>
        %dma_start3A_99 = arith.constant 0 : i32
        %dma_start3A_100 = arith.constant 0 : i32
        %dma_start3A_101 = tpu.memref_slice %arg2[%dma_start3A_99, %dma_start3A_100] : memref<131072x8xf32, #tpu.memory_space<hbm>> -> memref<131072x8xf32, #tpu.memory_space<hbm>>
        tpu.enqueue_indirect_dma source(%dma_start3A_101 : memref<131072x8xf32, #tpu.memory_space<hbm>>) target(%arg15 : memref<3840x8xf32, #tpu.memory_space<vmem>>) offsets(%arg13 : memref<3840xi32, #tpu.memory_space<vmem>>) semaphore(%run_scoped3A : memref<!tpu.dma_semaphore, #tpu.memory_space<semaphore_mem>>)
        %dma_wait3A_102 = arith.constant 0 : i32
        %dma_wait3A_103 = arith.constant 0 : i32
        %dma_wait3A_104 = tpu.memref_slice %arg2[%dma_wait3A_102, %dma_wait3A_103] : memref<131072x8xf32, #tpu.memory_space<hbm>> -> memref<131072x8xf32, #tpu.memory_space<hbm>>
        tpu.wait_indirect_dma semaphore(%run_scoped3A : memref<!tpu.dma_semaphore, #tpu.memory_space<semaphore_mem>>) src(%dma_wait3A_104 : memref<131072x8xf32, #tpu.memory_space<hbm>>) dst(%arg15 : memref<3840x8xf32, #tpu.memory_space<vmem>>)
        tpu.yield
      }) : () -> ()
      %parallel_loop3A_95 = arith.constant 0 : i32
      %parallel_loop3A_96 = arith.constant 240 : i32
      %parallel_loop3A_97 = arith.constant 1 : i32
      scf.for %parallel_loop3A_99 = %parallel_loop3A_95 to %parallel_loop3A_96 step %parallel_loop3A_97  : i32 {
        %parallel_loop3A_100 = arith.constant 16 : i32
        %parallel_loop3A_101 = arith.muli %parallel_loop3A_99, %parallel_loop3A_100 : i32
        %parallel_loop3A_102 = vector.broadcast %parallel_loop3A_101 : i32 to vector<16xi32>
        %parallel_loop3A_103 = arith.addi %iota3A, %parallel_loop3A_102 : vector<16xi32>
        %parallel_loop3A_104 = arith.index_cast %parallel_loop3A_101 : i32 to index
        %parallel_loop3A_105 = tpu.vector_load %arg12[%parallel_loop3A_104] {strides = array<i32>} : memref<3840xf32, #tpu.memory_space<vmem>>, vector<16xf32>,
        %parallel_loop3A_106 = arith.index_cast %parallel_loop3A_101 : i32 to index
        %parallel_loop3A_107 = tpu.vector_load %arg8[%parallel_loop3A_106] {strides = array<i32>} : memref<3840xi32, #tpu.memory_space<vmem>>, vector<16xi32>,
        %parallel_loop3A_108 = arith.constant 1 : i32
        %parallel_loop3A_109 = vector.broadcast %parallel_loop3A_108 : i32 to vector<16xi32>
        %parallel_loop3A_110 = arith.andi %parallel_loop3A_107, %parallel_loop3A_109 : vector<16xi32>
        %parallel_loop3A_111 = arith.constant 2 : i32
        %parallel_loop3A_112 = vector.broadcast %parallel_loop3A_111 : i32 to vector<16xi32>
        %parallel_loop3A_113 = arith.shli %parallel_loop3A_110, %parallel_loop3A_112 : vector<16xi32>
        %parallel_loop3A_114 = arith.index_cast %parallel_loop3A_101 : i32 to index
        %parallel_loop3A_115 = tpu.vector_load %arg10[%parallel_loop3A_114] {strides = array<i32>} : memref<3840xi32, #tpu.memory_space<vmem>>, vector<16xi32>,
        %parallel_loop3A_116 = arith.constant 1 : i32
        %parallel_loop3A_117 = vector.broadcast %parallel_loop3A_116 : i32 to vector<16xi32>
        %parallel_loop3A_118 = arith.andi %parallel_loop3A_115, %parallel_loop3A_117 : vector<16xi32>
        %parallel_loop3A_119 = arith.constant 2 : i32
        %parallel_loop3A_120 = vector.broadcast %parallel_loop3A_119 : i32 to vector<16xi32>
        %parallel_loop3A_121 = arith.shli %parallel_loop3A_118, %parallel_loop3A_120 : vector<16xi32>
        %parallel_loop3A_122 = arith.constant 4 : i32
        %parallel_loop3A_123 = vector.broadcast %parallel_loop3A_122 : i32 to vector<16xi32>
        %parallel_loop3A_124 = arith.xori %parallel_loop3A_121, %parallel_loop3A_123 : vector<16xi32>
        %parallel_loop3A_125 = arith.addi %parallel_loop3A_113, %broadcast_in_dim3A_13 : vector<16xi32>
        %parallel_loop3A_126 = tpu.vector_load_idx %arg15[%parallel_loop3A_103, %parallel_loop3A_125] : memref<3840x8xf32, #tpu.memory_space<vmem>>[vector<16xi32>, vector<16xi32>], vector<16xf32>,
        %parallel_loop3A_127 = arith.addi %parallel_loop3A_121, %broadcast_in_dim3A_13 : vector<16xi32>
        %parallel_loop3A_128 = arith.mulf %parallel_loop3A_105, %parallel_loop3A_126 : vector<16xf32>
        tpu.vector_store_idx %arg16[%parallel_loop3A_103, %parallel_loop3A_127], %parallel_loop3A_128 : memref<3840x8xf32, #tpu.memory_space<vmem>>[vector<16xi32>, vector<16xi32>], vector<16xf32>,
        %parallel_loop3A_129 = arith.addi %parallel_loop3A_124, %broadcast_in_dim3A_13 : vector<16xi32>
        tpu.vector_store_idx %arg16[%parallel_loop3A_103, %parallel_loop3A_129], %broadcast_in_dim3A_3 : memref<3840x8xf32, #tpu.memory_space<vmem>>[vector<16xi32>, vector<16xi32>], vector<16xf32>,
        %parallel_loop3A_130 = arith.addi %parallel_loop3A_113, %broadcast_in_dim3A_15 : vector<16xi32>
        %parallel_loop3A_131 = tpu.vector_load_idx %arg15[%parallel_loop3A_103, %parallel_loop3A_130] : memref<3840x8xf32, #tpu.memory_space<vmem>>[vector<16xi32>, vector<16xi32>], vector<16xf32>,
        %parallel_loop3A_132 = arith.addi %parallel_loop3A_121, %broadcast_in_dim3A_15 : vector<16xi32>
        %parallel_loop3A_133 = arith.mulf %parallel_loop3A_105, %parallel_loop3A_131 : vector<16xf32>
        tpu.vector_store_idx %arg16[%parallel_loop3A_103, %parallel_loop3A_132], %parallel_loop3A_133 : memref<3840x8xf32, #tpu.memory_space<vmem>>[vector<16xi32>, vector<16xi32>], vector<16xf32>,
        %parallel_loop3A_134 = arith.addi %parallel_loop3A_124, %broadcast_in_dim3A_15 : vector<16xi32>
        tpu.vector_store_idx %arg16[%parallel_loop3A_103, %parallel_loop3A_134], %broadcast_in_dim3A_3 : memref<3840x8xf32, #tpu.memory_space<vmem>>[vector<16xi32>, vector<16xi32>], vector<16xf32>,
        %parallel_loop3A_135 = arith.addi %parallel_loop3A_113, %broadcast_in_dim3A_17 : vector<16xi32>
        %parallel_loop3A_136 = tpu.vector_load_idx %arg15[%parallel_loop3A_103, %parallel_loop3A_135] : memref<3840x8xf32, #tpu.memory_space<vmem>>[vector<16xi32>, vector<16xi32>], vector<16xf32>,
        %parallel_loop3A_137 = arith.addi %parallel_loop3A_121, %broadcast_in_dim3A_17 : vector<16xi32>
        %parallel_loop3A_138 = arith.mulf %parallel_loop3A_105, %parallel_loop3A_136 : vector<16xf32>
        tpu.vector_store_idx %arg16[%parallel_loop3A_103, %parallel_loop3A_137], %parallel_loop3A_138 : memref<3840x8xf32, #tpu.memory_space<vmem>>[vector<16xi32>, vector<16xi32>], vector<16xf32>,
        %parallel_loop3A_139 = arith.addi %parallel_loop3A_124, %broadcast_in_dim3A_17 : vector<16xi32>
        tpu.vector_store_idx %arg16[%parallel_loop3A_103, %parallel_loop3A_139], %broadcast_in_dim3A_3 : memref<3840x8xf32, #tpu.memory_space<vmem>>[vector<16xi32>, vector<16xi32>], vector<16xf32>,
        %parallel_loop3A_140 = arith.addi %parallel_loop3A_113, %broadcast_in_dim3A_19 : vector<16xi32>
        %parallel_loop3A_141 = tpu.vector_load_idx %arg15[%parallel_loop3A_103, %parallel_loop3A_140] : memref<3840x8xf32, #tpu.memory_space<vmem>>[vector<16xi32>, vector<16xi32>], vector<16xf32>,
        %parallel_loop3A_142 = arith.addi %parallel_loop3A_121, %broadcast_in_dim3A_19 : vector<16xi32>
        %parallel_loop3A_143 = arith.mulf %parallel_loop3A_105, %parallel_loop3A_141 : vector<16xf32>
        tpu.vector_store_idx %arg16[%parallel_loop3A_103, %parallel_loop3A_142], %parallel_loop3A_143 : memref<3840x8xf32, #tpu.memory_space<vmem>>[vector<16xi32>, vector<16xi32>], vector<16xf32>,
        %parallel_loop3A_144 = arith.addi %parallel_loop3A_124, %broadcast_in_dim3A_19 : vector<16xi32>
        tpu.vector_store_idx %arg16[%parallel_loop3A_103, %parallel_loop3A_144], %broadcast_in_dim3A_3 : memref<3840x8xf32, #tpu.memory_space<vmem>>[vector<16xi32>, vector<16xi32>], vector<16xf32>,
      } {sc.loop_unroll_factor = 4 : i64, sc.parallel_access}
      "tpu.region"() ({
        %run_scoped3A = tpu.sem_alloc : memref<!tpu.dma_semaphore, #tpu.memory_space<semaphore_mem>>
        %dma_start3A_99 = arith.constant 0 : i32
        %dma_start3A_100 = arith.constant 0 : i32
        %dma_start3A_101 = tpu.memref_slice %arg17[%dma_start3A_99, %dma_start3A_100] : memref<46080x8xf32, #tpu.memory_space<vmem_shared>> -> memref<46080x8xf32, #tpu.memory_space<vmem_shared>>
        tpu.enqueue_indirect_dma source(%arg16 : memref<3840x8xf32, #tpu.memory_space<vmem>>) target(%dma_start3A_101 : memref<46080x8xf32, #tpu.memory_space<vmem_shared>>) offsets(%arg14 : memref<3840xi32, #tpu.memory_space<vmem>>) semaphore(%run_scoped3A : memref<!tpu.dma_semaphore, #tpu.memory_space<semaphore_mem>>) {add = true}
        %dma_wait3A_102 = arith.constant 0 : i32
        %dma_wait3A_103 = arith.constant 0 : i32
        %dma_wait3A_104 = tpu.memref_slice %arg17[%dma_wait3A_102, %dma_wait3A_103] : memref<46080x8xf32, #tpu.memory_space<vmem_shared>> -> memref<46080x8xf32, #tpu.memory_space<vmem_shared>>
        tpu.wait_indirect_dma semaphore(%run_scoped3A : memref<!tpu.dma_semaphore, #tpu.memory_space<semaphore_mem>>) src(%arg16 : memref<3840x8xf32, #tpu.memory_space<vmem>>) dst(%dma_wait3A_104 : memref<46080x8xf32, #tpu.memory_space<vmem_shared>>)
        tpu.yield
      }) : () -> ()
      %scan3A_98 = arith.constant 0 : i32
      scf.yield %scan3A_98 : i32
    }
    %scan3A_32 = arith.constant 12 : i32
    %barrier3A_33 = arith.constant 0 : index
    tpu.barrier barrier_id(%barrier3A_33)
    "tpu.region"() ({
      %run_scoped3A = tpu.sem_alloc : memref<!tpu.dma_semaphore, #tpu.memory_space<semaphore_mem>>
      %dma_start3A_46 = arith.constant 0 : i32
      %dma_start3A_47 = arith.constant 0 : i32
      %dma_start3A_48 = tpu.memref_slice %arg15[%dma_start3A_46, %dma_start3A_47] : memref<3840x8xf32, #tpu.memory_space<vmem>> -> memref<2880x8xf32, #tpu.memory_space<vmem>>
      %dma_start3A_49 = arith.constant 0 : i32
      %dma_start3A_50 = tpu.memref_slice %arg17[%mul3A_11, %dma_start3A_49] : memref<46080x8xf32, #tpu.memory_space<vmem_shared>> -> memref<2880x8xf32, #tpu.memory_space<vmem_shared>>
      %dma_start3A_51 = arith.constant 0 : i32
      %dma_start3A_52 = arith.constant 0 : i32
      %dma_start3A_53 = tpu.memref_slice %arg15[%dma_start3A_51, %dma_start3A_52] : memref<3840x8xf32, #tpu.memory_space<vmem>> -> memref<2880x8xf32, #tpu.memory_space<vmem>>
      %dma_start3A_54 = arith.constant 0 : i32
      %dma_start3A_55 = tpu.memref_slice %arg17[%mul3A_11, %dma_start3A_54] : memref<46080x8xf32, #tpu.memory_space<vmem_shared>> -> memref<2880x8xf32, #tpu.memory_space<vmem_shared>>
      tpu.enqueue_dma source(%dma_start3A_55 : memref<2880x8xf32, #tpu.memory_space<vmem_shared>>) target(%dma_start3A_53 : memref<2880x8xf32, #tpu.memory_space<vmem>>) target_semaphore(%run_scoped3A : memref<!tpu.dma_semaphore, #tpu.memory_space<semaphore_mem>>)
      %dma_wait3A = arith.constant 0 : i32
      %dma_wait3A_56 = arith.constant 0 : i32
      %dma_wait3A_57 = tpu.memref_slice %arg15[%dma_wait3A, %dma_wait3A_56] : memref<3840x8xf32, #tpu.memory_space<vmem>> -> memref<2880x8xf32, #tpu.memory_space<vmem>>
      %dma_wait3A_58 = arith.constant 0 : i32
      %dma_wait3A_59 = tpu.memref_slice %arg17[%mul3A_11, %dma_wait3A_58] : memref<46080x8xf32, #tpu.memory_space<vmem_shared>> -> memref<2880x8xf32, #tpu.memory_space<vmem_shared>>
      %dma_wait3A_60 = arith.constant 0 : i32
      %dma_wait3A_61 = arith.constant 0 : i32
      %dma_wait3A_62 = tpu.memref_slice %arg15[%dma_wait3A_60, %dma_wait3A_61] : memref<3840x8xf32, #tpu.memory_space<vmem>> -> memref<2880x8xf32, #tpu.memory_space<vmem>>
      %dma_wait3A_63 = arith.constant 0 : i32
      %dma_wait3A_64 = tpu.memref_slice %arg17[%mul3A_11, %dma_wait3A_63] : memref<46080x8xf32, #tpu.memory_space<vmem_shared>> -> memref<2880x8xf32, #tpu.memory_space<vmem_shared>>
      tpu.wait_dma2 semaphore(%run_scoped3A : memref<!tpu.dma_semaphore, #tpu.memory_space<semaphore_mem>>) src(%dma_wait3A_64 : memref<2880x8xf32, #tpu.memory_space<vmem_shared>>) dst(%dma_wait3A_62 : memref<2880x8xf32, #tpu.memory_space<vmem>>)
      tpu.yield
    }) : () -> ()
    %shift_right_logical3A_34 = arith.constant 1 : i32
    %shift_right_logical3A_35 = vector.broadcast %shift_right_logical3A_34 : i32 to vector<16xi32>
    %shift_right_logical3A_36 = arith.shrui %iota3A, %shift_right_logical3A_35 : vector<16xi32>
    %and3A_37 = arith.constant 1 : i32
    %and3A_38 = vector.broadcast %and3A_37 : i32 to vector<16xi32>
    %and3A_39 = arith.andi %iota3A, %and3A_38 : vector<16xi32>
    %mul3A_40 = arith.constant 4 : i32
    %mul3A_41 = vector.broadcast %mul3A_40 : i32 to vector<16xi32>
    %mul3A_42 = arith.muli %and3A_39, %mul3A_41 : vector<16xi32>
    %parallel_loop3A_43 = arith.constant 0 : i32
    %parallel_loop3A_44 = arith.constant 1440 : i32
    %parallel_loop3A_45 = arith.constant 1 : i32
    scf.for %parallel_loop3A_46 = %parallel_loop3A_43 to %parallel_loop3A_44 step %parallel_loop3A_45  : i32 {
      %parallel_loop3A_47 = arith.constant 32 : i32
      %parallel_loop3A_48 = arith.divsi %parallel_loop3A_46, %parallel_loop3A_47 : i32
      %parallel_loop3A_49 = arith.constant 0 : i32
      %parallel_loop3A_50 = arith.cmpi sgt, %parallel_loop3A_46, %parallel_loop3A_49 : i32
      %parallel_loop3A_51 = arith.extui %parallel_loop3A_50 : i1 to i32
      %parallel_loop3A_52 = arith.constant 0 : i32
      %parallel_loop3A_53 = arith.cmpi slt, %parallel_loop3A_46, %parallel_loop3A_52 : i32
      %parallel_loop3A_54 = arith.extui %parallel_loop3A_53 : i1 to i32
      %parallel_loop3A_55 = arith.subi %parallel_loop3A_51, %parallel_loop3A_54 : i32
      %parallel_loop3A_56 = arith.constant 0 : i32
      %parallel_loop3A_57 = arith.cmpi sgt, %parallel_loop3A_47, %parallel_loop3A_56 : i32
      %parallel_loop3A_58 = arith.extui %parallel_loop3A_57 : i1 to i32
      %parallel_loop3A_59 = arith.constant 0 : i32
      %parallel_loop3A_60 = arith.cmpi slt, %parallel_loop3A_47, %parallel_loop3A_59 : i32
      %parallel_loop3A_61 = arith.extui %parallel_loop3A_60 : i1 to i32
      %parallel_loop3A_62 = arith.subi %parallel_loop3A_58, %parallel_loop3A_61 : i32
      %parallel_loop3A_63 = arith.cmpi ne, %parallel_loop3A_55, %parallel_loop3A_62 : i32
      %parallel_loop3A_64 = arith.remsi %parallel_loop3A_46, %parallel_loop3A_47 : i32
      %parallel_loop3A_65 = arith.constant 0 : i32
      %parallel_loop3A_66 = arith.cmpi ne, %parallel_loop3A_64, %parallel_loop3A_65 : i32
      %parallel_loop3A_67 = arith.andi %parallel_loop3A_63, %parallel_loop3A_66 : i1
      %parallel_loop3A_68 = arith.constant 1 : i32
      %parallel_loop3A_69 = arith.subi %parallel_loop3A_48, %parallel_loop3A_68 : i32
      %parallel_loop3A_70 = arith.select %parallel_loop3A_67, %parallel_loop3A_69, %parallel_loop3A_48 : i32
      %parallel_loop3A_71 = arith.constant 64 : i32
      %parallel_loop3A_72 = arith.muli %parallel_loop3A_71, %parallel_loop3A_70 : i32
      %parallel_loop3A_73 = arith.constant 8 : i32
      %parallel_loop3A_74 = arith.constant 0 : i32
      %parallel_loop3A_75 = arith.cmpi eq, %parallel_loop3A_73, %parallel_loop3A_74 : i32
      %parallel_loop3A_76 = arith.constant 1 : i32
      %parallel_loop3A_77 = arith.select %parallel_loop3A_75, %parallel_loop3A_76, %parallel_loop3A_73 : i32
      %parallel_loop3A_78 = arith.remsi %parallel_loop3A_46, %parallel_loop3A_77 : i32
      %parallel_loop3A_79 = arith.constant 0 : i32
      %parallel_loop3A_80 = arith.cmpi ne, %parallel_loop3A_78, %parallel_loop3A_79 : i32
      %parallel_loop3A_81 = arith.constant 0 : i32
      %parallel_loop3A_82 = arith.cmpi slt, %parallel_loop3A_78, %parallel_loop3A_81 : i32
      %parallel_loop3A_83 = arith.constant 0 : i32
      %parallel_loop3A_84 = arith.cmpi slt, %parallel_loop3A_77, %parallel_loop3A_83 : i32
      %parallel_loop3A_85 = arith.xori %parallel_loop3A_82, %parallel_loop3A_84 : i1
      %parallel_loop3A_86 = arith.andi %parallel_loop3A_85, %parallel_loop3A_80 : i1
      %parallel_loop3A_87 = arith.addi %parallel_loop3A_78, %parallel_loop3A_77 : i32
      %parallel_loop3A_88 = arith.select %parallel_loop3A_86, %parallel_loop3A_87, %parallel_loop3A_78 : i32
      %parallel_loop3A_89 = arith.constant 8 : i32
      %parallel_loop3A_90 = arith.muli %parallel_loop3A_89, %parallel_loop3A_88 : i32
      %parallel_loop3A_91 = arith.addi %parallel_loop3A_72, %parallel_loop3A_90 : i32
      %parallel_loop3A_92 = vector.broadcast %parallel_loop3A_91 : i32 to vector<16xi32>
      %parallel_loop3A_93 = arith.addi %parallel_loop3A_92, %shift_right_logical3A_36 : vector<16xi32>
      %parallel_loop3A_94 = arith.constant 8 : i32
      %parallel_loop3A_95 = arith.divsi %parallel_loop3A_46, %parallel_loop3A_94 : i32
      %parallel_loop3A_96 = arith.constant 0 : i32
      %parallel_loop3A_97 = arith.cmpi sgt, %parallel_loop3A_46, %parallel_loop3A_96 : i32
      %parallel_loop3A_98 = arith.extui %parallel_loop3A_97 : i1 to i32
      %parallel_loop3A_99 = arith.constant 0 : i32
      %parallel_loop3A_100 = arith.cmpi slt, %parallel_loop3A_46, %parallel_loop3A_99 : i32
      %parallel_loop3A_101 = arith.extui %parallel_loop3A_100 : i1 to i32
      %parallel_loop3A_102 = arith.subi %parallel_loop3A_98, %parallel_loop3A_101 : i32
      %parallel_loop3A_103 = arith.constant 0 : i32
      %parallel_loop3A_104 = arith.cmpi sgt, %parallel_loop3A_94, %parallel_loop3A_103 : i32
      %parallel_loop3A_105 = arith.extui %parallel_loop3A_104 : i1 to i32
      %parallel_loop3A_106 = arith.constant 0 : i32
      %parallel_loop3A_107 = arith.cmpi slt, %parallel_loop3A_94, %parallel_loop3A_106 : i32
      %parallel_loop3A_108 = arith.extui %parallel_loop3A_107 : i1 to i32
      %parallel_loop3A_109 = arith.subi %parallel_loop3A_105, %parallel_loop3A_108 : i32
      %parallel_loop3A_110 = arith.cmpi ne, %parallel_loop3A_102, %parallel_loop3A_109 : i32
      %parallel_loop3A_111 = arith.remsi %parallel_loop3A_46, %parallel_loop3A_94 : i32
      %parallel_loop3A_112 = arith.constant 0 : i32
      %parallel_loop3A_113 = arith.cmpi ne, %parallel_loop3A_111, %parallel_loop3A_112 : i32
      %parallel_loop3A_114 = arith.andi %parallel_loop3A_110, %parallel_loop3A_113 : i1
      %parallel_loop3A_115 = arith.constant 1 : i32
      %parallel_loop3A_116 = arith.subi %parallel_loop3A_95, %parallel_loop3A_115 : i32
      %parallel_loop3A_117 = arith.select %parallel_loop3A_114, %parallel_loop3A_116, %parallel_loop3A_95 : i32
      %parallel_loop3A_118 = arith.constant 4 : i32
      %parallel_loop3A_119 = arith.constant 0 : i32
      %parallel_loop3A_120 = arith.cmpi eq, %parallel_loop3A_118, %parallel_loop3A_119 : i32
      %parallel_loop3A_121 = arith.constant 1 : i32
      %parallel_loop3A_122 = arith.select %parallel_loop3A_120, %parallel_loop3A_121, %parallel_loop3A_118 : i32
      %parallel_loop3A_123 = arith.remsi %parallel_loop3A_117, %parallel_loop3A_122 : i32
      %parallel_loop3A_124 = arith.constant 0 : i32
      %parallel_loop3A_125 = arith.cmpi ne, %parallel_loop3A_123, %parallel_loop3A_124 : i32
      %parallel_loop3A_126 = arith.constant 0 : i32
      %parallel_loop3A_127 = arith.cmpi slt, %parallel_loop3A_123, %parallel_loop3A_126 : i32
      %parallel_loop3A_128 = arith.constant 0 : i32
      %parallel_loop3A_129 = arith.cmpi slt, %parallel_loop3A_122, %parallel_loop3A_128 : i32
      %parallel_loop3A_130 = arith.xori %parallel_loop3A_127, %parallel_loop3A_129 : i1
      %parallel_loop3A_131 = arith.andi %parallel_loop3A_130, %parallel_loop3A_125 : i1
      %parallel_loop3A_132 = arith.addi %parallel_loop3A_123, %parallel_loop3A_122 : i32
      %parallel_loop3A_133 = arith.select %parallel_loop3A_131, %parallel_loop3A_132, %parallel_loop3A_123 : i32
      %parallel_loop3A_134 = vector.broadcast %parallel_loop3A_133 : i32 to vector<16xi32>
      %parallel_loop3A_135 = arith.addi %mul3A_42, %parallel_loop3A_134 : vector<16xi32>
      %parallel_loop3A_136 = tpu.vector_load_idx %arg15[%parallel_loop3A_93, %parallel_loop3A_135] : memref<3840x8xf32, #tpu.memory_space<vmem>>[vector<16xi32>, vector<16xi32>], vector<16xf32>,
      %parallel_loop3A_137 = arith.constant 2 : i32
      %parallel_loop3A_138 = arith.muli %parallel_loop3A_137, %parallel_loop3A_46 : i32
      %parallel_loop3A_139 = vector.broadcast %parallel_loop3A_138 : i32 to vector<16xi32>
      %parallel_loop3A_140 = arith.addi %parallel_loop3A_139, %shift_right_logical3A_5 : vector<16xi32>
      tpu.vector_store_idx %arg16[%parallel_loop3A_140, %and3A_7], %parallel_loop3A_136 : memref<3840x8xf32, #tpu.memory_space<vmem>>[vector<16xi32>, vector<16xi32>], vector<16xf32>,
    } {sc.loop_unroll_factor = 8 : i64, sc.parallel_access}
    "tpu.region"() ({
      %run_scoped3A = tpu.sem_alloc : memref<!tpu.dma_semaphore, #tpu.memory_space<semaphore_mem>>
      %dma_start3A_46 = arith.constant 0 : i32
      %dma_start3A_47 = arith.constant 0 : i32
      %dma_start3A_48 = tpu.memref_slice %arg16[%dma_start3A_46, %dma_start3A_47] : memref<3840x8xf32, #tpu.memory_space<vmem>> -> memref<2880x8xf32, #tpu.memory_space<vmem>>
      %dma_start3A_49 = arith.constant 0 : i32
      %dma_start3A_50 = tpu.memref_slice %arg6[%arg0, %mul3A_11, %dma_start3A_49] : memref<2x46080x8xf32, #tpu.memory_space<hbm>> -> memref<1x2880x8xf32, #tpu.memory_space<hbm>>
      %dma_start3A_51 = tpu.memref_squeeze %dma_start3A_50 : memref<1x2880x8xf32, #tpu.memory_space<hbm>> -> memref<2880x8xf32, #tpu.memory_space<hbm>>
      %dma_start3A_52 = arith.constant 0 : i32
      %dma_start3A_53 = tpu.memref_slice %arg6[%arg0, %mul3A_11, %dma_start3A_52] : memref<2x46080x8xf32, #tpu.memory_space<hbm>> -> memref<1x2880x8xf32, #tpu.memory_space<hbm>>
      %dma_start3A_54 = tpu.memref_squeeze %dma_start3A_53 : memref<1x2880x8xf32, #tpu.memory_space<hbm>> -> memref<2880x8xf32, #tpu.memory_space<hbm>>
      %dma_start3A_55 = arith.constant 0 : i32
      %dma_start3A_56 = arith.constant 0 : i32
      %dma_start3A_57 = tpu.memref_slice %arg16[%dma_start3A_55, %dma_start3A_56] : memref<3840x8xf32, #tpu.memory_space<vmem>> -> memref<2880x8xf32, #tpu.memory_space<vmem>>
      tpu.enqueue_dma source(%dma_start3A_57 : memref<2880x8xf32, #tpu.memory_space<vmem>>) target(%dma_start3A_54 : memref<2880x8xf32, #tpu.memory_space<hbm>>) target_semaphore(%run_scoped3A : memref<!tpu.dma_semaphore, #tpu.memory_space<semaphore_mem>>)
      %dma_wait3A = arith.constant 0 : i32
      %dma_wait3A_58 = arith.constant 0 : i32
      %dma_wait3A_59 = tpu.memref_slice %arg16[%dma_wait3A, %dma_wait3A_58] : memref<3840x8xf32, #tpu.memory_space<vmem>> -> memref<2880x8xf32, #tpu.memory_space<vmem>>
      %dma_wait3A_60 = arith.constant 0 : i32
      %dma_wait3A_61 = tpu.memref_slice %arg6[%arg0, %mul3A_11, %dma_wait3A_60] : memref<2x46080x8xf32, #tpu.memory_space<hbm>> -> memref<1x2880x8xf32, #tpu.memory_space<hbm>>
      %dma_wait3A_62 = tpu.memref_squeeze %dma_wait3A_61 : memref<1x2880x8xf32, #tpu.memory_space<hbm>> -> memref<2880x8xf32, #tpu.memory_space<hbm>>
      %dma_wait3A_63 = arith.constant 0 : i32
      %dma_wait3A_64 = tpu.memref_slice %arg6[%arg0, %mul3A_11, %dma_wait3A_63] : memref<2x46080x8xf32, #tpu.memory_space<hbm>> -> memref<1x2880x8xf32, #tpu.memory_space<hbm>>
      %dma_wait3A_65 = tpu.memref_squeeze %dma_wait3A_64 : memref<1x2880x8xf32, #tpu.memory_space<hbm>> -> memref<2880x8xf32, #tpu.memory_space<hbm>>
      %dma_wait3A_66 = arith.constant 0 : i32
      %dma_wait3A_67 = arith.constant 0 : i32
      %dma_wait3A_68 = tpu.memref_slice %arg16[%dma_wait3A_66, %dma_wait3A_67] : memref<3840x8xf32, #tpu.memory_space<vmem>> -> memref<2880x8xf32, #tpu.memory_space<vmem>>
      tpu.wait_dma2 semaphore(%run_scoped3A : memref<!tpu.dma_semaphore, #tpu.memory_space<semaphore_mem>>) src(%dma_wait3A_68 : memref<2880x8xf32, #tpu.memory_space<vmem>>) dst(%dma_wait3A_65 : memref<2880x8xf32, #tpu.memory_space<hbm>>)
      tpu.yield
    }) : () -> ()
    return
  }
}

module attributes {stable_mosaic.version = 14 : i64} {
  func.func @_combine_body(%arg0: memref<2x2880x128xf32, #tpu.memory_space<vmem>>, %arg1: memref<2880x128xf32, #tpu.memory_space<vmem>>) attributes {dimension_semantics = [], scalar_prefetch = 0 : i64, scratch_operands = 0 : i64, tpu.core_type = #tpu.core_type<tc>} {
    %get3A = arith.constant 0 : index
    %get3A_0 = arith.constant 0 : index
    %get3A_1 = arith.constant 0 : index
    %get3A_2 = vector.load %arg0[%get3A, %get3A_0, %get3A_1] : memref<2x2880x128xf32, #tpu.memory_space<vmem>>, vector<1x2880x128xf32>
    %get3A_3 = vector.shape_cast %get3A_2 : vector<1x2880x128xf32> to vector<2880x128xf32>
    %get3A_4 = arith.constant 1 : index
    %get3A_5 = arith.constant 0 : index
    %get3A_6 = arith.constant 0 : index
    %get3A_7 = vector.load %arg0[%get3A_4, %get3A_5, %get3A_6] : memref<2x2880x128xf32, #tpu.memory_space<vmem>>, vector<1x2880x128xf32>
    %get3A_8 = vector.shape_cast %get3A_7 : vector<1x2880x128xf32> to vector<2880x128xf32>
    %add3A = arith.addf %get3A_3, %get3A_8 : vector<2880x128xf32>
    %mul3A = arith.constant 2.640400e-02 : f32
    %mul3A_9 = vector.broadcast %mul3A : f32 to vector<2880x128xf32>
    %mul3A_10 = arith.mulf %mul3A_9, %add3A : vector<2880x128xf32>
    %swap3A = arith.constant 0 : index
    %swap3A_11 = arith.constant 0 : index
    %swap3A_12 = vector.load %arg1[%swap3A, %swap3A_11] : memref<2880x128xf32, #tpu.memory_space<vmem>>, vector<2880x128xf32>
    tpu.vector_store %arg1[%swap3A, %swap3A_11], %mul3A_10 {strides = array<i32>} : memref<2880x128xf32, #tpu.memory_space<vmem>>, vector<2880x128xf32>,
    return
  }
}

</mosaic_0001>

<sc_bundles>
// kernel: kernel.5.cloned.1.call-start
scs
__scs_entry_jumppad:
0x0: {  	(pc) =	sbr.rel $0x88, $3  }
0x1: {  	(tag) =	ssettag $0x0;
	lr =	simm.s32 $0x1  }
0x2: {  	[smem:$0x3F9D] =	sst lr;
	_ =	strace $0xD0000000  }
0x3: {  	_ = 	snop  }
0x4: {  	_ = 	snop  }
0x5: {  	_ = 	snop  }
0x6: {  	_ = 	snop  }
0x7: {  	_ = 	snop  }
__scs_overlays_trampoline_lowered:
0x8: {  	[smem:$0x3FAC] =	sst s0  }
0x9: {  	[smem:$0x3FAD] =	sst s1  }
0xa: {  	[smem:$0x3FAE] =	sst s2  }
0xb: {  	[smem:$0x3FAF] =	sst s3  }
0xc: {  	[smem:$0x3FB0] =	sst s4  }
0xd: {  	[smem:$0x3FB1] =	sst s5  }
0xe: {  	[smem:$0x3FB2] =	sst s6  }
0xf: {  	[smem:$0x3FB3] =	sst s7  }
0x10: {  	[smem:$0x3FB4] =	sst s8  }
0x11: {  	[smem:$0x3FB5] =	sst s9;
	s0 =	simm.s32 @!p0 $0x0  }
0x12: {  	s1 =	sld [smem:$0x3F9B];
	s0 =	simm.s32 @p0 $0x1  }
0x13: {  	[smem:$0x3FB6] =	sst s0;
	s0 =	simm.s32 @!p1 $0x0  }
0x14: {  	s2 =	sld [smem:$0x3F9A];
	s0 =	simm.s32 @p1 $0x1  }
0x15: {  	[smem:$0x3FB7] =	sst s0;
	s0 =	simm.s32 @!p2 $0x0  }
0x16: {  	s3 =	sld [smem:$0x3FDB];
	s0 =	simm.s32 @p2 $0x1  }
0x17: {  	s4 =	simm.s32 $0x1BF5;
	[smem:$0x3FB9] =	sst s0  }
0x18: {  	s0 =	sld [smem:$0x3F9C];
	_ =	swait.ge [sflag:s4], $0x0  }
0x19: {  	s7 =	sld [smem:$0x3F9D]  }
0x1a: {  	s8 =	sadd.s32 $0xFFFFE003, lr  }
0x1b: {  	s9 =	sadd.s32 $0xFFFFFEF7, lr;
	s5 =	simm.s32 $0xFFFFFFFF;
	p2 =	slt.u32 s8, $0xFFFFF086  }
0x1c: {  	p1 =	slt.u32 s9, $0xF7A;
	s5 =	simm.s32 @!p2 $0x0  }
0x1d: {  	s5 =	simm.s32 @p1 $0x1;
	p0 =	seq.s32 s7, s2  }
0x1e: {  	s7 =	smul.u32 @!p0 $0xF7A, s2;
	p2 =	seq.s32 @!p0 s5, $0x0  }
0x1f: {  	s9 =	smul.u32 $0xF7A, s1;
	s8 =	simm.s32 @!p0 $0x1BF5;
	p2 =	por !p2, p0  }
0x20: {  	[sflag:s8] =	ssyncset.s32 @!p0 $0xFFFFF086;
	s6 =	sadd.s32 @!p0 s3, s7;
	s7 =	simm.s32 @!p0 $0x108  }
0x21: {  	s3 =	sadd.s32 s3, s9;
	s6 =	sadd.s32 @!p0 $0x88, s6;
	s7 =	simm.s32 @p2 $0x1082  }
0x22: {  	[simem:s7], [sflag:s8] =	dma.local @!p0 [hbm:s6], $0xF7A  }
0x23: {  	s9 =	sor.u32 $0xD0000000, s2;
	s6 =	simm.s32 $0x108;
	_ =	swait.ge @!p0 [sflag:s8], $0x0  }
0x24: {  	s3 =	sadd.s32 $0x88, s3;
	s6 =	simm.s32 @!p1 $0x1082;
	[sflag:s4] =	ssyncset.s32 $0xFFFFF086  }
0x25: {  	[simem:s6], [sflag:s4] =	dma.local [hbm:s3], $0xF7A  }
0x26: {  	[smem:$0x3F9D] =	sst s1;
	(tag) =	ssettag s2;
	_ =	strace s9  }
0x27: {  	s1 =	sld [smem:$0x3FAD]  }
0x28: {  	s2 =	sld [smem:$0x3FAE]  }
0x29: {  	s4 =	sld [smem:$0x3FB0]  }
0x2a: {  	p0 =	seq.s32 s5, $0x0;
	s5 =	sld [smem:$0x3FB1]  }
0x2b: {  	s6 =	sld [smem:$0x3FB2]  }
0x2c: {  	s7 =	sld [smem:$0x3FB3]  }
0x2d: {  	s3 =	simm.s32 $0x108;
	s8 =	sld [smem:$0x3FB4]  }
0x2e: {  	s3 =	simm.s32 @!p0 $0x1082;
	s9 =	sld [smem:$0x3FB5]  }
0x2f: {  	lr =	sadd.s32 s0, s3;
	s0 =	sld [smem:$0x3FAC]  }
0x30: {  	s3 =	sld [smem:$0x3FAF]  }
0x31: {  	[smem:$0x3FB8] =	sst s10  }
0x32: {  	s10 =	sld [smem:$0x3FB6];
	_ =	sdelay $0x3  }
0x33: {  	p0 =	seq.s32 s10, $0x1;
	s10 =	sld [smem:$0x3FB8];
	_ =	sdelay $0x3  }
0x34: {  	[smem:$0x3FB8] =	sst s10  }
0x35: {  	s10 =	sld [smem:$0x3FB7];
	_ =	sdelay $0x3  }
0x36: {  	p1 =	seq.s32 s10, $0x1;
	s10 =	sld [smem:$0x3FB8];
	_ =	sdelay $0x3  }
0x37: {  	[smem:$0x3FB8] =	sst s10  }
0x38: {  	s10 =	sld [smem:$0x3FB9]  }
0x39: {  	_ = 	snop;
	(pc) =	sbr.ind lr, $3  }
0x3a: {  	_ = 	snop  }
0x3b: {  	_ = 	snop  }
0x3c: {  	p2 =	seq.s32 s10, $0x1;
	s10 =	sld [smem:$0x3FB8]  }
0x3d: {  	_ =	shalt  }
0x3e: {  	_ =	shalt  }
0x3f: {  	_ =	shalt  }
0x40: {  	_ =	shalt  }
0x41: {  	_ =	shalt  }
0x42: {  	_ =	shalt  }
0x43: {  	_ =	shalt  }
0x44: {  	_ =	shalt  }
0x45: {  	_ =	shalt  }
0x46: {  	_ =	shalt  }
0x47: {  	_ =	shalt  }
0x48: {  	_ =	shalt  }
0x49: {  	_ =	shalt  }
0x4a: {  	_ =	shalt  }
0x4b: {  	_ =	shalt  }
0x4c: {  	_ =	shalt  }
0x4d: {  	_ =	shalt  }
0x4e: {  	_ =	shalt  }
0x4f: {  	_ =	shalt  }
0x50: {  	_ =	shalt  }
0x51: {  	_ =	shalt  }
0x52: {  	_ =	shalt  }
0x53: {  	_ =	shalt  }
0x54: {  	_ =	shalt  }
0x55: {  	_ =	shalt  }
0x56: {  	_ =	shalt  }
0x57: {  	_ =	shalt  }
0x58: {  	_ =	shalt  }
0x59: {  	_ =	shalt  }
0x5a: {  	_ =	shalt  }
0x5b: {  	_ =	shalt  }
0x5c: {  	_ =	shalt  }
0x5d: {  	_ =	shalt  }
0x5e: {  	_ =	shalt  }
0x5f: {  	_ =	shalt  }
0x60: {  	_ =	shalt  }
0x61: {  	_ =	shalt  }
0x62: {  	_ =	shalt  }
0x63: {  	_ =	shalt  }
0x64: {  	_ =	shalt  }
0x65: {  	_ =	shalt  }
0x66: {  	_ =	shalt  }
0x67: {  	_ =	shalt  }
0x68: {  	_ =	shalt  }
0x69: {  	_ =	shalt  }
0x6a: {  	_ =	shalt  }
0x6b: {  	_ =	shalt  }
0x6c: {  	_ =	shalt  }
0x6d: {  	_ =	shalt  }
0x6e: {  	_ =	shalt  }
0x6f: {  	_ =	shalt  }
0x70: {  	_ =	shalt  }
0x71: {  	_ =	shalt  }
0x72: {  	_ =	shalt  }
0x73: {  	_ =	shalt  }
0x74: {  	_ =	shalt  }
0x75: {  	_ =	shalt  }
0x76: {  	_ =	shalt  }
0x77: {  	_ =	shalt  }
0x78: {  	_ =	shalt  }
0x79: {  	_ =	shalt  }
0x7a: {  	_ =	shalt  }
0x7b: {  	_ =	shalt  }
0x7c: {  	_ =	shalt  }
0x7d: {  	_ =	shalt  }
0x7e: {  	_ =	shalt  }
0x7f: {  	_ =	shalt  }
0x80: {  	_ =	shalt  }
0x81: {  	_ =	shalt  }
0x82: {  	_ =	shalt  }
0x83: {  	_ =	shalt  }
0x84: {  	_ =	shalt  }
0x85: {  	_ =	shalt  }
0x86: {  	_ =	shalt  }
0x87: {  	_ =	shalt  }
.Lfunc_end0:
.L_simem_size_0:
called_computation_lowered:
.L_overlay_start_0:
0x88: {  	s2 =	sld [smem:$0x3FD9]  }
0x89: {  	s3 =	sld [smem:$0x3FFE];
	_ =	sdelay $0x1  }
0x8a: {  	s1 =	srdreg.scid  }
0x8b: {  	s0 =	sand.u32 $0x1, s1  }
0x8c: {  	s17 =	sshll.u32 s0, $0xA;
	s2 =	sadd.s32 s3, s2  }
0x8d: {  	s2 =	sadd.s32 s2, s17  }
0x8e: {  	[smem:$0x3FC4] =	sst s2  }
0x8f: {  	_ = 	snop  }
0x90: {  	s2 =	sld [smem:$0x3FC9];
	(tm) =	ssettm $0x1  }
0x91: {  	s18 =	sld [smem:$0x3FFB];
	_ =	sdelay $0x3  }
0x92: {  	_ =	strace s18  }
0x93: {  	s3 =	sld [smem:$0x3FFC];
	_ =	sdelay $0x3  }
0x94: {  	_ =	strace s3  }
0x95: {  	s3 =	sld [smem:$0x3FFD];
	_ =	sdelay $0x3  }
0x96: {  	_ =	strace s3  }
0x97: {  	_ =	strace $0x8FFFFFFF  }
0x98: {  	s19 =	sld [smem:$0x3FDB];
	_ =	sdelay $0x1  }
0x99: {  	s4 =	simm.s32 $_scs_section_size  }
0x9a: {  	s5 =	simm.s32 $_size__tile_overlayer_lowered;
	s6 =	simm.s32 $_tile_overlayer_lowered  }
0x9b: {  	s22 =	simm.s32 $0x1BFF;
	s21 =	sshll.u32 s6, $0x1;
	s3 =	sadd.s32 s4, s19  }
0x9c: {  	s7 =	simm.s32 $0x0;
	s20 =	sshll.u32 s5, $0x1;
	s5 =	sadd.s32 s21, s3  }
0x9d: {  	[timem:s7], [sflag:s22] =	dma.local [hbm:s5], s20  }
0x9e: {  	_ =	swait.ge [sflag:s22], s20  }
0x9f: {  	s4 =	ssub.s32 $0x0, s20;
	[sflag:s22] =	ssyncset.done $0x0  }
0xa0: {  	[sflag:s22] =	ssyncadd.s32 s4;
	_ =	sdelay $0x1  }
0xa1: {  	s23 =	simm.s32 $0x1B8B  }
0xa2: {  	_ =	swait.ge [sflag:s23], $0x1  }
0xa3: {  	[sflag:s23] =	ssyncset.done $0x0  }
0xa4: {  	s25 =	simm.s32 $0x1B8E;
	s24 =	sld [smem:$0x3FFE];
	[sflag:s23] =	ssyncadd.s32 $0xFFFFFFFF  }
0xa5: {  	s26 =	simm.s32 $execute0_lowered;
	[smem:$0x3FD2] =	sst s25  }
0xa6: {  	s5 =	sshll.u32 s26, $0x1;
	_ =	strace $0x80000046;
	[dreg:$0x1] =	wrdreg $0xFFFFFFFF  }
0xa7: {  	s28 =	simm.s32 $_size_execute0_lowered;
	s3 =	sadd.s32 s3, s5;
	[dreg:$0x0] =	wrdreg $0x0  }
0xa8: {  	s5 =	sshll.u32 s28, $0x1;
	[dreg:$0x2] =	wrdreg s3  }
0xa9: {  	[dreg:$0x3] =	wrdreg s5  }
0xaa: {  	[dreg:$0x4] =	wrdreg $0xC0  }
0xab: {  	_ =	task [dreg:s7], $0x5FFFF  }
0xac: {  	[dreg:$0x1] =	wrdreg $0xFFFFFFFF  }
0xad: {  	[dreg:$0x0] =	wrdreg $0x60  }
0xae: {  	[dreg:$0x2] =	wrdreg s2  }
0xaf: {  	[dreg:$0x3] =	wrdreg s24  }
0xb0: {  	[dreg:$0x4] =	wrdreg $0x9  }
0xb1: {  	_ =	task.clear_ibuf [dreg:s7], $0x5FFFF;
	_ =	strace $0x90000046  }
0xb2: {  	s29 =	simm.s32 $0x9;
	_ =	strace $0x80000048  }
0xb3: {  	_ =	swait.ge [sflag:s29], $0x1  }
0xb4: {  	[sflag:s29] =	ssyncadd.s32 $0xFFFFFFFF  }
0xb5: {  	_ =	strace $0x90000048  }
0xb6: {  	_ =	sfence  }
0xb7: {  	s30 =	sld [smem:$0x0];
	_ =	sdelay $0x2  }
0xb8: {  	s31 =	sshll.u32 s1, $0xD;
	s1 =	sshrl.u32 s1, $0x2  }
0xb9: {  	s3 =	sand.u32 $0x4000, s31;
	s1 =	sadd.s32 s1, s30  }
0xba: {  	s0 =	sor.u32 s3, s0;
	s1 =	sshll.u32 s1, $0x11  }
0xbb: {  	s0 =	sor.u32 s1, s0  }
0xbc: {  	s0 =	sadd.s32 $0x8F2B, s0  }
0xbd: {  	[sflag:s0] =	ssyncadd.remote.s32 $0x1  }
0xbe: {  	_ =	sfence.sel $0xFFFF  }
0xbf: {  	[dreg:$0x0] =	wrdreg $0xFFFFFFFF;
	(pc) =	sbr.abs _section_cstart, $3  }
0xc0: {  	[dreg:$0x1] =	wrdreg $0xFFFFFFFF  }
0xc1: {  	_ =	task.clear_ibuf [dreg:s7], $0x2FFFF;
	_ =	strace $0x9FFFFFFF  }
0xc2: {  	(tm) =	ssettm $0x7FFFFFFF  }
0xc3: {  	_ =	shalt  }
tec
execute0_lowered:
.L_overlay_start_1:
0x0: {  	(tag) =	ssettag $0x1  }
0x1: {  	v0 =	vimm.s32 $0x183;
	vm0 =	vcmask $0x300  }
0x2: {  	vm14 =	vcmask $0x704;
	v0 =	vsel vm0, $0x0, v0  }
0x3: {  	vm15 =	vcmask $0xB08;
	v0 =	vsel vm14, $0x80, v0  }
0x4: {  	vm4 =	vcmask $0xF0C;
	v0 =	vsel vm15, $0x100, v0  }
0x5: {  	vm5 =	vcmask $0x1310;
	v0 =	vsel vm4, $0x180, v0  }
0x6: {  	vm6 =	vcmask $0x1714;
	v0 =	vsel vm5, $0x1, v0  }
0x7: {  	vm7 =	vcmask $0x1B18;
	v0 =	vsel vm6, $0x81, v0  }
0x8: {  	vm8 =	vcmask $0x1F1C;
	v0 =	vsel vm7, $0x101, v0  }
0x9: {  	s0 =	rddreg [dreg:$0x0];
	vm9 =	vcmask $0x2320;
	v0 =	vsel vm8, $0x181, v0  }
0xa: {  	s4 =	rddreg [dreg:$0x1];
	vm10 =	vcmask $0x2724;
	v0 =	vsel vm9, $0x2, v0  }
0xb: {  	s3 =	srdreg.scid;
	s1 =	rddreg [dreg:$0x2];
	s2 =	simm.s32 $0x0;
	vm11 =	vcmask $0x2B28;
	v0 =	vsel vm10, $0x82, v0  }
0xc: {  	vm12 =	vcmask $0x2F2C;
	s8 =	simm.s32 $0x2000;
	s9 =	simm.s32 $0x0;
	s5 =	sand.u32 $0x1, s3;
	v0 =	vsel vm11, $0x102, v0  }
0xd: {  	vm13 =	vcmask $0x3330;
	[smem:$0x7FF] =	sst s2;
	s3 =	stileid.u32;
	s6 =	ssub.s32 $0x2, s5;
	v0 =	vsel vm12, $0x182, v0  }
0xe: {  	v2 =	vlaneseq.u32;
	s4 =	sadd.s32 $0xA00, s4;
	_ =	strace $0x80000047;
	vm14 =	vcmask $0x3734;
	s7 =	sshrl.u32 s6, $0x1;
	v0 =	vsel vm13, $0x3, v0  }
0xf: {  	v1 =	vshrl.u32 v2, $0x3;
	s5 =	sshll.u32 s5, $0x6;
	s31 =	sshll.u32 s3, $0x2;
	vm15 =	vcmask $0x3B38;
	s6 =	ssub.s32 s6, s7;
	v0 =	vsel vm14, $0x83, v0  }
0x10: {  	v2 =	vand.u32 $0x7, v2;
	v1 =	vmul.u32 $0x8, v1;
	s5 =	sor.u32 s31, s5;
	s7 =	simm.s32 $0x1;
	s6 =	smax.u32 s6, $0x1;
	v0 =	vsel vm15, $0x103, v0  }
.LBB2_1:
0x11: {  	s10 =	simm.s32 $0x0  }
.LBB2_2:
0x12: {  	s11 =	sadd.s32 s5, s10;
	s13 =	simm.s32 $0x0;
	s25 =	simm.s32 $0xE  }
0x13: {  	s14 =	simm.s32 $0x1C;
	s15 =	simm.s32 $0x18;
	s16 =	simm.s32 $0x0  }
0x14: {  	s17 =	simm.s32 $0x4;
	s18 =	simm.s32 $0x8;
	s19 =	simm.s32 $0xC  }
0x15: {  	s20 =	simm.s32 $0x10;
	s21 =	simm.s32 $0x14;
	s22 =	simm.s32 $0xC  }
0x16: {  	s31 =	simm.s32 $0x0;
	s11 =	sshll.u32 s11, $0xA;
	s15 =	sand.u32 $0x78, s15  }
0x17: {  	s26 =	sand.u32 $0x6C, s19;
	s28 =	sand.u32 $0x70, s20;
	s29 =	sand.u32 $0x74, s21  }
0x18: {  	v3 =	vmov s25;
	s19 =	simm.s32 $0x4;
	s20 =	simm.s32 $0x6;
	s12 =	sadd.s32 s0, s11  }
0x19: {  	v5 =	vmov s22;
	v13 =	vmov s31;
	v3 =	vshll.u32 v3, $0x3;
	[tilespmem:s13], [sflag:$0x1] =	stream.linear.gather [hbm4b:s12+s13], $0x2000, $0x38;
	[tilespmem:$0x4000] =	vst v63  }
0x1a: {  	s21 =	simm.s32 $0x8;
	s22 =	simm.s32 $0xA;
	v5 =	vshll.u32 v5, $0x3;
	v15 =	vmov s19;
	v16 =	vmov s20;
	s13 =	sand.u32 $0x1E00, s13  }
0x1b: {  	s23 =	simm.s32 $0x38;
	s16 =	sand.u32 $0x60, s16;
	v17 =	vmov s21;
	v18 =	vmov s22;
	v13 =	vshll.u32 v13, $0x3;
	s15 =	sor.u32 s13, s15  }
0x1c: {  	s24 =	simm.s32 $0x20;
	s17 =	sand.u32 $0x64, s17;
	v3 =	vor.u32 v1, v3;
	v5 =	vor.u32 v1, v5;
	s16 =	sor.u32 s16, s13;
	v4 =	vor.u32 s15, v0  }
0x1d: {  	s18 =	sand.u32 $0x68, s18;
	s14 =	sand.u32 $0x7C, s14;
	v15 =	vshll.u32 v15, $0x3;
	v16 =	vshll.u32 v16, $0x3;
	s17 =	sor.u32 s13, s17;
	v6 =	vor.u32 s16, v0  }
0x1e: {  	s25 =	simm.s32 $0x24;
	v17 =	vshll.u32 v17, $0x3;
	v18 =	vshll.u32 v18, $0x3;
	s30 =	sor.u32 s13, s18;
	_ =	swait.ge [sflag:s7], $0x2000;
	v7 =	vor.u32 s17, v0  }
0x1f: {  	s31 =	simm.s32 $0x1C;
	v13 =	vor.u32 v1, v13;
	s12 =	sor.u32 s13, s26;
	v5 =	vor.u32 v2, v5;
	v8 =	vor.u32 s30, v0;
	[sflag:s7] =	ssyncset.done $0x0  }
0x20: {  	s18 =	simm.s32 $0x2;
	v15 =	vor.u32 v1, v15;
	v16 =	vor.u32 v1, v16;
	v17 =	vor.u32 v1, v17;
	s15 =	sor.u32 s13, s28;
	[sflag:s7] =	ssyncadd.s32 $0xFFFFE000  }
0x21: {  	v18 =	vor.u32 v1, v18;
	v9 =	vor.u32 s12, v0;
	s17 =	sor.u32 s13, s29;
	s13 =	sor.u32 s13, s14;
	v14 =	vmov s18;
	s12 =	simm.s32 $0x80;
	v4 =	vld.idx.msk [tilespmem:v4+s2+$0x0], $0xffff  }
0x22: {  	s14 =	simm.s32 $0x3C;
	v10 =	vor.u32 s15, v0;
	v12 =	vor.u32 s13, v0;
	v14 =	vshll.u32 v14, $0x3;
	s15 =	sand.u32 $0x1E00, s12;
	s13 =	sand.u32 $0x78, s23;
	v6 =	vld.idx.msk [tilespmem:v6+s2+$0x0], $0xffff  }
0x23: {  	v19 =	vor.u32 v2, v13;
	s28 =	simm.s32 $0x2C;
	s29 =	simm.s32 $0x30;
	v11 =	vor.u32 s17, v0;
	v14 =	vor.u32 v1, v14;
	s13 =	sor.u32 s15, s13;
	v7 =	vld.idx.msk [tilespmem:v7+s2+$0x0], $0xffff  }
0x24: {  	v3 =	vor.u32 v2, v3;
	s16 =	sand.u32 $0x60, s24;
	s19 =	sand.u32 $0x6C, s28;
	s20 =	sand.u32 $0x70, s29;
	v21 =	vor.u32 v2, v14;
	v20 =	vld.idx.msk [tilespmem:v8+s2+$0x0], $0xffff;
	v8 =	vor.u32 s13, v0  }
0x25: {  	v15 =	vor.u32 v2, v15;
	v16 =	vor.u32 v2, v16;
	v24 =	vor.u32 v2, v18;
	s28 =	simm.s32 $0x14;
	s29 =	simm.s32 $0x16;
	s16 =	sor.u32 s16, s15  }
0x26: {  	s30 =	simm.s32 $0x34;
	s17 =	sand.u32 $0x64, s25;
	v27 =	vmov s28;
	v18 =	vmov s29;
	v26 =	vor.u32 s16, v0;
	s13 =	simm.s32 $0x1E;
	v22 =	vld.idx.msk [tilespmem:v9+s2+$0x0], $0xffff  }
0x27: {  	v17 =	vor.u32 v2, v17;
	s21 =	sand.u32 $0x74, s30;
	s14 =	sand.u32 $0x7C, s14;
	s17 =	sor.u32 s15, s17;
	v9 =	vmov s13;
	v23 =	vld.idx.msk [tilespmem:v10+s2+$0x0], $0xffff;
	[tilespmem:v5+s8+$0x0] =	vst.idx.msk $0xffff, v4;
	v4 =	vmov s31  }
0x28: {  	s26 =	simm.s32 $0x28;
	s24 =	sor.u32 s15, s21;
	s14 =	sor.u32 s15, s14;
	v13 =	vor.u32 s17, v0;
	v25 =	vld.idx.msk [tilespmem:v11+s2+$0x0], $0xffff;
	v5 =	vshll.u32 v9, $0x3;
	[tilespmem:v19+s8+$0x0] =	vst.idx.msk $0xffff, v6;
	v9 =	vshll.u32 v4, $0x3  }
0x29: {  	s18 =	sand.u32 $0x68, s26;
	s26 =	simm.s32 $0x12;
	s25 =	simm.s32 $0x10;
	v11 =	vld.idx.msk [tilespmem:v8+s2+$0x0], $0xffff;
	[tilespmem:v21+s8+$0x0] =	vst.idx.msk $0xffff, v7;
	v8 =	vor.u32 s24, v0;
	v6 =	vor.u32 s14, v0;
	v10 =	vor.u32 v1, v9  }
0x2a: {  	s30 =	simm.s32 $0x18;
	s18 =	sor.u32 s15, s18;
	[tilespmem:v15+s8+$0x0] =	vst.idx.msk $0xffff, v20;
	v19 =	vmov s25;
	v21 =	vmov s26;
	v14 =	vor.u32 v2, v10  }
0x2b: {  	s22 =	sor.u32 s15, s19;
	s31 =	simm.s32 $0x1A;
	[tilespmem:v16+s8+$0x0] =	vst.idx.msk $0xffff, v22;
	v16 =	vmov s30;
	v5 =	vor.u32 v1, v5;
	v4 =	vld.idx.msk [tilespmem:v12+s2+$0x0], $0xffff;
	v12 =	vor.u32 s18, v0  }
0x2c: {  	s23 =	sor.u32 s15, s20;
	v15 =	vmov s31;
	[tilespmem:v17+s8+$0x0] =	vst.idx.msk $0xffff, v23;
	v20 =	vshll.u32 v19, $0x3;
	v9 =	vor.u32 s22, v0  }
0x2d: {  	s15 =	simm.s32 $0x5C;
	s14 =	simm.s32 $0x8;
	v7 =	vld.idx.msk [tilespmem:v26+s2+$0x0], $0xffff;
	v19 =	vshll.u32 v21, $0x3;
	v17 =	vshll.u32 v27, $0x3;
	[tilespmem:v24+s8+$0x0] =	vst.idx.msk $0xffff, v25;
	v10 =	vor.u32 s23, v0  }
.LBB2_3:
0x2e: {  	s17 =	sadd.s32 $0xFFFFFFFC, s15  }
0x2f: {  	s14 =	sadd.s32 $0x8, s14;
	v21 =	vld.idx.msk [tilespmem:v13+s2+$0x0], $0xffff;
	v13 =	vshll.u32 v18, $0x3;
	v16 =	vshll.u32 v16, $0x3;
	v15 =	vshll.u32 v15, $0x3;
	[tilespmem:v14+s8+$0x0] =	vst.idx.msk $0xffff, v11;
	s12 =	sadd.s32 $0x80, s12;
	s18 =	sadd.s32 $0xFFFFFFE4, s15  }
0x30: {  	v11 =	vor.u32 v1, v20;
	v14 =	vor.u32 v1, v19;
	s16 =	sand.u32 $0x1E00, s12;
	s17 =	sand.u32 $0x78, s17;
	p0 =	slt.u32 s14, $0x1F8;
	v18 =	vld.idx.msk [tilespmem:v12+s2+$0x0], $0xffff;
	v12 =	vor.u32 v1, v17  }
0x31: {  	s19 =	sadd.s32 $0xFFFFFFE8, s15;
	s20 =	sadd.s32 $0xFFFFFFEC, s15;
	v15 =	vor.u32 v1, v15;
	s17 =	sor.u32 s16, s17;
	v17 =	vld.idx.msk [tilespmem:v9+s2+$0x0], $0xffff;
	v9 =	vor.u32 v1, v13;
	v13 =	vor.u32 v1, v16  }
0x32: {  	s21 =	sadd.s32 $0xFFFFFFF0, s15;
	s22 =	sadd.s32 $0xFFFFFFF4, s15;
	s13 =	sadd.s32 $0x10, s13;
	v19 =	vor.u32 v2, v11;
	v20 =	vor.u32 v2, v14;
	v16 =	vor.u32 s17, v0;
	v22 =	vld.idx.msk [tilespmem:v10+s2+$0x0], $0xffff  }
0x33: {  	s19 =	sand.u32 $0x64, s19;
	v23 =	vor.u32 v2, v12;
	s17 =	sand.u32 $0x60, s18;
	s18 =	sadd.s32 $0xFFFFFFF8, s15;
	v24 =	vor.u32 v2, v9;
	v25 =	vor.u32 v2, v13;
	v26 =	vld.idx.msk [tilespmem:v8+s2+$0x0], $0xffff  }
0x34: {  	s20 =	sand.u32 $0x68, s20;
	s23 =	sadd.s32 $0xFFFFFFFE, s13;
	s21 =	sand.u32 $0x6C, s21;
	v27 =	vor.u32 v2, v15;
	v8 =	vmov s13;
	[tilespmem:v3+s8+$0x0] =	vst.idx.msk $0xffff, v4;
	v3 =	vor.u32 v2, v5;
	v4 =	vld.idx.msk [tilespmem:v6+s2+$0x0], $0xffff  }
0x35: {  	s22 =	sand.u32 $0x70, s22;
	s19 =	sor.u32 s16, s19;
	s18 =	sand.u32 $0x74, s18;
	v5 =	vmov s23;
	v6 =	vshll.u32 v8, $0x3  }
0x36: {  	v13 =	vor.u32 s19, v0;
	s19 =	sor.u32 s16, s21;
	s17 =	sor.u32 s17, s16;
	s23 =	sand.u32 $0x7C, s15;
	v8 =	vshll.u32 v5, $0x3;
	v5 =	vor.u32 v1, v6  }
0x37: {  	s21 =	sadd.s32 $0xFFFFFFF2, s13;
	v28 =	vor.u32 s17, v0;
	s17 =	sor.u32 s16, s20;
	s20 =	sor.u32 s16, s22;
	v6 =	vor.u32 v1, v8;
	v11 =	vld.idx.msk [tilespmem:v16+s2+$0x0], $0xffff;
	[tilespmem:v19+s8+$0x0] =	vst.idx.msk $0xffff, v7  }
.Ltmp0:
0x38: {  	v9 =	vor.u32 s19, v0;
	v12 =	vor.u32 s17, v0;
	s17 =	sor.u32 s16, s18;
	s16 =	sor.u32 s16, s23;
	v14 =	vor.u32 v2, v6;
	[tilespmem:v20+s8+$0x0] =	vst.idx.msk $0xffff, v21;
	(pc) =	sbr.rel @p0 .LBB2_3-.Ltmp0, $4  }
0x39: {  	s19 =	sadd.s32 $0xFFFFFFF6, s13;
	s22 =	sadd.s32 $0xFFFFFFF8, s13;
	s18 =	sadd.s32 $0xFFFFFFF4, s13;
	v10 =	vor.u32 s20, v0;
	v8 =	vor.u32 s17, v0;
	v6 =	vor.u32 s16, v0;
	[tilespmem:v23+s8+$0x0] =	vst.idx.msk $0xffff, v18  }
0x3a: {  	s17 =	sadd.s32 $0xFFFFFFFC, s13;
	v19 =	vmov s21;
	s16 =	sadd.s32 $0xFFFFFFFA, s13;
	v21 =	vmov s18;
	v23 =	vmov s19;
	[tilespmem:v24+s8+$0x0] =	vst.idx.msk $0xffff, v17  }
0x3b: {  	v15 =	vmov s17;
	v16 =	vmov s16;
	v18 =	vmov s22;
	[tilespmem:v25+s8+$0x0] =	vst.idx.msk $0xffff, v22  }
0x3c: {  	s15 =	sadd.s32 $0x20, s15;
	v20 =	vshll.u32 v19, $0x3;
	v19 =	vshll.u32 v21, $0x3;
	v17 =	vshll.u32 v23, $0x3;
	v7 =	vld.idx.msk [tilespmem:v28+s2+$0x0], $0xffff;
	[tilespmem:v27+s8+$0x0] =	vst.idx.msk $0xffff, v26  }
0x3d: {  	_ =	sdelay $0x3  }
0x3e: {  	v20 =	vor.u32 v1, v20;
	v18 =	vshll.u32 v18, $0x3;
	v6 =	vld.idx.msk [tilespmem:v6+s2+$0x0], $0xffff;
	v5 =	vor.u32 v2, v5  }
0x3f: {  	v19 =	vor.u32 v1, v19;
	v16 =	vshll.u32 v16, $0x3;
	v20 =	vor.u32 v2, v20  }
0x40: {  	v13 =	vld.idx.msk [tilespmem:v13+s2+$0x0], $0xffff;
	v17 =	vor.u32 v1, v17;
	v15 =	vshll.u32 v15, $0x3;
	v19 =	vor.u32 v2, v19  }
0x41: {  	v12 =	vld.idx.msk [tilespmem:v12+s2+$0x0], $0xffff;
	[tilespmem:v14+s8+$0x0] =	vst.idx.msk $0xffff, v11;
	v18 =	vor.u32 v1, v18;
	v17 =	vor.u32 v2, v17  }
0x42: {  	v9 =	vld.idx.msk [tilespmem:v9+s2+$0x0], $0xffff;
	[tilespmem:v3+s8+$0x0] =	vst.idx.msk $0xffff, v4;
	v61 =	vor.u32 v1, v16;
	v62 =	vor.u32 v2, v18  }
0x43: {  	v10 =	vld.idx.msk [tilespmem:v10+s2+$0x0], $0xffff;
	v15 =	vor.u32 v1, v15;
	v11 =	vor.u32 v2, v61;
	[tilespmem:v5+s8+$0x0] =	vst.idx.msk $0xffff, v6  }
0x44: {  	v3 =	vld.idx.msk [tilespmem:v8+s2+$0x0], $0xffff;
	v63 =	vor.u32 v2, v15;
	[tilespmem:v20+s8+$0x0] =	vst.idx.msk $0xffff, v7  }
0x45: {  	[tilespmem:v19+s8+$0x0] =	vst.idx.msk $0xffff, v13  }
0x46: {  	[tilespmem:v17+s8+$0x0] =	vst.idx.msk $0xffff, v12  }
0x47: {  	s10 =	sadd.s32 $0x1, s10;
	[tilespmem:v62+s8+$0x0] =	vst.idx.msk $0xffff, v9  }
0x48: {  	p0 =	sne.s32 s10, $0x4;
	[tilespmem:v11+s8+$0x0] =	vst.idx.msk $0xffff, v10  }
.Ltmp1:
0x49: {  	s11 =	sadd.s32 s4, s11;
	[tilespmem:v63+s8+$0x0] =	vst.idx.msk $0xffff, v3;
	(pc) =	sbr.rel @p0 .LBB2_2-.Ltmp1, $4  }
0x4a: {  	[hbm4b:s11+s2] =	stream.linear.scatter [tilespmem:s8], [sflag:$0x1], $0x2000, $0x38;
	[tilespmem:$0x4000] =	vst v63  }
0x4b: {  	_ =	swait.ge [sflag:s7], $0x2000  }
0x4c: {  	[sflag:s7] =	ssyncset.done $0x0  }
0x4d: {  	[sflag:s7] =	ssyncadd.s32 $0xFFFFE000  }
0x4e: {  	s9 =	sadd.s32 $0x1, s9  }
0x4f: {  	p0 =	sne.s32 s9, s6  }
.Ltmp2:
0x50: {  	_ = 	snop;
	(pc) =	sbr.rel @p0 .LBB2_1-.Ltmp2, $1  }
0x51: {  	_ =	sdelay $0x3  }
0x52: {  	_ =	sfence.sel $0x180000  }
0x53: {  	[bflag:$0x0] =	sbarrier.arrive $0xFFFF  }
0x54: {  	p0 =	sne.s32 s3, $0x0;
	_ =	strace $0x90000047  }
0x55: {  	s0 =	sadd.s32 @!p0 $0x100000, s1;
	[bflag:$0x2] =	sbarrier.arrive $0xFFFF  }
0x56: {  	[sflag:s0] =	ssyncadd.tile.s32 @!p0 $0x1;
	_ =	shalt  }
.Lfunc_end2:
_tile_overlayer_lowered:
.L_overlay_start_2:
0x57: {  	(tag) =	ssettag $0x2  }
0x58: {  	s0 =	rddreg [dreg:$0x0];
	s2 =	stileid.u32  }
0x59: {  	s1 =	rddreg [dreg:$0x1];
	p0 =	sne.s32 s2, $0x0  }
0x5a: {  	s3 =	rddreg [dreg:$0x2];
	[bflag:$0x3] =	sbarrier.arrive $0xFFFF;
	s2 =	simm.s32 @!p0 $0x1C01  }
0x5b: {  	[timem:s3], [sflag:s2] =	dma.local @!p0 [hbm:s0], s1  }
0x5c: {  	s0 =	simm.s32 @!p0 $0x1  }
0x5d: {  	_ =	swait.ge @!p0 [sflag:s0], s1  }
0x5e: {  	s1 =	ssub.s32 @!p0 $0x0, s1;
	[sflag:s0] =	ssyncset.done @!p0 $0x0  }
0x5f: {  	[sflag:s0] =	ssyncadd.s32 @!p0 s1  }
0x60: {  	[bflag:$0x3] =	sbarrier.arrive $0xFFFF  }
0x61: {  	_ =	shalt  }

// kernel: kernel.8.cloned.1.call-start
scs
__scs_entry_jumppad:
0x0: {  	(pc) =	sbr.rel $0x88, $3  }
0x1: {  	(tag) =	ssettag $0x0;
	lr =	simm.s32 $0x1  }
0x2: {  	[smem:$0x3F9D] =	sst lr;
	_ =	strace $0xD0000000  }
0x3: {  	_ = 	snop  }
0x4: {  	_ = 	snop  }
0x5: {  	_ = 	snop  }
0x6: {  	_ = 	snop  }
0x7: {  	_ = 	snop  }
__scs_overlays_trampoline_lowered:
0x8: {  	[smem:$0x3FAC] =	sst s0  }
0x9: {  	[smem:$0x3FAD] =	sst s1  }
0xa: {  	[smem:$0x3FAE] =	sst s2  }
0xb: {  	[smem:$0x3FAF] =	sst s3  }
0xc: {  	[smem:$0x3FB0] =	sst s4  }
0xd: {  	[smem:$0x3FB1] =	sst s5  }
0xe: {  	[smem:$0x3FB2] =	sst s6  }
0xf: {  	[smem:$0x3FB3] =	sst s7  }
0x10: {  	[smem:$0x3FB4] =	sst s8  }
0x11: {  	[smem:$0x3FB5] =	sst s9;
	s0 =	simm.s32 @!p0 $0x0  }
0x12: {  	s1 =	sld [smem:$0x3F9B];
	s0 =	simm.s32 @p0 $0x1  }
0x13: {  	[smem:$0x3FB6] =	sst s0;
	s0 =	simm.s32 @!p1 $0x0  }
0x14: {  	s2 =	sld [smem:$0x3F9A];
	s0 =	simm.s32 @p1 $0x1  }
0x15: {  	[smem:$0x3FB7] =	sst s0;
	s0 =	simm.s32 @!p2 $0x0  }
0x16: {  	s3 =	sld [smem:$0x3FDB];
	s0 =	simm.s32 @p2 $0x1  }
0x17: {  	s4 =	simm.s32 $0x1BF5;
	[smem:$0x3FB9] =	sst s0  }
0x18: {  	s0 =	sld [smem:$0x3F9C];
	_ =	swait.ge [sflag:s4], $0x0  }
0x19: {  	s7 =	sld [smem:$0x3F9D]  }
0x1a: {  	s8 =	sadd.s32 $0xFFFFE003, lr  }
0x1b: {  	s9 =	sadd.s32 $0xFFFFFEF7, lr;
	s5 =	simm.s32 $0xFFFFFFFF;
	p2 =	slt.u32 s8, $0xFFFFF086  }
0x1c: {  	p1 =	slt.u32 s9, $0xF7A;
	s5 =	simm.s32 @!p2 $0x0  }
0x1d: {  	s5 =	simm.s32 @p1 $0x1;
	p0 =	seq.s32 s7, s2  }
0x1e: {  	s7 =	smul.u32 @!p0 $0xF7A, s2;
	p2 =	seq.s32 @!p0 s5, $0x0  }
0x1f: {  	s9 =	smul.u32 $0xF7A, s1;
	s8 =	simm.s32 @!p0 $0x1BF5;
	p2 =	por !p2, p0  }
0x20: {  	[sflag:s8] =	ssyncset.s32 @!p0 $0xFFFFF086;
	s6 =	sadd.s32 @!p0 s3, s7;
	s7 =	simm.s32 @!p0 $0x108  }
0x21: {  	s3 =	sadd.s32 s3, s9;
	s6 =	sadd.s32 @!p0 $0x88, s6;
	s7 =	simm.s32 @p2 $0x1082  }
0x22: {  	[simem:s7], [sflag:s8] =	dma.local @!p0 [hbm:s6], $0xF7A  }
0x23: {  	s9 =	sor.u32 $0xD0000000, s2;
	s6 =	simm.s32 $0x108;
	_ =	swait.ge @!p0 [sflag:s8], $0x0  }
0x24: {  	s3 =	sadd.s32 $0x88, s3;
	s6 =	simm.s32 @!p1 $0x1082;
	[sflag:s4] =	ssyncset.s32 $0xFFFFF086  }
0x25: {  	[simem:s6], [sflag:s4] =	dma.local [hbm:s3], $0xF7A  }
0x26: {  	[smem:$0x3F9D] =	sst s1;
	(tag) =	ssettag s2;
	_ =	strace s9  }
0x27: {  	s1 =	sld [smem:$0x3FAD]  }
0x28: {  	s2 =	sld [smem:$0x3FAE]  }
0x29: {  	s4 =	sld [smem:$0x3FB0]  }
0x2a: {  	p0 =	seq.s32 s5, $0x0;
	s5 =	sld [smem:$0x3FB1]  }
0x2b: {  	s6 =	sld [smem:$0x3FB2]  }
0x2c: {  	s7 =	sld [smem:$0x3FB3]  }
0x2d: {  	s3 =	simm.s32 $0x108;
	s8 =	sld [smem:$0x3FB4]  }
0x2e: {  	s3 =	simm.s32 @!p0 $0x1082;
	s9 =	sld [smem:$0x3FB5]  }
0x2f: {  	lr =	sadd.s32 s0, s3;
	s0 =	sld [smem:$0x3FAC]  }
0x30: {  	s3 =	sld [smem:$0x3FAF]  }
0x31: {  	[smem:$0x3FB8] =	sst s10  }
0x32: {  	s10 =	sld [smem:$0x3FB6];
	_ =	sdelay $0x3  }
0x33: {  	p0 =	seq.s32 s10, $0x1;
	s10 =	sld [smem:$0x3FB8];
	_ =	sdelay $0x3  }
0x34: {  	[smem:$0x3FB8] =	sst s10  }
0x35: {  	s10 =	sld [smem:$0x3FB7];
	_ =	sdelay $0x3  }
0x36: {  	p1 =	seq.s32 s10, $0x1;
	s10 =	sld [smem:$0x3FB8];
	_ =	sdelay $0x3  }
0x37: {  	[smem:$0x3FB8] =	sst s10  }
0x38: {  	s10 =	sld [smem:$0x3FB9]  }
0x39: {  	_ = 	snop;
	(pc) =	sbr.ind lr, $3  }
0x3a: {  	_ = 	snop  }
0x3b: {  	_ = 	snop  }
0x3c: {  	p2 =	seq.s32 s10, $0x1;
	s10 =	sld [smem:$0x3FB8]  }
0x3d: {  	_ =	shalt  }
0x3e: {  	_ =	shalt  }
0x3f: {  	_ =	shalt  }
0x40: {  	_ =	shalt  }
0x41: {  	_ =	shalt  }
0x42: {  	_ =	shalt  }
0x43: {  	_ =	shalt  }
0x44: {  	_ =	shalt  }
0x45: {  	_ =	shalt  }
0x46: {  	_ =	shalt  }
0x47: {  	_ =	shalt  }
0x48: {  	_ =	shalt  }
0x49: {  	_ =	shalt  }
0x4a: {  	_ =	shalt  }
0x4b: {  	_ =	shalt  }
0x4c: {  	_ =	shalt  }
0x4d: {  	_ =	shalt  }
0x4e: {  	_ =	shalt  }
0x4f: {  	_ =	shalt  }
0x50: {  	_ =	shalt  }
0x51: {  	_ =	shalt  }
0x52: {  	_ =	shalt  }
0x53: {  	_ =	shalt  }
0x54: {  	_ =	shalt  }
0x55: {  	_ =	shalt  }
0x56: {  	_ =	shalt  }
0x57: {  	_ =	shalt  }
0x58: {  	_ =	shalt  }
0x59: {  	_ =	shalt  }
0x5a: {  	_ =	shalt  }
0x5b: {  	_ =	shalt  }
0x5c: {  	_ =	shalt  }
0x5d: {  	_ =	shalt  }
0x5e: {  	_ =	shalt  }
0x5f: {  	_ =	shalt  }
0x60: {  	_ =	shalt  }
0x61: {  	_ =	shalt  }
0x62: {  	_ =	shalt  }
0x63: {  	_ =	shalt  }
0x64: {  	_ =	shalt  }
0x65: {  	_ =	shalt  }
0x66: {  	_ =	shalt  }
0x67: {  	_ =	shalt  }
0x68: {  	_ =	shalt  }
0x69: {  	_ =	shalt  }
0x6a: {  	_ =	shalt  }
0x6b: {  	_ =	shalt  }
0x6c: {  	_ =	shalt  }
0x6d: {  	_ =	shalt  }
0x6e: {  	_ =	shalt  }
0x6f: {  	_ =	shalt  }
0x70: {  	_ =	shalt  }
0x71: {  	_ =	shalt  }
0x72: {  	_ =	shalt  }
0x73: {  	_ =	shalt  }
0x74: {  	_ =	shalt  }
0x75: {  	_ =	shalt  }
0x76: {  	_ =	shalt  }
0x77: {  	_ =	shalt  }
0x78: {  	_ =	shalt  }
0x79: {  	_ =	shalt  }
0x7a: {  	_ =	shalt  }
0x7b: {  	_ =	shalt  }
0x7c: {  	_ =	shalt  }
0x7d: {  	_ =	shalt  }
0x7e: {  	_ =	shalt  }
0x7f: {  	_ =	shalt  }
0x80: {  	_ =	shalt  }
0x81: {  	_ =	shalt  }
0x82: {  	_ =	shalt  }
0x83: {  	_ =	shalt  }
0x84: {  	_ =	shalt  }
0x85: {  	_ =	shalt  }
0x86: {  	_ =	shalt  }
0x87: {  	_ =	shalt  }
.Lfunc_end0:
.L_simem_size_0:
called_computation.1_lowered:
.L_overlay_start_0:
0x88: {  	s2 =	sld [smem:$0x3FD9]  }
0x89: {  	s3 =	sld [smem:$0x3FFE];
	_ =	sdelay $0x1  }
0x8a: {  	s1 =	srdreg.scid  }
0x8b: {  	s0 =	sand.u32 $0x1, s1  }
0x8c: {  	s17 =	sshll.u32 s0, $0xA;
	s2 =	sadd.s32 s3, s2  }
0x8d: {  	s2 =	sadd.s32 s2, s17  }
0x8e: {  	[smem:$0x3FC4] =	sst s2  }
0x8f: {  	_ = 	snop  }
0x90: {  	s2 =	sld [smem:$0x3FC8]  }
0x91: {  	s18 =	sld [smem:$0x3FC7]  }
0x92: {  	s4 =	sld [smem:$0x3FC6];
	(tm) =	ssettm $0x1  }
0x93: {  	s5 =	sld [smem:$0x3FFB];
	_ =	sdelay $0x3  }
0x94: {  	_ =	strace s5  }
0x95: {  	s5 =	sld [smem:$0x3FFC];
	_ =	sdelay $0x3  }
0x96: {  	_ =	strace s5  }
0x97: {  	s5 =	sld [smem:$0x3FFD];
	_ =	sdelay $0x3  }
0x98: {  	_ =	strace s5  }
0x99: {  	_ =	strace $0x8FFFFFFF  }
0x9a: {  	s19 =	sld [smem:$0x3FDB];
	_ =	sdelay $0x1  }
0x9b: {  	s6 =	simm.s32 $_scs_section_size  }
0x9c: {  	s7 =	simm.s32 $_size__tile_overlayer_lowered;
	s8 =	simm.s32 $_tile_overlayer_lowered  }
0x9d: {  	s22 =	simm.s32 $0x1BFF;
	s21 =	sshll.u32 s8, $0x1;
	s5 =	sadd.s32 s6, s19  }
0x9e: {  	s9 =	simm.s32 $0x0;
	s20 =	sshll.u32 s7, $0x1;
	s7 =	sadd.s32 s21, s5  }
0x9f: {  	[timem:s9], [sflag:s22] =	dma.local [hbm:s7], s20  }
0xa0: {  	_ =	swait.ge [sflag:s22], s20  }
0xa1: {  	s6 =	ssub.s32 $0x0, s20;
	[sflag:s22] =	ssyncset.done $0x0  }
0xa2: {  	[sflag:s22] =	ssyncadd.s32 s6;
	_ =	sdelay $0x1  }
0xa3: {  	s23 =	simm.s32 $0x1B8B  }
0xa4: {  	_ =	swait.ge [sflag:s23], $0x1  }
0xa5: {  	[sflag:s23] =	ssyncset.done $0x0  }
0xa6: {  	s25 =	simm.s32 $0x1B8E;
	s24 =	sld [smem:$0x3FFE];
	[sflag:s23] =	ssyncadd.s32 $0xFFFFFFFF  }
0xa7: {  	s26 =	simm.s32 $execute0_lowered;
	[smem:$0x3FD2] =	sst s25  }
0xa8: {  	s7 =	sshll.u32 s26, $0x1;
	_ =	strace $0x80000049;
	[dreg:$0x1] =	wrdreg $0xFFFFFFFF  }
0xa9: {  	s28 =	simm.s32 $_size_execute0_lowered;
	s5 =	sadd.s32 s5, s7;
	[dreg:$0x0] =	wrdreg $0x0  }
0xaa: {  	s7 =	sshll.u32 s28, $0x1;
	[dreg:$0x2] =	wrdreg s5  }
0xab: {  	[dreg:$0x3] =	wrdreg s7  }
0xac: {  	[dreg:$0x4] =	wrdreg $0xC0  }
0xad: {  	_ =	task [dreg:s9], $0x5FFFF  }
0xae: {  	[dreg:$0x1] =	wrdreg $0xFFFFFFFF  }
0xaf: {  	[dreg:$0x0] =	wrdreg $0x60  }
0xb0: {  	[dreg:$0x2] =	wrdreg s24  }
0xb1: {  	[dreg:$0x3] =	wrdreg s2  }
0xb2: {  	[dreg:$0x4] =	wrdreg s18  }
0xb3: {  	[dreg:$0x5] =	wrdreg s4  }
0xb4: {  	[dreg:$0x6] =	wrdreg $0x168000  }
0xb5: {  	[dreg:$0x7] =	wrdreg $0x9  }
0xb6: {  	_ =	task.clear_ibuf [dreg:s9], $0x8FFFF;
	_ =	strace $0x90000049  }
0xb7: {  	s29 =	simm.s32 $0x9;
	_ =	strace $0x8000004B  }
0xb8: {  	_ =	swait.ge [sflag:s29], $0x1  }
0xb9: {  	[sflag:s29] =	ssyncadd.s32 $0xFFFFFFFF  }
0xba: {  	_ =	strace $0x9000004B  }
0xbb: {  	_ =	sfence  }
0xbc: {  	s30 =	sld [smem:$0x0];
	_ =	sdelay $0x2  }
0xbd: {  	s31 =	sshll.u32 s1, $0xD;
	s1 =	sshrl.u32 s1, $0x2  }
0xbe: {  	s3 =	sand.u32 $0x4000, s31;
	s1 =	sadd.s32 s1, s30  }
0xbf: {  	s0 =	sor.u32 s3, s0;
	s1 =	sshll.u32 s1, $0x11  }
0xc0: {  	s0 =	sor.u32 s1, s0  }
0xc1: {  	s0 =	sadd.s32 $0x8F2B, s0  }
0xc2: {  	[sflag:s0] =	ssyncadd.remote.s32 $0x1  }
0xc3: {  	_ =	sfence.sel $0xFFFF  }
0xc4: {  	[dreg:$0x0] =	wrdreg $0xFFFFFFFF;
	(pc) =	sbr.abs _section_cstart, $3  }
0xc5: {  	[dreg:$0x1] =	wrdreg $0xFFFFFFFF  }
0xc6: {  	_ =	task.clear_ibuf [dreg:s9], $0x2FFFF;
	_ =	strace $0x9FFFFFFF  }
0xc7: {  	(tm) =	ssettm $0x7FFFFFFF  }
tec
execute0_lowered:
.L_overlay_start_1:
0x0: {  	(tag) =	ssettag $0x1  }
0x1: {  	s0 =	rddreg [dreg:$0x0]  }
0x2: {  	s1 =	rddreg [dreg:$0x1]  }
0x3: {  	s2 =	rddreg [dreg:$0x2]  }
0x4: {  	s4 =	rddreg [dreg:$0x3]  }
0x5: {  	s5 =	rddreg [dreg:$0x4]  }
0x6: {  	s3 =	srdreg.scid;
	s9 =	stileid.u32  }
0x7: {  	s7 =	simm.s32 $0x0;
	s16 =	simm.s32 $0xF000;
	s17 =	simm.s32 $0x3  }
0x8: {  	s20 =	simm.s32 $0x1;
	s21 =	simm.s32 $0xF00;
	s28 =	simm.s32 $0x2  }
0x9: {  	s29 =	simm.s32 $0x0;
	s3 =	sand.u32 $0x1, s3;
	s6 =	smul.u32 $0x5A00, s9  }
0xa: {  	[smem:$0x7FF] =	sst s7;
	s7 =	sadd.s32 $0xA00, s0;
	s22 =	smul.u32 $0x5A000, s3  }
0xb: {  	s8 =	sshll.u32 s3, $0x4;
	_ =	strace $0x8000004A;
	s3 =	ssub.s32 $0x2, s3  }
0xc: {  	s8 =	sor.u32 s9, s8;
	s25 =	sshrl.u32 s3, $0x1;
	s23 =	sadd.s32 s6, s22  }
0xd: {  	v0 =	vlaneseq.u32;
	s13 =	smul.u32 $0x16800, s8;
	s3 =	ssub.s32 s3, s25;
	s8 =	sadd.s32 s6, s5  }
0xe: {  	v1 =	vshrl.u32 v0, $0x3;
	v23 =	vand.u32 $0x7, v0;
	v63 =	vmul.u32 $0x8, v0;
	s22 =	simm.s32 $0x4B00;
	s25 =	simm.s32 $0x7800;
	s24 =	sshrl.u32 s23, $0x3  }
0xf: {  	v4 =	vand.u32 $0x1, v0;
	v22 =	vmul.u32 $0x8, v1;
	[tilespmem:$0x1FFC0] =	vst v23;
	s15 =	smax.u32 s3, $0x1;
	s23 =	simm.s32 $0x2D00;
	s11 =	sshrl.u32 s13, $0x3  }
0x10: {  	v5 =	vshrl.u32 v0, $0x1;
	v24 =	vmul.u32 $0x4, v4;
	[tilespmem:$0x1FFF0] =	vst v63;
	s0 =	sadd.s32 s24, s0;
	s12 =	sadd.s32 $0xF00, s13;
	s26 =	sadd.s32 s4, s11  }
0x11: {  	v25 =	vmul.u32 $0x8, v5;
	[tilespmem:$0x1FFB0] =	vst v22;
	s13 =	sadd.s32 $0x1E00, s13;
	s30 =	sadd.s32 s1, s11;
	[dreg:$0x6] =	wrdreg s26  }
0x12: {  	[tilespmem:$0x1FFD0] =	vst v24;
	s24 =	simm.s32 $0x5A00;
	s31 =	sadd.s32 s2, s11;
	[dreg:$0x7] =	wrdreg s30  }
0x13: {  	v61 =	vimm.f32 $0.0e+00;
	[tilespmem:$0x1FFE0] =	vst v25;
	s14 =	sadd.s32 $0x20A00, s0;
	[dreg:$0x8] =	wrdreg s31;
	s26 =	simm.s32 $0x6900  }
.LBB2_1:
0x14: {  	s0 =	simm.s32 $0xE;
	s3 =	simm.s32 $0x2;
	s6 =	simm.s32 $0xC  }
0x15: {  	s11 =	simm.s32 $0x4;
	s18 =	simm.s32 $0x6;
	s19 =	simm.s32 $0x0;
	v0 =	vmov s0;
	v4 =	vmov s3;
	v5 =	vmov s6  }
0x16: {  	s30 =	simm.s32 $0x8;
	s31 =	simm.s32 $0xA;
	v6 =	vmov s11;
	v7 =	vmov s18;
	v8 =	vmov s19  }
0x17: {  	v9 =	vmov s30;
	v10 =	vmov s31;
	v0 =	vshll.u32 v0, $0x3  }
0x18: {  	s18 =	simm.s32 $0x16;
	s19 =	simm.s32 $0x10;
	v5 =	vshll.u32 v5, $0x3;
	v8 =	vshll.u32 v8, $0x3;
	v4 =	vshll.u32 v4, $0x3  }
0x19: {  	s30 =	simm.s32 $0x18;
	v14 =	vmov s18;
	v15 =	vmov s19;
	v5 =	vor.u32 v22, v5  }
0x1a: {  	v16 =	vmov s30;
	v4 =	vor.u32 v22, v4;
	v11 =	vor.u32 v23, v5  }
0x1b: {  	v5 =	vshll.u32 v6, $0x3;
	v6 =	vshll.u32 v7, $0x3;
	v7 =	vor.u32 v22, v8  }
0x1c: {  	v8 =	vshll.u32 v9, $0x3;
	v9 =	vshll.u32 v10, $0x3;
	v10 =	vor.u32 v22, v0  }
0x1d: {  	v12 =	vor.u32 v23, v4;
	v5 =	vor.u32 v22, v5;
	v6 =	vor.u32 v22, v6  }
0x1e: {  	v8 =	vor.u32 v22, v8;
	v9 =	vor.u32 v22, v9;
	v7 =	vor.u32 v23, v7  }
0x1f: {  	s10 =	simm.s32 $0x1C;
	s6 =	simm.s32 $0x1E;
	v13 =	vor.u32 v23, v5;
	v6 =	vor.u32 v23, v6;
	v4 =	vor.u32 v23, v8  }
0x20: {  	s9 =	simm.s32 $0x12;
	v8 =	vmov s6;
	v5 =	vor.u32 v23, v10;
	v10 =	vmov s10  }
0x21: {  	v0 =	vor.u32 v23, v9;
	v9 =	vmov s9;
	v10 =	vshll.u32 v10, $0x3  }
0x22: {  	s11 =	simm.s32 $0x14;
	v8 =	vshll.u32 v8, $0x3;
	v9 =	vshll.u32 v9, $0x3;
	v10 =	vor.u32 v22, v10;
	[tilespmem:v11+s16+$0x0] =	vst.idx.msk $0xffff, v61  }
0x23: {  	s31 =	simm.s32 $0x1A;
	v11 =	vmov s11;
	v17 =	vor.u32 v23, v10;
	[tilespmem:v12+s16+$0x0] =	vst.idx.msk $0xffff, v61;
	v12 =	vshll.u32 v16, $0x3  }
0x24: {  	[tilespmem:v7+s16+$0x0] =	vst.idx.msk $0xffff, v61;
	v7 =	vshll.u32 v15, $0x3;
	v15 =	vmov s31;
	v10 =	vshll.u32 v11, $0x3  }
0x25: {  	v11 =	vshll.u32 v14, $0x3;
	v12 =	vor.u32 v22, v12;
	[tilespmem:v13+s16+$0x0] =	vst.idx.msk $0xffff, v61;
	v7 =	vor.u32 v22, v7  }
0x26: {  	v13 =	vshll.u32 v15, $0x3;
	[tilespmem:v6+s16+$0x0] =	vst.idx.msk $0xffff, v61;
	v6 =	vor.u32 v22, v9;
	v14 =	vor.u32 v22, v10  }
0x27: {  	v15 =	vor.u32 v22, v11;
	v10 =	vor.u32 v22, v8;
	v12 =	vor.u32 v23, v12  }
0x28: {  	v11 =	vor.u32 v22, v13;
	v9 =	vor.u32 v23, v7;
	v7 =	vor.u32 v23, v6  }
0x29: {  	s0 =	simm.s32 $0x8;
	s3 =	simm.s32 $0x2E;
	v8 =	vor.u32 v23, v14;
	v6 =	vor.u32 v23, v15;
	[tilespmem:v17+s16+$0x0] =	vst.idx.msk $0xffff, v61  }
.LBB2_2:
0x2a: {  	s6 =	sadd.s32 $0xFFFFFFF4, s3;
	s18 =	sadd.s32 $0xFFFFFFFE, s3;
	v13 =	vmov s3;
	s0 =	sadd.s32 $0x8, s0;
	v11 =	vor.u32 v23, v11;
	v10 =	vor.u32 v23, v10;
	[tilespmem:v4+s16+$0x0] =	vst.idx.msk $0xffff, v61;
	v4 =	vmovc v12  }
0x2b: {  	s19 =	sadd.s32 $0xFFFFFFF8, s3;
	v12 =	vmov s6;
	s6 =	sadd.s32 $0xFFFFFFF6, s3;
	v14 =	vmov s18;
	v13 =	vshll.u32 v13, $0x3;
	p0 =	slt.u32 s0, $0x778;
	[tilespmem:v0+s16+$0x0] =	vst.idx.msk $0xffff, v61;
	v0 =	vmovc v11  }
0x2c: {  	s18 =	sadd.s32 $0xFFFFFFF2, s3;
	v15 =	vmov s19;
	s19 =	sadd.s32 $0xFFFFFFFC, s3;
	v11 =	vmov s6;
	s6 =	sadd.s32 $0xFFFFFFFA, s3;
	v14 =	vshll.u32 v14, $0x3;
	[tilespmem:v5+s16+$0x0] =	vst.idx.msk $0xffff, v61;
	v5 =	vmovc v10  }
0x2d: {  	v10 =	vmov s18;
	v16 =	vmov s6;
	v14 =	vor.u32 v22, v14;
	[tilespmem:v9+s16+$0x0] =	vst.idx.msk $0xffff, v61  }
0x2e: {  	v9 =	vshll.u32 v10, $0x3;
	v10 =	vmov s19;
	v14 =	vor.u32 v23, v14;
	[tilespmem:v7+s16+$0x0] =	vst.idx.msk $0xffff, v61  }
0x2f: {  	v11 =	vshll.u32 v11, $0x3;
	v7 =	vshll.u32 v12, $0x3;
	v12 =	vshll.u32 v15, $0x3;
	[tilespmem:v8+s16+$0x0] =	vst.idx.msk $0xffff, v61  }
.Ltmp0:
0x30: {  	v10 =	vshll.u32 v10, $0x3;
	v8 =	vor.u32 v22, v9;
	v9 =	vshll.u32 v16, $0x3;
	[tilespmem:v6+s16+$0x0] =	vst.idx.msk $0xffff, v61;
	(pc) =	sbr.rel @p0 .LBB2_2-.Ltmp0, $4  }
0x31: {  	v15 =	vor.u32 v22, v11;
	v12 =	vor.u32 v22, v12;
	v6 =	vor.u32 v22, v7  }
0x32: {  	v11 =	vor.u32 v22, v10;
	v10 =	vor.u32 v22, v13;
	v16 =	vor.u32 v22, v9  }
0x33: {  	v9 =	vor.u32 v23, v8;
	v7 =	vor.u32 v23, v6;
	[tilespmem:v14+s16+$0x0] =	vst.idx.msk $0xffff, v61  }
0x34: {  	s3 =	sadd.s32 $0x10, s3;
	v8 =	vor.u32 v23, v15;
	v6 =	vor.u32 v23, v12;
	v12 =	vor.u32 v23, v16  }
0x35: {  	_ =	sdelay $0x3  }
0x36: {  	[tilespmem:v4+s16+$0x0] =	vst.idx.msk $0xffff, v61  }
0x37: {  	[tilespmem:v0+s16+$0x0] =	vst.idx.msk $0xffff, v61  }
0x38: {  	[tilespmem:v5+s16+$0x0] =	vst.idx.msk $0xffff, v61  }
0x39: {  	v60 =	vor.u32 v23, v11;
	[tilespmem:v9+s16+$0x0] =	vst.idx.msk $0xffff, v61  }
0x3a: {  	v62 =	vor.u32 v23, v10;
	[tilespmem:v7+s16+$0x0] =	vst.idx.msk $0xffff, v61  }
0x3b: {  	[tilespmem:v8+s16+$0x0] =	vst.idx.msk $0xffff, v61  }
0x3c: {  	[tilespmem:v6+s16+$0x0] =	vst.idx.msk $0xffff, v61  }
0x3d: {  	[tilespmem:v12+s16+$0x0] =	vst.idx.msk $0xffff, v61  }
0x3e: {  	[tilespmem:v60+s16+$0x0] =	vst.idx.msk $0xffff, v61  }
0x3f: {  	[tilespmem:v62+s16+$0x0] =	vst.idx.msk $0xffff, v61  }
0x40: {  	[spmem:s8] =	stream.linear.scatter [tilespmem:s16], [sflag:$0x3], $0x5A00, $0x38;
	[tilespmem:$0x1C200] =	vst v63  }
0x41: {  	_ =	swait.ge [sflag:s17], $0x5A00  }
0x42: {  	[sflag:s17] =	ssyncset.done $0x0  }
0x43: {  	[sflag:s17] =	ssyncadd.s32 $0xFFFFA600  }
0x44: {  	[bflag:$0x0] =	sbarrier.arrive $0xFFFF  }
0x45: {  	s30 =	simm.s32 $0x0;
	s0 =	rddreg [dreg:$0x6]  }
0x46: {  	[tilespmem:s30], [sflag:$0x1] =	stream.linear.gather [hbm4b:s0+s30], $0xF00, $0x38;
	[tilespmem:$0x1C200] =	vst v63  }
0x47: {  	s3 =	simm.s32 $0x3C00;
	s18 =	rddreg [dreg:$0x7]  }
0x48: {  	[tilespmem:s3], [sflag:$0x1] =	stream.linear.gather [hbm4b:s18+s30], $0xF00, $0x38;
	[tilespmem:$0x1C200] =	vst v63  }
0x49: {  	s31 =	simm.s32 $0x1E00;
	s19 =	rddreg [dreg:$0x8]  }
0x4a: {  	[tilespmem:s31], [sflag:$0x1] =	stream.linear.gather [hbm4b:s19+s30], $0xF00, $0x38;
	[tilespmem:$0x1C200] =	vst v63  }
.LBB2_4:
0x4b: {  	_ =	swait.ge [sflag:s20], $0xF00  }
0x4c: {  	[sflag:s20] =	ssyncset.done $0x0  }
0x4d: {  	[sflag:s20] =	ssyncadd.s32 $0xFFFFF100  }
0x4e: {  	_ =	swait.ge [sflag:s20], $0xF00  }
0x4f: {  	[sflag:s20] =	ssyncset.done $0x0  }
0x50: {  	[sflag:s20] =	ssyncadd.s32 $0xFFFFF100  }
0x51: {  	_ =	swait.ge [sflag:s20], $0xF00  }
0x52: {  	[sflag:s20] =	ssyncset.done $0x0  }
0x53: {  	s6 =	simm.s32 $0x40;
	[sflag:s20] =	ssyncadd.s32 $0xFFFFF100  }
0x54: {  	v0 =	vld [tilespmem:s6+$0x30]  }
0x55: {  	v4 =	vld [tilespmem:s6+$0xFFFFFFD0]  }
0x56: {  	v5 =	vld [tilespmem:s6+$0xFFFFFFE0]  }
0x57: {  	v8 =	vld [tilespmem:s6+$0x10]  }
0x58: {  	v6 =	vld [tilespmem:s6+$0xFFFFFFF0]  }
0x59: {  	s0 =	simm.s32 $0x5A40;
	v7 =	vld [tilespmem:s6+$0x0];
	v0 =	vshrl.u32 v0, $0x1  }
0x5a: {  	v10 =	vld [tilespmem:s6+$0xFFFFFFC0];
	v4 =	vshrl.u32 v4, $0x1;
	[tilespmem:s0+$0x30] =	vst v0  }
0x5b: {  	s3 =	simm.s32 $0x1E40;
	v9 =	vld [tilespmem:s6+$0x20];
	[tilespmem:s0+$0xFFFFFFD0] =	vst v4;
	v0 =	vshrl.u32 v5, $0x1  }
0x5c: {  	v4 =	vshrl.u32 v8, $0x1;
	v5 =	vld [tilespmem:s3+$0x30];
	[tilespmem:s0+$0xFFFFFFE0] =	vst v0  }
0x5d: {  	v0 =	vshrl.u32 v6, $0x1;
	v6 =	vld [tilespmem:s3+$0xFFFFFFD0];
	[tilespmem:s0+$0x10] =	vst v4  }
0x5e: {  	[tilespmem:s0+$0xFFFFFFF0] =	vst v0;
	v0 =	vshrl.u32 v7, $0x1;
	v11 =	vld [tilespmem:s3+$0xFFFFFFE0]  }
0x5f: {  	v8 =	vshrl.u32 v10, $0x1;
	[tilespmem:s0+$0x0] =	vst v0;
	v0 =	vld [tilespmem:s3+$0xFFFFFFF0]  }
0x60: {  	[tilespmem:s0+$0xFFFFFFC0] =	vst v8;
	v7 =	vshrl.u32 v9, $0x1;
	v4 =	vld [tilespmem:s3+$0x0]  }
0x61: {  	s6 =	simm.s32 $0x6940;
	[tilespmem:s0+$0x20] =	vst v7;
	v7 =	vshrl.u32 v5, $0x1;
	v5 =	vld [tilespmem:s3+$0x10]  }
0x62: {  	v8 =	vshrl.u32 v6, $0x1;
	[tilespmem:s6+$0x30] =	vst v7;
	v7 =	vld [tilespmem:s3+$0x20]  }
0x63: {  	s18 =	simm.s32 $0x0;
	s19 =	simm.s32 $0xC0;
	v6 =	vld [tilespmem:s3+$0xFFFFFFC0];
	[tilespmem:s6+$0xFFFFFFD0] =	vst v8;
	v8 =	vshrl.u32 v11, $0x1  }
.LBB2_5:
0x64: {  	v9 =	vld [tilespmem:s19+$0x30];
	s18 =	sadd.s32 $0x8, s18;
	[tilespmem:s6+$0xFFFFFFE0] =	vst v8;
	v0 =	vshrl.u32 v0, $0x1  }
0x65: {  	v8 =	vld [tilespmem:s19+$0xFFFFFFD0];
	p0 =	slt.u32 s18, $0xE8;
	[tilespmem:s6+$0xFFFFFFF0] =	vst v0;
	v0 =	vshrl.u32 v4, $0x1  }
0x66: {  	v4 =	vld [tilespmem:s19+$0xFFFFFFE0];
	[tilespmem:s6+$0x0] =	vst v0;
	v0 =	vshrl.u32 v5, $0x1  }
0x67: {  	v5 =	vld [tilespmem:s19+$0xFFFFFFF0];
	[tilespmem:s6+$0x10] =	vst v0;
	v0 =	vshrl.u32 v7, $0x1  }
0x68: {  	v7 =	vld [tilespmem:s19+$0x0];
	v6 =	vshrl.u32 v6, $0x1;
	[tilespmem:s6+$0x20] =	vst v0  }
0x69: {  	s0 =	sadd.s32 $0x80, s0;
	v0 =	vld [tilespmem:s19+$0x10];
	v9 =	vshrl.u32 v9, $0x1;
	[tilespmem:s6+$0xFFFFFFC0] =	vst v6  }
0x6a: {  	s3 =	sadd.s32 $0x80, s3;
	v6 =	vshrl.u32 v8, $0x1;
	v8 =	vld [tilespmem:s19+$0x20];
	[tilespmem:s0+$0x30] =	vst v9  }
0x6b: {  	[tilespmem:s0+$0xFFFFFFD0] =	vst v6;
	v4 =	vshrl.u32 v4, $0x1;
	v6 =	vld [tilespmem:s3+$0x30]  }
0x6c: {  	v9 =	vld [tilespmem:s19+$0xFFFFFFC0];
	[tilespmem:s0+$0xFFFFFFE0] =	vst v4;
	v4 =	vshrl.u32 v5, $0x1  }
0x6d: {  	v10 =	vld [tilespmem:s3+$0xFFFFFFD0];
	[tilespmem:s0+$0xFFFFFFF0] =	vst v4;
	v4 =	vshrl.u32 v7, $0x1  }
0x6e: {  	v11 =	vld [tilespmem:s3+$0xFFFFFFE0];
	[tilespmem:s0+$0x0] =	vst v4;
	v4 =	vshrl.u32 v0, $0x1  }
.Ltmp1:
0x6f: {  	v0 =	vld [tilespmem:s3+$0xFFFFFFF0];
	[tilespmem:s0+$0x10] =	vst v4;
	v5 =	vshrl.u32 v8, $0x1;
	(pc) =	sbr.rel @p0 .LBB2_5-.Ltmp1, $4  }
0x70: {  	s6 =	sadd.s32 $0x80, s6;
	v4 =	vld [tilespmem:s3+$0x0];
	[tilespmem:s0+$0x20] =	vst v5;
	v6 =	vshrl.u32 v6, $0x1  }
0x71: {  	v7 =	vshrl.u32 v9, $0x1;
	v5 =	vld [tilespmem:s3+$0x10];
	[tilespmem:s6+$0x30] =	vst v6  }
0x72: {  	[tilespmem:s0+$0xFFFFFFC0] =	vst v7;
	v8 =	vshrl.u32 v10, $0x1;
	v7 =	vld [tilespmem:s3+$0x20]  }
0x73: {  	s19 =	sadd.s32 $0x80, s19;
	v6 =	vld [tilespmem:s3+$0xFFFFFFC0];
	[tilespmem:s6+$0xFFFFFFD0] =	vst v8;
	v8 =	vshrl.u32 v11, $0x1  }
0x74: {  	[tilespmem:s6+$0xFFFFFFE0] =	vst v8;
	v0 =	vshrl.u32 v0, $0x1  }
0x75: {  	s31 =	smul.u32 $0x1E00, s30;
	[tilespmem:s6+$0xFFFFFFF0] =	vst v0;
	v0 =	vshrl.u32 v4, $0x1  }
0x76: {  	[tilespmem:s6+$0x0] =	vst v0;
	v0 =	vshrl.u32 v5, $0x1  }
0x77: {  	s0 =	sadd.s32 s31, s12;
	[tilespmem:s6+$0x10] =	vst v0;
	v0 =	vshrl.u32 v7, $0x1  }
0x78: {  	s0 =	sshrl.u32 s0, $0x3;
	v4 =	vshrl.u32 v6, $0x1;
	[tilespmem:s6+$0x20] =	vst v0  }
0x79: {  	s11 =	simm.s32 $0x0;
	s3 =	sadd.s32 s4, s0;
	[tilespmem:s6+$0xFFFFFFC0] =	vst v4  }
0x7a: {  	[tilespmem:s21], [sflag:$0x2] =	stream.linear.gather [hbm4b:s3+s11], $0xF00, $0x38;
	[tilespmem:$0x1C200] =	vst v63  }
0x7b: {  	s19 =	sadd.s32 s1, s0  }
0x7c: {  	[tilespmem:s22], [sflag:$0x2] =	stream.linear.gather [hbm4b:s19+s11], $0xF00, $0x38;
	[tilespmem:$0x1C200] =	vst v63  }
0x7d: {  	s0 =	sadd.s32 s2, s0  }
0x7e: {  	[tilespmem:s23], [sflag:$0x2] =	stream.linear.gather [hbm4b:s0+s11], $0xF00, $0x38;
	[tilespmem:$0x1C200] =	vst v63  }
0x7f: {  	_ = 	snop  }
0x80: {  	[tilespmem:s25], [sflag:$0x3] =	stream.indirect.gather [hbm4b:s7+s21], $0x8, s24, s21, $0xb8;
	[tilespmem:$0x1C200] =	vst v63  }
0x81: {  	_ =	swait.ge [sflag:s17], $0x7800  }
0x82: {  	[sflag:s17] =	ssyncset.done $0x0  }
0x83: {  	s9 =	simm.s32 $0x20;
	[sflag:s17] =	ssyncadd.s32 $0xFFFF8800  }
0x84: {  	v0 =	vld [tilespmem:s9+$0xFFFFFFE0]  }
0x85: {  	s10 =	simm.s32 $0x1E20;
	v4 =	vld [tilespmem:s9+$0xFFFFFFF0]  }
0x86: {  	v5 =	vld [tilespmem:s10+$0xFFFFFFE0]  }
0x87: {  	v7 =	vld [tilespmem:s9+$0x0]  }
0x88: {  	v9 =	vld [tilespmem:s10+$0x0]  }
0x89: {  	s18 =	simm.s32 $0x10;
	s19 =	simm.s32 $0x3C20;
	v11 =	vld [tilespmem:s10+$0xFFFFFFF0]  }
0x8a: {  	v8 =	vmov s18;
	v20 =	vld [tilespmem:s19+$0x0]  }
0x8b: {  	s18 =	simm.s32 $0x30;
	v8 =	vshll.u32 v8, $0x3;
	v6 =	vmov s11;
	s11 =	simm.s32 $0x20;
	v14 =	vld [tilespmem:s10+$0x10]  }
0x8c: {  	v13 =	vmov s18;
	v6 =	vshll.u32 v6, $0x3;
	v10 =	vmov s11;
	s11 =	simm.s32 $0x60;
	v32 =	vld [tilespmem:s19+$0xFFFFFFE0]  }
0x8d: {  	v8 =	vor.u32 v63, v8;
	v6 =	vor.u32 v63, v6;
	v35 =	vmov s11;
	v28 =	vld [tilespmem:s19+$0xFFFFFFF0];
	s10 =	simm.s32 $0x50  }
0x8e: {  	v10 =	vshll.u32 v10, $0x3;
	v35 =	vshll.u32 v35, $0x3;
	v23 =	vld [tilespmem:s19+$0x10];
	s19 =	simm.s32 $0x40;
	v25 =	vmov s10  }
0x8f: {  	v35 =	vor.u32 v63, v35;
	v12 =	vld [tilespmem:s9+$0x10];
	v38 =	vmov s19;
	v36 =	vshll.u32 v25, $0x3  }
0x90: {  	s3 =	simm.s32 $0x60;
	v46 =	vor.u32 v63, v36;
	v0 =	vshll.u32 v0, $0x2;
	v4 =	vshll.u32 v4, $0x2  }
0x91: {  	s9 =	simm.s32 $0x1E60;
	v44 =	vld [tilespmem:s3+$0xFFFFFFF0];
	v7 =	vshll.u32 v7, $0x2;
	v5 =	vshll.u32 v5, $0x2;
	v0 =	vand.u32 $0x4, v0  }
0x92: {  	v34 =	vld [tilespmem:s9+$0xFFFFFFE0];
	v4 =	vand.u32 $0x4, v4;
	v7 =	vand.u32 $0x4, v7;
	v0 =	vor.u32 v6, v0  }
0x93: {  	v18 =	vor.u32 v8, v4;
	v4 =	vor.u32 v63, v10;
	v10 =	vshll.u32 v13, $0x3  }
0x94: {  	v60 =	vor.u32 v4, v7;
	v7 =	vshll.u32 v11, $0x2;
	v11 =	vshll.u32 v12, $0x2  }
0x95: {  	v9 =	vshll.u32 v9, $0x2;
	v10 =	vor.u32 v63, v10;
	v11 =	vand.u32 $0x4, v11  }
0x96: {  	v59 =	vshll.u32 v44, $0x2;
	v5 =	vand.u32 $0x4, v5;
	v13 =	vor.u32 v10, v11  }
0x97: {  	v9 =	vand.u32 $0x4, v9;
	v34 =	vshll.u32 v34, $0x2;
	v33 =	vor.u32 v6, v5;
	v12 =	vld.idx.msk [tilespmem:v0+s25+$0x0], $0xffff  }
0x98: {  	v5 =	vsub.s32 v6, v5;
	v22 =	vor.u32 v4, v9;
	v24 =	vsub.s32 v4, v9  }
0x99: {  	v9 =	vshll.u32 v14, $0x2;
	v14 =	vxor.u32 $0x4, v33;
	v15 =	vor.u32 $0x1, v0;
	v6 =	vld.idx.msk [tilespmem:v60+s25+$0x0], $0xffff  }
0x9a: {  	v19 =	vadd.s32 $0x6, v5;
	v17 =	vor.u32 $0x2, v0;
	v7 =	vand.u32 $0x4, v7  }
0x9b: {  	v5 =	vadd.s32 $0x5, v5;
	v30 =	vor.u32 v8, v7;
	v29 =	vsub.s32 v8, v7;
	v8 =	vld.idx.msk [tilespmem:v13+s25+$0x0], $0xffff  }
0x9c: {  	v56 =	vld [tilespmem:s3+$0x0];
	v25 =	vor.u32 $0x3, v0;
	v9 =	vand.u32 $0x4, v9;
	v7 =	vmul.f32 v12, v32  }
0x9d: {  	v40 =	vor.u32 $0x1, v33;
	v2 =	vor.u32 $0x2, v33;
	v21 =	vor.u32 v10, v9;
	v11 =	vld.idx.msk [tilespmem:v18+s25+$0x0], $0xffff  }
0x9e: {  	v9 =	vsub.s32 v10, v9;
	v10 =	vxor.u32 $0x4, v21;
	v16 =	vmul.f32 v6, v20;
	v6 =	vld [tilespmem:s3+$0xFFFFFFE0];
	[tilespmem:v33+s16+$0x0] =	vst.idx.msk $0xffff, v7  }
0x9f: {  	v39 =	vld [tilespmem:s9+$0xFFFFFFF0];
	v4 =	vxor.u32 $0x4, v22;
	v31 =	vor.u32 $0x1, v22;
	[tilespmem:v14+s16+$0x0] =	vst.idx.msk $0xffff, v61;
	v14 =	vor.u32 $0x1, v13  }
0xa0: {  	s18 =	simm.s32 $0x70;
	v37 =	vld [tilespmem:s9+$0x0];
	v27 =	vadd.s32 $0x5, v24;
	v43 =	vadd.s32 $0x5, v9;
	v8 =	vmul.f32 v8, v23  }
0xa1: {  	v45 =	vor.u32 $0x1, v21;
	v0 =	vshll.u32 v38, $0x3;
	v7 =	vmov s18;
	v15 =	vld.idx.msk [tilespmem:v15+s25+$0x0], $0xffff  }
0xa2: {  	v0 =	vor.u32 v63, v0;
	v11 =	vmul.f32 v11, v28;
	v7 =	vshll.u32 v7, $0x3;
	[tilespmem:v21+s16+$0x0] =	vst.idx.msk $0xffff, v8  }
0xa3: {  	v12 =	vxor.u32 $0x4, v30;
	v47 =	vor.u32 v63, v7;
	[tilespmem:v10+s16+$0x0] =	vst.idx.msk $0xffff, v61;
	v6 =	vshll.u32 v6, $0x2  }
0xa4: {  	v7 =	vor.u32 $0x1, v18;
	v8 =	vshll.u32 v39, $0x2;
	v6 =	vand.u32 $0x4, v6;
	v14 =	vld.idx.msk [tilespmem:v14+s25+$0x0], $0xffff  }
0xa5: {  	v57 =	vld [tilespmem:s3+$0x10];
	v10 =	vshll.u32 v56, $0x2;
	v48 =	vor.u32 v0, v6;
	v6 =	vshll.u32 v37, $0x2  }
0xa6: {  	v62 =	vld [tilespmem:s9+$0x10];
	s19 =	simm.s32 $0x3C60;
	[tilespmem:v30+s16+$0x0] =	vst.idx.msk $0xffff, v11;
	v58 =	vand.u32 $0x4, v8;
	v15 =	vmul.f32 v15, v32;
	v11 =	vand.u32 $0x4, v6  }
0xa7: {  	v1 =	vld [tilespmem:s19+$0x0];
	v26 =	vor.u32 v35, v11;
	v8 =	vsub.s32 v35, v11;
	v11 =	vand.u32 $0x4, v59  }
0xa8: {  	v52 =	vadd.s32 $0x6, v9;
	v9 =	vld [tilespmem:s19+$0xFFFFFFE0];
	[tilespmem:v12+s16+$0x0] =	vst.idx.msk $0xffff, v61;
	v10 =	vand.u32 $0x4, v10;
	v6 =	vor.u32 v46, v11  }
0xa9: {  	v50 =	vld.idx.msk [tilespmem:v7+s25+$0x0], $0xffff;
	[tilespmem:v40+s16+$0x0] =	vst.idx.msk $0xffff, v15;
	v40 =	vor.u32 v35, v10;
	v14 =	vmul.f32 v14, v23  }
0xaa: {  	v55 =	vor.u32 $0x2, v60;
	v41 =	vadd.s32 $0x5, v29;
	v49 =	vor.u32 $0x2, v13;
	[tilespmem:v5+s16+$0x0] =	vst.idx.msk $0xffff, v61;
	v5 =	vld.idx.msk [tilespmem:v48+s25+$0x0], $0xffff  }
0xab: {  	v42 =	vor.u32 $0x1, v30;
	v10 =	vand.u32 $0x4, v34;
	[tilespmem:v45+s16+$0x0] =	vst.idx.msk $0xffff, v14;
	v14 =	vld.idx.msk [tilespmem:v17+s25+$0x0], $0xffff;
	v17 =	vor.u32 $0x1, v60  }
0xac: {  	v12 =	vshll.u32 v57, $0x2;
	v45 =	vor.u32 v0, v10;
	v0 =	vsub.s32 v0, v10;
	v10 =	vld [tilespmem:s19+$0xFFFFFFF0]  }
0xad: {  	v38 =	vxor.u32 $0x7, v33;
	[tilespmem:v22+s16+$0x0] =	vst.idx.msk $0xffff, v16;
	v12 =	vand.u32 $0x4, v12;
	v3 =	vor.u32 v46, v58;
	v37 =	vld.idx.msk [tilespmem:v6+s25+$0x0], $0xffff  }
0xae: {  	v39 =	vor.u32 v47, v12;
	v12 =	vshll.u32 v62, $0x2;
	v62 =	vor.u32 $0x2, v18;
	[tilespmem:v43+s16+$0x0] =	vst.idx.msk $0xffff, v61;
	v54 =	vld.idx.msk [tilespmem:v40+s25+$0x0], $0xffff  }
0xaf: {  	[tilespmem:v4+s16+$0x0] =	vst.idx.msk $0xffff, v61;
	v16 =	vand.u32 $0x4, v12;
	v34 =	vld.idx.msk [tilespmem:v49+s25+$0x0], $0xffff;
	v56 =	vmul.f32 v5, v9;
	v5 =	vor.u32 $0x1, v26  }
0xb0: {  	v12 =	vor.u32 v47, v16;
	v44 =	vmul.f32 v50, v28;
	v53 =	vld.idx.msk [tilespmem:v17+s25+$0x0], $0xffff;
	[tilespmem:$0x1FF80] =	vst v5;
	v5 =	vadd.s32 $0x5, v8  }
0xb1: {  	v4 =	vsub.s32 v47, v16;
	v47 =	vxor.u32 $0x7, v30;
	v43 =	vxor.u32 $0x4, v45;
	[tilespmem:$0x1FF90] =	vst v5  }
0xb2: {  	v35 =	vor.u32 $0x2, v21;
	v50 =	vor.u32 $0x1, v48;
	v57 =	vmul.f32 v14, v32;
	[tilespmem:v42+s16+$0x0] =	vst.idx.msk $0xffff, v44  }
0xb3: {  	s9 =	simm.s32 $0x1EA0;
	v7 =	vor.u32 $0x3, v48;
	v59 =	vxor.u32 $0x4, v12;
	v36 =	vxor.u32 $0x4, v26;
	v42 =	vld.idx.msk [tilespmem:v39+s25+$0x0], $0xffff;
	[tilespmem:v45+s16+$0x0] =	vst.idx.msk $0xffff, v56  }
0xb4: {  	v15 =	vsub.s32 v46, v58;
	v58 =	vor.u32 $0x2, v30;
	v46 =	vor.u32 $0x3, v60;
	v60 =	vld [tilespmem:s9+$0x0];
	[tilespmem:v2+s16+$0x0] =	vst.idx.msk $0xffff, v57  }
0xb5: {  	v30 =	vor.u32 $0x3, v30;
	v34 =	vmul.f32 v34, v23;
	[tilespmem:v41+s16+$0x0] =	vst.idx.msk $0xffff, v61;
	v41 =	vor.u32 $0x3, v13;
	v13 =	vld [tilespmem:s19+$0x10]  }
0xb6: {  	v16 =	vadd.s32 $0x6, v0;
	v0 =	vadd.s32 $0x5, v0;
	v5 =	vor.u32 $0x3, v33;
	[tilespmem:v43+s16+$0x0] =	vst.idx.msk $0xffff, v61;
	v33 =	vld.idx.msk [tilespmem:v62+s25+$0x0], $0xffff  }
0xb7: {  	s0 =	simm.s32 $0xA0;
	v44 =	vmul.f32 v37, v10;
	[tilespmem:v35+s16+$0x0] =	vst.idx.msk $0xffff, v34;
	v50 =	vld.idx.msk [tilespmem:v50+s25+$0x0], $0xffff;
	v37 =	vmul.f32 v53, v20  }
0xb8: {  	v11 =	vmovc v8;
	v49 =	vxor.u32 $0x4, v3;
	v17 =	vmovc v6;
	v6 =	vadd.s32 $0x6, v24;
	v8 =	vxor.u32 $0x7, v22;
	v53 =	vld [tilespmem:s0+$0xFFFFFFE0];
	[tilespmem:v52+s16+$0x0] =	vst.idx.msk $0xffff, v61  }
0xb9: {  	v56 =	vadd.s32 $0x6, v29;
	v29 =	vor.u32 $0x2, v22;
	v57 =	vor.u32 $0x3, v22;
	[tilespmem:v31+s16+$0x0] =	vst.idx.msk $0xffff, v37;
	v31 =	vld [tilespmem:s9+$0xFFFFFFE0]  }
0xba: {  	s11 =	simm.s32 $0xA0;
	s10 =	simm.s32 $0x90;
	v35 =	vmul.f32 v54, v1;
	[tilespmem:v27+s16+$0x0] =	vst.idx.msk $0xffff, v61;
	v42 =	vmul.f32 v42, v13;
	v41 =	vld.idx.msk [tilespmem:v41+s25+$0x0], $0xffff  }
0xbb: {  	v51 =	vmovc v1;
	s19 =	simm.s32 $0x80;
	v54 =	vor.u32 $0x2, v48;
	v1 =	vmov s10;
	v62 =	vmov s11;
	v43 =	vld.idx.msk [tilespmem:v55+s25+$0x0], $0xffff;
	[tilespmem:$0x1FFA0] =	vst v7  }
0xbc: {  	s18 =	simm.s32 $0xB0;
	v2 =	vmov s19;
	v27 =	vshll.u32 v1, $0x3;
	v1 =	vimm.f32 $0.0e+00;
	[tilespmem:v12+s16+$0x0] =	vst.idx.msk $0xffff, v42  }
0xbd: {  	v48 =	vor.u32 $0x1, v45;
	v34 =	vshll.u32 v62, $0x3;
	v52 =	vmov s18;
	[tilespmem:v19+s16+$0x0] =	vst.idx.msk $0xffff, v1  }
0xbe: {  	v62 =	vxor.u32 $0x7, v21;
	v55 =	vor.u32 $0x1, v39;
	v33 =	vmul.f32 v33, v28;
	[tilespmem:v3+s16+$0x0] =	vst.idx.msk $0xffff, v44  }
0xbf: {  	v34 =	vor.u32 v63, v34;
	v37 =	vshll.u32 v2, $0x3;
	v2 =	vadd.s32 $0x5, v15;
	v22 =	vld [tilespmem:s0+$0x0];
	[tilespmem:v26+s16+$0x0] =	vst.idx.msk $0xffff, v35  }
0xc0: {  	v61 =	vor.u32 $0x3, v21;
	v50 =	vmul.f32 v50, v9;
	v42 =	vor.u32 $0x3, v18;
	[tilespmem:v58+s16+$0x0] =	vst.idx.msk $0xffff, v33  }
0xc1: {  	v18 =	vld [tilespmem:s9+$0xFFFFFFF0];
	v19 =	vshll.u32 v53, $0x2;
	v33 =	vor.u32 v63, v37;
	[tilespmem:v59+s16+$0x0] =	vst.idx.msk $0xffff, v1;
	v58 =	vor.u32 $0x1, v3  }
0xc2: {  	[tilespmem:v48+s16+$0x0] =	vst.idx.msk $0xffff, v50;
	v37 =	vld [tilespmem:s0+$0x10];
	v50 =	vor.u32 $0x1, v17;
	v19 =	vand.u32 $0x4, v19;
	v59 =	vshll.u32 v31, $0x2  }
0xc3: {  	v41 =	vmul.f32 v41, v23;
	v23 =	vshll.u32 v60, $0x2;
	v43 =	vmul.f32 v43, v20;
	v55 =	vld.idx.msk [tilespmem:v55+s25+$0x0], $0xffff  }
0xc4: {  	[tilespmem:v49+s16+$0x0] =	vst.idx.msk $0xffff, v1;
	v44 =	vld.idx.msk [tilespmem:v25+s25+$0x0], $0xffff;
	v25 =	vor.u32 v33, v19;
	v60 =	vand.u32 $0x4, v23;
	v22 =	vshll.u32 v22, $0x2  }
0xc5: {  	v31 =	vld [tilespmem:s0+$0xFFFFFFF0];
	[tilespmem:v29+s16+$0x0] =	vst.idx.msk $0xffff, v43;
	v29 =	vshll.u32 v52, $0x3;
	v52 =	vor.u32 v63, v27;
	v27 =	vor.u32 $0x1, v12  }
0xc6: {  	v18 =	vshll.u32 v18, $0x2;
	v23 =	vor.u32 v34, v60;
	[tilespmem:v61+s16+$0x0] =	vst.idx.msk $0xffff, v41;
	v61 =	vor.u32 $0x2, v12  }
0xc7: {  	[tilespmem:v56+s16+$0x0] =	vst.idx.msk $0xffff, v1;
	v56 =	vld [tilespmem:s9+$0x10];
	v43 =	vadd.s32 $0x5, v4;
	v53 =	vand.u32 $0x4, v18;
	v48 =	vshll.u32 v37, $0x2  }
0xc8: {  	[tilespmem:v36+s16+$0x0] =	vst.idx.msk $0xffff, v1;
	s0 =	simm.s32 $0x3CA0;
	v22 =	vand.u32 $0x4, v22;
	v21 =	vxor.u32 $0x4, v23;
	v18 =	vmul.f32 v55, v13  }
0xc9: {  	[tilespmem:v0+s16+$0x0] =	vst.idx.msk $0xffff, v1;
	v36 =	vld [tilespmem:s0+$0xFFFFFFF0];
	v63 =	vor.u32 v63, v29;
	v29 =	vor.u32 $0x2, v45;
	v19 =	vor.u32 v52, v53  }
0xca: {  	v42 =	vld.idx.msk [tilespmem:v42+s25+$0x0], $0xffff;
	v37 =	vshll.u32 v31, $0x2;
	[tilespmem:v27+s16+$0x0] =	vst.idx.msk $0xffff, v18;
	v18 =	vsub.s32 v34, v60;
	v60 =	vor.u32 $0x2, v39  }
0xcb: {  	v49 =	vld.idx.msk [tilespmem:v50+s25+$0x0], $0xffff;
	[tilespmem:v6+s16+$0x0] =	vst.idx.msk $0xffff, v1;
	v31 =	vor.u32 v34, v22;
	v0 =	vand.u32 $0x4, v48;
	v48 =	vadd.s32 $0x6, v4  }
0xcc: {  	v4 =	vmul.f32 v44, v32;
	v41 =	vshll.u32 v56, $0x2;
	v22 =	vand.u32 $0x4, v37;
	v46 =	vld.idx.msk [tilespmem:v46+s25+$0x0], $0xffff  }
0xcd: {  	v37 =	vand.u32 $0x4, v59;
	v44 =	vand.u32 $0x4, v41;
	v41 =	vsub.s32 v52, v53;
	v55 =	vld.idx.msk [tilespmem:v54+s25+$0x0], $0xffff  }
0xce: {  	v27 =	vor.u32 v52, v22;
	v22 =	vor.u32 v63, v0;
	v0 =	vld.idx.msk [tilespmem:v25+s25+$0x0], $0xffff;
	[tilespmem:v43+s16+$0x0] =	vst.idx.msk $0xffff, v1  }
0xcf: {  	v32 =	vor.u32 $0x3, v45;
	v53 =	vor.u32 $0x3, v39;
	v50 =	vsub.s32 v33, v37;
	[tilespmem:v5+s16+$0x0] =	vst.idx.msk $0xffff, v4;
	v59 =	vld.idx.msk [tilespmem:v60+s25+$0x0], $0xffff  }
0xd0: {  	v35 =	vor.u32 v63, v44;
	v5 =	vmul.f32 v42, v28;
	v34 =	vor.u32 v33, v37;
	v33 =	vld [tilespmem:s0+$0xFFFFFFE0]  }
0xd1: {  	v28 =	vsub.s32 v63, v44;
	v44 =	vxor.u32 $0x7, v3;
	[tilespmem:v38+s16+$0x0] =	vst.idx.msk $0xffff, v1;
	v38 =	vadd.s32 $0x6, v50;
	v4 =	vld.idx.msk [tilespmem:v31+s25+$0x0], $0xffff  }
0xd2: {  	v56 =	vmul.f32 v49, v10;
	v63 =	vor.u32 $0x1, v40;
	[tilespmem:v30+s16+$0x0] =	vst.idx.msk $0xffff, v5;
	v5 =	vmul.f32 v46, v20;
	v20 =	vld [tilespmem:s0+$0x0]  }
0xd3: {  	[tilespmem:v62+s16+$0x0] =	vst.idx.msk $0xffff, v1;
	v49 =	vor.u32 $0x1, v25;
	v52 =	vor.u32 $0x2, v40;
	v39 =	vor.u32 $0x3, v40;
	v37 =	vld.idx.msk [tilespmem:v27+s25+$0x0], $0xffff  }
0xd4: {  	v54 =	vxor.u32 $0x4, v34;
	v43 =	vor.u32 $0x1, v23;
	[tilespmem:v58+s16+$0x0] =	vst.idx.msk $0xffff, v56;
	v30 =	vmul.f32 v59, v13  }
0xd5: {  	v42 =	vadd.s32 $0x5, v18;
	v46 =	vor.u32 $0x2, v3;
	v56 =	vor.u32 $0x2, v17;
	[tilespmem:v57+s16+$0x0] =	vst.idx.msk $0xffff, v5  }
0xd6: {  	v60 =	vmul.f32 v0, v33;
	v0 =	vmul.f32 v55, v9;
	v5 =	vld.idx.msk [tilespmem:v22+s25+$0x0], $0xffff;
	[tilespmem:v61+s16+$0x0] =	vst.idx.msk $0xffff, v30;
	v61 =	vimm.f32 $0.0e+00  }
0xd7: {  	s6 =	simm.s32 $0x1EE0;
	v58 =	vxor.u32 $0x4, v19;
	v55 =	vxor.u32 $0x4, v35;
	v63 =	vld.idx.msk [tilespmem:v63+s25+$0x0], $0xffff;
	v57 =	vmul.f32 v4, v20;
	[tilespmem:v47+s16+$0x0] =	vst.idx.msk $0xffff, v61  }
0xd8: {  	s3 =	simm.s32 $0x8;
	s19 =	simm.s32 $0xE0;
	s18 =	simm.s32 $0xC0;
	v59 =	vmovc v3;
	v62 =	vmul.f32 v37, v36;
	v37 =	vld [tilespmem:s0+$0x10];
	v30 =	vxor.u32 $0x7, v45;
	[tilespmem:v2+s16+$0x0] =	vst.idx.msk $0xffff, v61;
	v47 =	vadd.s32 $0x6, v11  }
.LBB2_7:
0xd9: {  	v1 =	vld [tilespmem:s19+$0xFFFFFFE0]  }
0xda: {  	v40 =	vmov v31;
	v31 =	vld [tilespmem:s6+$0xFFFFFFE0]  }
0xdb: {  	[tilespmem:v34+s16+$0x0] =	vst.idx.msk $0xffff, v60;
	v60 =	vmov v10;
	v10 =	vld [tilespmem:$0x1FF80];
	_ =	sdelay $0x2  }
0xdc: {  	v2 =	vor.u32 $0x2, v25;
	[tilespmem:v48+s16+$0x0] =	vst.idx.msk $0xffff, v61  }
0xdd: {  	[tilespmem:$0x1FF40] =	vst v2  }
0xde: {  	s9 =	sadd.s32 $0x10, s18;
	v3 =	vadd.s32 $0x6, v15;
	v6 =	vxor.u32 $0x7, v26;
	[tilespmem:v8+s16+$0x0] =	vst.idx.msk $0xffff, v61  }
0xdf: {  	v4 =	vmovc v9;
	v15 =	vmovc v41;
	v41 =	vor.u32 $0x3, v25;
	v25 =	vmul.f32 v63, v51;
	v7 =	vmov s9;
	[tilespmem:$0x1FF70] =	vst v6;
	v14 =	vld [tilespmem:s6+$0x0]  }
0xe0: {  	v9 =	vmovc v33;
	v2 =	vor.u32 $0x2, v26;
	v33 =	vshll.u32 v7, $0x3;
	[tilespmem:v54+s16+$0x0] =	vst.idx.msk $0xffff, v61;
	v7 =	vor.u32 $0x3, v26;
	v26 =	vmovc v23;
	v23 =	vld [tilespmem:s19+$0x0]  }
0xe1: {  	s10 =	sadd.s32 $0x20, s18;
	v54 =	vor.u32 $0x3, v12;
	v61 =	vxor.u32 $0x7, v12;
	v12 =	vmov v35;
	[tilespmem:v10+s16+$0x0] =	vst.idx.msk $0xffff, v25;
	v10 =	vld [tilespmem:$0x1FF90]  }
0xe2: {  	v24 =	vmov s10;
	v48 =	vld.idx.msk [tilespmem:v53+s25+$0x0], $0xffff;
	[tilespmem:v29+s16+$0x0] =	vst.idx.msk $0xffff, v0  }
0xe3: {  	v45 =	vmovc v34;
	v11 =	vmov v21;
	v21 =	vimm.f32 $0.0e+00;
	v34 =	vshll.u32 v24, $0x3;
	v24 =	vld [tilespmem:$0x1FFF0];
	[tilespmem:$0x1FF50] =	vst v7  }
0xe4: {  	v35 =	vld.idx.msk [tilespmem:v49+s25+$0x0], $0xffff;
	[tilespmem:v16+s16+$0x0] =	vst.idx.msk $0xffff, v21;
	v5 =	vmul.f32 v5, v37;
	v7 =	vmov v38;
	v38 =	vmov v43  }
0xe5: {  	v0 =	vld.idx.msk [tilespmem:v56+s25+$0x0], $0xffff;
	[tilespmem:$0x1FF80] =	vst v38  }
0xe6: {  	v38 =	vld [tilespmem:s19+$0xFFFFFFF0];
	[tilespmem:v12+s16+$0x0] =	vst.idx.msk $0xffff, v5  }
0xe7: {  	v50 =	vadd.s32 $0x5, v50;
	v25 =	vld [tilespmem:s6+$0xFFFFFFF0];
	[tilespmem:v19+s16+$0x0] =	vst.idx.msk $0xffff, v62  }
0xe8: {  	v53 =	vmov s18;
	v49 =	vor.u32 $0x1, v22;
	v43 =	vor.u32 v24, v33;
	v33 =	vld [tilespmem:s19+$0x10];
	[tilespmem:v55+s16+$0x0] =	vst.idx.msk $0xffff, v21  }
0xe9: {  	v63 =	vor.u32 $0x1, v19;
	v29 =	vshll.u32 v53, $0x3;
	v16 =	vor.u32 $0x3, v17;
	[tilespmem:v10+s16+$0x0] =	vst.idx.msk $0xffff, v21  }
0xea: {  	s11 =	sadd.s32 $0x30, s18;
	v6 =	vmov v27;
	v0 =	vmul.f32 v0, v60;
	[tilespmem:v58+s16+$0x0] =	vst.idx.msk $0xffff, v21;
	v10 =	vmov v42;
	v27 =	vld.idx.msk [tilespmem:v52+s25+$0x0], $0xffff  }
0xeb: {  	v8 =	vmovc v36;
	v36 =	vmov s11;
	v17 =	vshll.u32 v31, $0x2;
	v1 =	vshll.u32 v1, $0x2;
	[tilespmem:$0x1FF90] =	vst v10;
	v10 =	vld [tilespmem:$0x1FFA0]  }
0xec: {  	v56 =	vmovc v44;
	v31 =	vor.u32 $0x1, v45;
	v1 =	vand.u32 $0x4, v1;
	v44 =	vor.u32 v24, v29;
	[tilespmem:v46+s16+$0x0] =	vst.idx.msk $0xffff, v0  }
0xed: {  	v34 =	vor.u32 v24, v34;
	v29 =	vshll.u32 v36, $0x3;
	v49 =	vld.idx.msk [tilespmem:v49+s25+$0x0], $0xffff;
	[tilespmem:v3+s16+$0x0] =	vst.idx.msk $0xffff, v21;
	v52 =	vor.u32 $0x1, v6  }
0xee: {  	[tilespmem:$0x1FF60] =	vst v18;
	s0 =	sadd.s32 $0x40, s0;
	v5 =	vor.u32 $0x1, v12;
	v36 =	vshll.u32 v23, $0x2;
	v3 =	vmovc v41;
	v16 =	vld.idx.msk [tilespmem:v16+s25+$0x0], $0xffff;
	v23 =	vshll.u32 v25, $0x2  }
0xef: {  	v25 =	vor.u32 v44, v1;
	v1 =	vand.u32 $0x4, v23;
	v58 =	vld [tilespmem:s0+$0x0];
	[tilespmem:v26+s16+$0x0] =	vst.idx.msk $0xffff, v57;
	v0 =	vmul.f32 v27, v51  }
0xf0: {  	v35 =	vmul.f32 v35, v9;
	v62 =	vor.u32 v43, v1;
	v42 =	vor.u32 v24, v29;
	v24 =	vld [tilespmem:$0x1FF40];
	[tilespmem:$0x1FFA0] =	vst v3  }
0xf1: {  	v18 =	vadd.s32 $0x5, v28;
	v57 =	vmul.f32 v48, v13;
	v13 =	vmovc v37;
	v3 =	vshll.u32 v38, $0x2;
	v37 =	vld [tilespmem:s6+$0x10];
	[tilespmem:v2+s16+$0x0] =	vst.idx.msk $0xffff, v0  }
0xf2: {  	v46 =	vor.u32 $0x2, v22;
	v41 =	vsub.s32 v43, v1;
	v0 =	vand.u32 $0x4, v3;
	v3 =	vld.idx.msk [tilespmem:v52+s25+$0x0], $0xffff;
	[tilespmem:v47+s16+$0x0] =	vst.idx.msk $0xffff, v21  }
0xf3: {  	v33 =	vshll.u32 v33, $0x2;
	v1 =	vor.u32 $0x1, v40;
	v52 =	vmul.f32 v49, v13;
	v55 =	vld.idx.msk [tilespmem:v10+s25+$0x0], $0xffff;
	[tilespmem:v31+s16+$0x0] =	vst.idx.msk $0xffff, v35  }
0xf4: {  	v38 =	vor.u32 $0x3, v59;
	v16 =	vmul.f32 v16, v60;
	v10 =	vshll.u32 v14, $0x2;
	[tilespmem:v50+s16+$0x0] =	vst.idx.msk $0xffff, v21  }
0xf5: {  	v27 =	vor.u32 v43, v0;
	v0 =	vand.u32 $0x4, v36;
	v36 =	vld [tilespmem:s0+$0xFFFFFFF0];
	v14 =	vand.u32 $0x4, v10;
	[tilespmem:v5+s16+$0x0] =	vst.idx.msk $0xffff, v52  }
0xf6: {  	v31 =	vor.u32 v34, v0;
	v0 =	vld.idx.msk [tilespmem:v39+s25+$0x0], $0xffff;
	v5 =	vand.u32 $0x4, v17;
	v17 =	vshll.u32 v37, $0x2;
	[tilespmem:v11+s16+$0x0] =	vst.idx.msk $0xffff, v21  }
0xf7: {  	v23 =	vor.u32 v34, v14;
	v14 =	vsub.s32 v34, v14;
	v39 =	vld.idx.msk [tilespmem:v25+s25+$0x0], $0xffff;
	[tilespmem:v54+s16+$0x0] =	vst.idx.msk $0xffff, v57  }
0xf8: {  	v37 =	vld.idx.msk [tilespmem:v24+s25+$0x0], $0xffff;
	v34 =	vor.u32 v44, v5;
	[tilespmem:v18+s16+$0x0] =	vst.idx.msk $0xffff, v21;
	v4 =	vmul.f32 v55, v4  }
0xf9: {  	v33 =	vand.u32 $0x4, v33;
	v50 =	vsub.s32 v44, v5;
	v5 =	vand.u32 $0x4, v17;
	v17 =	vld.idx.msk [tilespmem:v46+s25+$0x0], $0xffff;
	[tilespmem:v61+s16+$0x0] =	vst.idx.msk $0xffff, v21  }
0xfa: {  	v47 =	vor.u32 v42, v33;
	v33 =	vld [tilespmem:s0+$0xFFFFFFE0];
	[tilespmem:v32+s16+$0x0] =	vst.idx.msk $0xffff, v4  }
0xfb: {  	v3 =	vmul.f32 v3, v8;
	v61 =	vimm.f32 $0.0e+00;
	v4 =	vld.idx.msk [tilespmem:v27+s25+$0x0], $0xffff;
	[tilespmem:v38+s16+$0x0] =	vst.idx.msk $0xffff, v16  }
0xfc: {  	[tilespmem:v56+s16+$0x0] =	vst.idx.msk $0xffff, v61  }
0xfd: {  	[tilespmem:v63+s16+$0x0] =	vst.idx.msk $0xffff, v3;
	v63 =	vld.idx.msk [tilespmem:v1+s25+$0x0], $0xffff  }
0xfe: {  	v1 =	vld [tilespmem:$0x1FF50];
	_ =	sdelay $0x2  }
0xff: {  	v53 =	vadd.s32 $0x5, v15  }
0x100: {  	v29 =	vor.u32 $0x2, v45;
	v48 =	vadd.s32 $0x6, v28;
	v59 =	vmovc v19;
	v49 =	vor.u32 $0x1, v25  }
0x101: {  	v10 =	vor.u32 $0x2, v12;
	v52 =	vor.u32 $0x2, v40;
	v44 =	vxor.u32 $0x7, v59  }
0x102: {  	v2 =	vxor.u32 $0x4, v23;
	v54 =	vxor.u32 $0x4, v34;
	v16 =	vmul.f32 v0, v51  }
0x103: {  	s3 =	sadd.s32 $0x4, s3;
	v35 =	vor.u32 v42, v5;
	v28 =	vsub.s32 v42, v5;
	v43 =	vor.u32 $0x1, v23;
	v18 =	vld.idx.msk [tilespmem:v31+s25+$0x0], $0xffff  }
0x104: {  	p0 =	slt.u32 s3, $0xEC;
	v42 =	vadd.s32 $0x5, v14;
	v46 =	vor.u32 $0x2, v59;
	v55 =	vxor.u32 $0x4, v35;
	[tilespmem:v1+s16+$0x0] =	vst.idx.msk $0xffff, v16;
	v1 =	vld [tilespmem:$0x1FF60]  }
.Ltmp2:
0x105: {  	v19 =	vmovc v62;
	v60 =	vmul.f32 v39, v33;
	v0 =	vmul.f32 v37, v9;
	v38 =	vadd.s32 $0x6, v50;
	v51 =	vmovc v20;
	(pc) =	sbr.rel @p0 .LBB2_7-.Ltmp2, $4  }
0x106: {  	v20 =	vmovc v58;
	v32 =	vor.u32 $0x3, v45;
	v58 =	vxor.u32 $0x4, v19;
	[tilespmem:v30+s16+$0x0] =	vst.idx.msk $0xffff, v61;
	v3 =	vmul.f32 v17, v13  }
0x107: {  	v21 =	vmovc v2;
	v5 =	vld.idx.msk [tilespmem:v47+s25+$0x0], $0xffff;
	v39 =	vor.u32 $0x3, v40;
	v56 =	vor.u32 $0x2, v6;
	v30 =	vxor.u32 $0x7, v45;
	[tilespmem:v53+s16+$0x0] =	vst.idx.msk $0xffff, v61  }
0x108: {  	v37 =	vld [tilespmem:s0+$0x10];
	v17 =	vmovc v6;
	v53 =	vor.u32 $0x3, v22;
	v22 =	vmov v47;
	v57 =	vmul.f32 v18, v20;
	[tilespmem:v10+s16+$0x0] =	vst.idx.msk $0xffff, v3  }
0x109: {  	s18 =	sadd.s32 $0x40, s18;
	s19 =	sadd.s32 $0x40, s19;
	s6 =	sadd.s32 $0x40, s6;
	v10 =	vmovc v8;
	v8 =	vld [tilespmem:$0x1FF70];
	v18 =	vmovc v14;
	v62 =	vmul.f32 v4, v36;
	v16 =	vmov v7;
	v47 =	vadd.s32 $0x6, v1  }
0x10a: {  	_ =	sdelay $0x3  }
0x10b: {  	v6 =	vmov v17;
	v17 =	vld [tilespmem:$0x1FFF0];
	[tilespmem:v34+s16+$0x0] =	vst.idx.msk $0xffff, v60  }
0x10c: {  	[tilespmem:v48+s16+$0x0] =	vst.idx.msk $0xffff, v61  }
0x10d: {  	[tilespmem:v29+s16+$0x0] =	vst.idx.msk $0xffff, v0  }
0x10e: {  	[tilespmem:v54+s16+$0x0] =	vst.idx.msk $0xffff, v61  }
0x10f: {  	[tilespmem:v16+s16+$0x0] =	vst.idx.msk $0xffff, v61  }
0x110: {  	[tilespmem:v8+s16+$0x0] =	vst.idx.msk $0xffff, v61  }
0x111: {  	v2 =	vld [tilespmem:$0x1FF80];
	_ =	sdelay $0x5  }
0x112: {  	v0 =	vmul.f32 v63, v51;
	_ =	sdelay $0x1  }
0x113: {  	[tilespmem:v2+s16+$0x0] =	vst.idx.msk $0xffff, v0  }
0x114: {  	v3 =	vld [tilespmem:$0x1FF90];
	_ =	sdelay $0x4  }
0x115: {  	v1 =	vld.idx.msk [tilespmem:v56+s25+$0x0], $0xffff;
	_ =	sdelay $0x2  }
0x116: {  	v0 =	vmul.f32 v5, v37;
	[tilespmem:v3+s16+$0x0] =	vst.idx.msk $0xffff, v61  }
0x117: {  	[tilespmem:v19+s16+$0x0] =	vst.idx.msk $0xffff, v62;
	v3 =	vld.idx.msk [tilespmem:v52+s25+$0x0], $0xffff  }
0x118: {  	v1 =	vmul.f32 v1, v10;
	[tilespmem:v35+s16+$0x0] =	vst.idx.msk $0xffff, v0;
	v0 =	vadd.s32 $0x6, v15  }
0x119: {  	v4 =	vor.u32 $0x2, v26;
	[tilespmem:v23+s16+$0x0] =	vst.idx.msk $0xffff, v57  }
0x11a: {  	[tilespmem:v46+s16+$0x0] =	vst.idx.msk $0xffff, v1  }
0x11b: {  	[tilespmem:v58+s16+$0x0] =	vst.idx.msk $0xffff, v61  }
0x11c: {  	[tilespmem:v55+s16+$0x0] =	vst.idx.msk $0xffff, v61;
	v1 =	vmul.f32 v3, v51  }
0x11d: {  	[tilespmem:v0+s16+$0x0] =	vst.idx.msk $0xffff, v61  }
0x11e: {  	v2 =	vor.u32 $0x1, v22;
	[tilespmem:v4+s16+$0x0] =	vst.idx.msk $0xffff, v1  }
0x11f: {  	v4 =	vld [tilespmem:$0x1FFA0]  }
0x120: {  	v5 =	vld.idx.msk [tilespmem:v49+s25+$0x0], $0xffff;
	_ =	sdelay $0x1  }
0x121: {  	v7 =	vmov v10;
	v10 =	vor.u32 $0x1, v34  }
0x122: {  	v11 =	vor.u32 $0x3, v6;
	v2 =	vld.idx.msk [tilespmem:v2+s25+$0x0], $0xffff  }
0x123: {  	v14 =	vadd.s32 $0x5, v50;
	v15 =	vld.idx.msk [tilespmem:v53+s25+$0x0], $0xffff  }
0x124: {  	v16 =	vor.u32 $0x1, v27;
	v5 =	vmul.f32 v5, v33;
	v3 =	vor.u32 $0x1, v35  }
0x125: {  	v0 =	vor.u32 $0x3, v12;
	[tilespmem:v47+s16+$0x0] =	vst.idx.msk $0xffff, v61  }
0x126: {  	v1 =	vadd.s32 $0x5, v28;
	[tilespmem:v10+s16+$0x0] =	vst.idx.msk $0xffff, v5;
	v4 =	vld.idx.msk [tilespmem:v4+s25+$0x0], $0xffff  }
0x127: {  	v60 =	vxor.u32 $0x7, v12;
	v2 =	vmul.f32 v2, v37;
	v10 =	vld.idx.msk [tilespmem:v11+s25+$0x0], $0xffff;
	v11 =	vor.u32 $0x1, v31;
	[tilespmem:v21+s16+$0x0] =	vst.idx.msk $0xffff, v61  }
0x128: {  	v5 =	vmul.f32 v15, v13;
	[tilespmem:v14+s16+$0x0] =	vst.idx.msk $0xffff, v61  }
0x129: {  	[tilespmem:v3+s16+$0x0] =	vst.idx.msk $0xffff, v2;
	v2 =	vor.u32 $0x2, v22;
	v3 =	vld.idx.msk [tilespmem:v16+s25+$0x0], $0xffff  }
0x12a: {  	v8 =	vor.u32 $0x3, v59;
	[tilespmem:v0+s16+$0x0] =	vst.idx.msk $0xffff, v5  }
0x12b: {  	[tilespmem:v1+s16+$0x0] =	vst.idx.msk $0xffff, v61;
	v1 =	vor.u32 $0x2, v25;
	v0 =	vmul.f32 v4, v9;
	v4 =	vor.u32 $0x1, v19  }
0x12c: {  	v5 =	vadd.s32 $0x5, v41;
	[tilespmem:v60+s16+$0x0] =	vst.idx.msk $0xffff, v61;
	v9 =	vld.idx.msk [tilespmem:v11+s25+$0x0], $0xffff  }
0x12d: {  	[tilespmem:v32+s16+$0x0] =	vst.idx.msk $0xffff, v0;
	v0 =	vmul.f32 v10, v7;
	v10 =	vor.u32 $0x2, v27  }
0x12e: {  	v3 =	vmul.f32 v3, v36;
	v2 =	vld.idx.msk [tilespmem:v2+s25+$0x0], $0xffff;
	[tilespmem:v30+s16+$0x0] =	vst.idx.msk $0xffff, v61  }
0x12f: {  	[tilespmem:v8+s16+$0x0] =	vst.idx.msk $0xffff, v0  }
0x130: {  	v1 =	vld.idx.msk [tilespmem:v1+s25+$0x0], $0xffff;
	v0 =	vor.u32 $0x2, v35;
	v8 =	vor.u32 $0x2, v31;
	[tilespmem:v4+s16+$0x0] =	vst.idx.msk $0xffff, v3  }
0x131: {  	v3 =	vadd.s32 $0x6, v28;
	v4 =	vmul.f32 v9, v20;
	[tilespmem:v5+s16+$0x0] =	vst.idx.msk $0xffff, v61  }
0x132: {  	[tilespmem:v44+s16+$0x0] =	vst.idx.msk $0xffff, v61;
	v5 =	vor.u32 $0x2, v34;
	v9 =	vld.idx.msk [tilespmem:v10+s25+$0x0], $0xffff  }
0x133: {  	v2 =	vmul.f32 v2, v37;
	v11 =	vld.idx.msk [tilespmem:v39+s25+$0x0], $0xffff;
	v10 =	vor.u32 $0x3, v22;
	[tilespmem:v43+s16+$0x0] =	vst.idx.msk $0xffff, v4  }
0x134: {  	v62 =	vor.u32 $0x2, v19;
	v4 =	vor.u32 $0x3, v25;
	[tilespmem:v42+s16+$0x0] =	vst.idx.msk $0xffff, v61  }
0x135: {  	v1 =	vmul.f32 v1, v33;
	[tilespmem:v0+s16+$0x0] =	vst.idx.msk $0xffff, v2;
	v2 =	vld.idx.msk [tilespmem:v8+s25+$0x0], $0xffff;
	v8 =	vor.u32 $0x3, v26  }
0x136: {  	v0 =	vadd.s32 $0x6, v41;
	[tilespmem:v3+s16+$0x0] =	vst.idx.msk $0xffff, v61  }
0x137: {  	v63 =	vor.u32 $0x2, v23;
	v3 =	vor.u32 $0x3, v27;
	[tilespmem:v5+s16+$0x0] =	vst.idx.msk $0xffff, v1;
	v1 =	vmul.f32 v9, v36  }
0x138: {  	v7 =	vmul.f32 v11, v51;
	v5 =	vadd.s32 $0x6, v18;
	v9 =	vld.idx.msk [tilespmem:v10+s25+$0x0], $0xffff;
	[tilespmem:v38+s16+$0x0] =	vst.idx.msk $0xffff, v61  }
0x139: {  	v6 =	vxor.u32 $0x7, v26;
	v10 =	vor.u32 $0x3, v31;
	v4 =	vld.idx.msk [tilespmem:v4+s25+$0x0], $0xffff;
	[tilespmem:v62+s16+$0x0] =	vst.idx.msk $0xffff, v1  }
0x13a: {  	v1 =	vor.u32 $0x3, v35;
	v2 =	vmul.f32 v2, v20;
	[tilespmem:v8+s16+$0x0] =	vst.idx.msk $0xffff, v7  }
0x13b: {  	[tilespmem:v0+s16+$0x0] =	vst.idx.msk $0xffff, v61;
	v0 =	vor.u32 $0x3, v34  }
0x13c: {  	v7 =	vxor.u32 $0x7, v35;
	v3 =	vld.idx.msk [tilespmem:v3+s25+$0x0], $0xffff;
	[tilespmem:v63+s16+$0x0] =	vst.idx.msk $0xffff, v2  }
0x13d: {  	v8 =	vxor.u32 $0x7, v34;
	v2 =	vmul.f32 v9, v37;
	[tilespmem:v5+s16+$0x0] =	vst.idx.msk $0xffff, v61  }
0x13e: {  	[tilespmem:v6+s16+$0x0] =	vst.idx.msk $0xffff, v61;
	v5 =	vor.u32 $0x3, v19;
	v6 =	vld.idx.msk [tilespmem:v10+s25+$0x0], $0xffff;
	v4 =	vmul.f32 v4, v33  }
0x13f: {  	v9 =	vxor.u32 $0x7, v19;
	[tilespmem:v1+s16+$0x0] =	vst.idx.msk $0xffff, v2  }
0x140: {  	v1 =	vor.u32 $0x3, v23;
	[tilespmem:v0+s16+$0x0] =	vst.idx.msk $0xffff, v4  }
0x141: {  	v2 =	vxor.u32 $0x7, v23;
	[tilespmem:v7+s16+$0x0] =	vst.idx.msk $0xffff, v61;
	v0 =	vmul.f32 v3, v36  }
0x142: {  	[tilespmem:v8+s16+$0x0] =	vst.idx.msk $0xffff, v61  }
0x143: {  	[tilespmem:v5+s16+$0x0] =	vst.idx.msk $0xffff, v0;
	v0 =	vmul.f32 v6, v20  }
0x144: {  	[tilespmem:v9+s16+$0x0] =	vst.idx.msk $0xffff, v61  }
0x145: {  	[tilespmem:v1+s16+$0x0] =	vst.idx.msk $0xffff, v0  }
0x146: {  	[tilespmem:v2+s16+$0x0] =	vst.idx.msk $0xffff, v61  }
0x147: {  	[spmem:s5] =	stream.indirect.scatter.add.f32 [tilespmem:s16], [sflag:$0x3], $0x8, s26, s21, $0xb8;
	[tilespmem:$0x1C200] =	vst v63  }
0x148: {  	_ =	swait.ge [sflag:s17], $0x7800  }
0x149: {  	[sflag:s17] =	ssyncset.done $0x0  }
0x14a: {  	[sflag:s17] =	ssyncadd.s32 $0xFFFF8800  }
0x14b: {  	_ =	swait.ge [sflag:s28], $0xF00  }
0x14c: {  	[sflag:s28] =	ssyncset.done $0x0  }
0x14d: {  	[sflag:s28] =	ssyncadd.s32 $0xFFFFF100  }
0x14e: {  	_ =	swait.ge [sflag:s28], $0xF00  }
0x14f: {  	[sflag:s28] =	ssyncset.done $0x0  }
0x150: {  	[sflag:s28] =	ssyncadd.s32 $0xFFFFF100  }
0x151: {  	_ =	swait.ge [sflag:s28], $0xF00  }
0x152: {  	[sflag:s28] =	ssyncset.done $0x0  }
0x153: {  	s6 =	simm.s32 $0xF40;
	[sflag:s28] =	ssyncadd.s32 $0xFFFFF100  }
0x154: {  	v0 =	vld [tilespmem:s6+$0x30]  }
0x155: {  	v1 =	vld [tilespmem:s6+$0xFFFFFFD0]  }
0x156: {  	v2 =	vld [tilespmem:s6+$0xFFFFFFE0]  }
0x157: {  	v3 =	vld [tilespmem:s6+$0xFFFFFFF0]  }
0x158: {  	v4 =	vld [tilespmem:s6+$0x0]  }
0x159: {  	s0 =	simm.s32 $0x5A40;
	v5 =	vld [tilespmem:s6+$0x10];
	v0 =	vshrl.u32 v0, $0x1  }
0x15a: {  	v6 =	vld [tilespmem:s6+$0x20];
	v1 =	vshrl.u32 v1, $0x1;
	[tilespmem:s0+$0x30] =	vst v0  }
0x15b: {  	s3 =	simm.s32 $0x2D40;
	[tilespmem:s0+$0xFFFFFFD0] =	vst v1;
	v0 =	vshrl.u32 v2, $0x1;
	v2 =	vld [tilespmem:s6+$0xFFFFFFC0]  }
0x15c: {  	v1 =	vld [tilespmem:s3+$0x30];
	[tilespmem:s0+$0xFFFFFFE0] =	vst v0;
	v0 =	vshrl.u32 v3, $0x1  }
0x15d: {  	v3 =	vld [tilespmem:s3+$0xFFFFFFD0];
	[tilespmem:s0+$0xFFFFFFF0] =	vst v0;
	v0 =	vshrl.u32 v4, $0x1  }
0x15e: {  	v8 =	vld [tilespmem:s3+$0xFFFFFFE0];
	v4 =	vshrl.u32 v5, $0x1;
	[tilespmem:s0+$0x0] =	vst v0  }
0x15f: {  	v5 =	vshrl.u32 v6, $0x1;
	v0 =	vld [tilespmem:s3+$0xFFFFFFF0];
	[tilespmem:s0+$0x10] =	vst v4  }
0x160: {  	[tilespmem:s0+$0x20] =	vst v5;
	v4 =	vld [tilespmem:s3+$0x0];
	v2 =	vshrl.u32 v2, $0x1  }
0x161: {  	s6 =	simm.s32 $0x6940;
	v5 =	vld [tilespmem:s3+$0x10];
	v1 =	vshrl.u32 v1, $0x1;
	[tilespmem:s0+$0xFFFFFFC0] =	vst v2  }
0x162: {  	v7 =	vld [tilespmem:s3+$0x20];
	[tilespmem:s6+$0x30] =	vst v1;
	v1 =	vshrl.u32 v3, $0x1  }
0x163: {  	s18 =	simm.s32 $0x0;
	s19 =	simm.s32 $0xFC0;
	v6 =	vld [tilespmem:s3+$0xFFFFFFC0];
	v8 =	vshrl.u32 v8, $0x1;
	[tilespmem:s6+$0xFFFFFFD0] =	vst v1  }
.LBB2_9:
0x164: {  	v1 =	vld [tilespmem:s19+$0x30];
	s18 =	sadd.s32 $0x8, s18;
	[tilespmem:s6+$0xFFFFFFE0] =	vst v8;
	v0 =	vshrl.u32 v0, $0x1  }
0x165: {  	v2 =	vld [tilespmem:s19+$0xFFFFFFD0];
	p0 =	slt.u32 s18, $0xE8;
	[tilespmem:s6+$0xFFFFFFF0] =	vst v0;
	v0 =	vshrl.u32 v4, $0x1  }
0x166: {  	v3 =	vld [tilespmem:s19+$0xFFFFFFE0];
	[tilespmem:s6+$0x0] =	vst v0;
	v0 =	vshrl.u32 v5, $0x1  }
0x167: {  	v4 =	vld [tilespmem:s19+$0xFFFFFFF0];
	[tilespmem:s6+$0x10] =	vst v0;
	v0 =	vshrl.u32 v7, $0x1  }
0x168: {  	v5 =	vld [tilespmem:s19+$0x0];
	v6 =	vshrl.u32 v6, $0x1;
	[tilespmem:s6+$0x20] =	vst v0  }
0x169: {  	s0 =	sadd.s32 $0x80, s0;
	v0 =	vld [tilespmem:s19+$0x10];
	v1 =	vshrl.u32 v1, $0x1;
	[tilespmem:s6+$0xFFFFFFC0] =	vst v6  }
0x16a: {  	s3 =	sadd.s32 $0x80, s3;
	v2 =	vshrl.u32 v2, $0x1;
	v6 =	vld [tilespmem:s19+$0x20];
	[tilespmem:s0+$0x30] =	vst v1  }
0x16b: {  	[tilespmem:s0+$0xFFFFFFD0] =	vst v2;
	v1 =	vshrl.u32 v3, $0x1;
	v2 =	vld [tilespmem:s3+$0x30]  }
0x16c: {  	v3 =	vld [tilespmem:s19+$0xFFFFFFC0];
	[tilespmem:s0+$0xFFFFFFE0] =	vst v1;
	v1 =	vshrl.u32 v4, $0x1  }
0x16d: {  	v7 =	vld [tilespmem:s3+$0xFFFFFFD0];
	[tilespmem:s0+$0xFFFFFFF0] =	vst v1;
	v1 =	vshrl.u32 v5, $0x1  }
0x16e: {  	v8 =	vld [tilespmem:s3+$0xFFFFFFE0];
	[tilespmem:s0+$0x0] =	vst v1;
	v1 =	vshrl.u32 v0, $0x1  }
.Ltmp3:
0x16f: {  	v0 =	vld [tilespmem:s3+$0xFFFFFFF0];
	[tilespmem:s0+$0x10] =	vst v1;
	v1 =	vshrl.u32 v6, $0x1;
	(pc) =	sbr.rel @p0 .LBB2_9-.Ltmp3, $4  }
0x170: {  	s6 =	sadd.s32 $0x80, s6;
	v4 =	vld [tilespmem:s3+$0x0];
	[tilespmem:s0+$0x20] =	vst v1;
	v1 =	vshrl.u32 v2, $0x1  }
0x171: {  	v2 =	vshrl.u32 v3, $0x1;
	v5 =	vld [tilespmem:s3+$0x10];
	[tilespmem:s6+$0x30] =	vst v1  }
0x172: {  	[tilespmem:s0+$0xFFFFFFC0] =	vst v2;
	v1 =	vshrl.u32 v7, $0x1;
	v7 =	vld [tilespmem:s3+$0x20]  }
0x173: {  	s19 =	sadd.s32 $0x80, s19;
	v6 =	vld [tilespmem:s3+$0xFFFFFFC0];
	[tilespmem:s6+$0xFFFFFFD0] =	vst v1;
	v8 =	vshrl.u32 v8, $0x1  }
0x174: {  	[tilespmem:s6+$0xFFFFFFE0] =	vst v8;
	v0 =	vshrl.u32 v0, $0x1  }
0x175: {  	[tilespmem:s6+$0xFFFFFFF0] =	vst v0;
	v0 =	vshrl.u32 v4, $0x1  }
0x176: {  	p0 =	seq.s32 s30, $0xB;
	[tilespmem:s6+$0x0] =	vst v0;
	v0 =	vshrl.u32 v5, $0x1  }
0x177: {  	s0 =	sadd.s32 @!p0 s31, s13;
	[tilespmem:s6+$0x10] =	vst v0;
	v0 =	vshrl.u32 v7, $0x1  }
0x178: {  	s0 =	sshrl.u32 @!p0 s0, $0x3;
	v1 =	vshrl.u32 v6, $0x1;
	[tilespmem:s6+$0x20] =	vst v0  }
0x179: {  	s3 =	sadd.s32 @!p0 s4, s0;
	[tilespmem:s6+$0xFFFFFFC0] =	vst v1;
	s6 =	simm.s32 @!p0 $0x0  }
0x17a: {  	[tilespmem:s6], [sflag:$0x1] =	stream.linear.gather @!p0 [hbm4b:s3+s6], $0xF00, $0x38;
	[tilespmem:$0x1C200] =	vst v63  }
0x17b: {  	s9 =	simm.s32 @!p0 $0x3C00;
	s3 =	sadd.s32 @!p0 s1, s0  }
0x17c: {  	[tilespmem:s9], [sflag:$0x1] =	stream.linear.gather @!p0 [hbm4b:s3+s6], $0xF00, $0x38;
	[tilespmem:$0x1C200] =	vst v63  }
0x17d: {  	s0 =	sadd.s32 @!p0 s2, s0;
	s3 =	simm.s32 @!p0 $0x1E00  }
0x17e: {  	[tilespmem:s3], [sflag:$0x1] =	stream.linear.gather @!p0 [hbm4b:s0+s6], $0xF00, $0x38;
	[tilespmem:$0x1C200] =	vst v63  }
0x17f: {  	_ = 	snop  }
0x180: {  	[tilespmem:s25], [sflag:$0x3] =	stream.indirect.gather [hbm4b:s7+s21], $0x8, s24, s21, $0xb8;
	[tilespmem:$0x1C200] =	vst v63  }
0x181: {  	_ =	swait.ge [sflag:s17], $0x7800  }
0x182: {  	[sflag:s17] =	ssyncset.done $0x0  }
0x183: {  	s31 =	simm.s32 $0xF20;
	[sflag:s17] =	ssyncadd.s32 $0xFFFF8800  }
0x184: {  	v0 =	vld [tilespmem:s31+$0xFFFFFFE0]  }
0x185: {  	s3 =	simm.s32 $0x2D20;
	v1 =	vld [tilespmem:s31+$0xFFFFFFF0]  }
0x186: {  	v2 =	vld [tilespmem:s3+$0xFFFFFFE0]  }
0x187: {  	v4 =	vld [tilespmem:s31+$0x0]  }
0x188: {  	s10 =	simm.s32 $0x0;
	s11 =	simm.s32 $0x10;
	s19 =	simm.s32 $0x30;
	v6 =	vld [tilespmem:s3+$0x0]  }
0x189: {  	s18 =	simm.s32 $0x20;
	v3 =	vmov s10;
	v10 =	vmov s19;
	s10 =	simm.s32 $0x40;
	v5 =	vmov s11;
	v8 =	vld [tilespmem:s3+$0xFFFFFFF0]  }
0x18a: {  	v3 =	vshll.u32 v3, $0x3;
	s11 =	simm.s32 $0x50;
	v35 =	vmov s10;
	v7 =	vmov s18;
	v9 =	vld [tilespmem:s31+$0x10];
	s31 =	simm.s32 $0x4B20  }
0x18b: {  	v3 =	vor.u32 v17, v3;
	v5 =	vshll.u32 v5, $0x3;
	v16 =	vmov s11;
	v20 =	vld [tilespmem:s31+$0x0]  }
0x18c: {  	v60 =	vmovc v17;
	v7 =	vshll.u32 v7, $0x3;
	v5 =	vor.u32 v17, v5;
	v16 =	vshll.u32 v16, $0x3;
	v32 =	vld [tilespmem:s31+$0xFFFFFFE0]  }
0x18d: {  	v16 =	vor.u32 v60, v16;
	v28 =	vld [tilespmem:s31+$0xFFFFFFF0];
	v0 =	vshll.u32 v0, $0x2;
	v1 =	vshll.u32 v1, $0x2  }
0x18e: {  	v23 =	vld [tilespmem:s31+$0x10];
	s31 =	simm.s32 $0x2D60;
	v4 =	vshll.u32 v4, $0x2;
	v2 =	vshll.u32 v2, $0x2;
	v0 =	vand.u32 $0x4, v0  }
0x18f: {  	v15 =	vld [tilespmem:s31+$0xFFFFFFE0];
	v1 =	vand.u32 $0x4, v1;
	v4 =	vand.u32 $0x4, v4;
	v0 =	vor.u32 v3, v0  }
0x190: {  	v36 =	vld [tilespmem:s31+$0xFFFFFFF0];
	v18 =	vor.u32 v5, v1;
	v1 =	vor.u32 v17, v7;
	v7 =	vshll.u32 v10, $0x3  }
0x191: {  	v10 =	vld [tilespmem:s3+$0x10];
	v24 =	vor.u32 v1, v4;
	v4 =	vshll.u32 v8, $0x2;
	v8 =	vshll.u32 v9, $0x2  }
0x192: {  	v6 =	vshll.u32 v6, $0x2;
	v7 =	vor.u32 v17, v7;
	v8 =	vand.u32 $0x4, v8  }
0x193: {  	v6 =	vand.u32 $0x4, v6;
	v2 =	vand.u32 $0x4, v2;
	v13 =	vor.u32 v7, v8  }
0x194: {  	v33 =	vor.u32 v3, v2;
	v2 =	vsub.s32 v3, v2;
	v15 =	vshll.u32 v15, $0x2  }
0x195: {  	v36 =	vshll.u32 v36, $0x2;
	v22 =	vor.u32 v1, v6;
	v26 =	vsub.s32 v1, v6;
	v9 =	vld.idx.msk [tilespmem:v0+s25+$0x0], $0xffff  }
0x196: {  	v11 =	vor.u32 $0x1, v0;
	v4 =	vand.u32 $0x4, v4;
	v6 =	vshll.u32 v10, $0x2  }
0x197: {  	v30 =	vor.u32 v5, v4;
	v29 =	vsub.s32 v5, v4;
	v6 =	vand.u32 $0x4, v6  }
0x198: {  	s18 =	simm.s32 $0x60;
	v10 =	vxor.u32 $0x4, v33;
	v21 =	vor.u32 v7, v6;
	v4 =	vsub.s32 v7, v6;
	v6 =	vld.idx.msk [tilespmem:v13+s25+$0x0], $0xffff  }
0x199: {  	v34 =	vld [tilespmem:s31+$0x0];
	s3 =	simm.s32 $0xF60;
	v19 =	vadd.s32 $0x6, v2;
	v14 =	vor.u32 $0x2, v0;
	v17 =	vmov s18  }
0x19a: {  	v2 =	vadd.s32 $0x5, v2;
	v25 =	vor.u32 $0x3, v0;
	v58 =	vld [tilespmem:s3+$0x0];
	v5 =	vmul.f32 v9, v32  }
0x19b: {  	v37 =	vor.u32 $0x1, v33;
	v46 =	vand.u32 $0x4, v36;
	v1 =	vxor.u32 $0x4, v22;
	v8 =	vld.idx.msk [tilespmem:v18+s25+$0x0], $0xffff  }
0x19c: {  	v12 =	vld [tilespmem:s3+$0xFFFFFFE0];
	v31 =	vor.u32 $0x1, v22;
	v27 =	vadd.s32 $0x5, v26;
	v7 =	vxor.u32 $0x4, v21;
	[tilespmem:v33+s16+$0x0] =	vst.idx.msk $0xffff, v5  }
0x19d: {  	v39 =	vld [tilespmem:s3+$0xFFFFFFF0];
	v17 =	vshll.u32 v17, $0x3;
	v52 =	vor.u32 $0x2, v24;
	[tilespmem:v10+s16+$0x0] =	vst.idx.msk $0xffff, v61;
	v6 =	vmul.f32 v6, v23  }
0x19e: {  	v17 =	vor.u32 v60, v17;
	v0 =	vshll.u32 v35, $0x3;
	v10 =	vor.u32 $0x1, v13;
	v11 =	vld.idx.msk [tilespmem:v11+s25+$0x0], $0xffff  }
0x19f: {  	v0 =	vor.u32 v60, v0;
	v35 =	vshll.u32 v58, $0x2;
	v9 =	vxor.u32 $0x4, v30;
	[tilespmem:v21+s16+$0x0] =	vst.idx.msk $0xffff, v6;
	v6 =	vld [tilespmem:s3+$0x10]  }
0x1a0: {  	s19 =	simm.s32 $0x70;
	v35 =	vand.u32 $0x4, v35;
	v43 =	vor.u32 $0x1, v21;
	v8 =	vmul.f32 v8, v28  }
0x1a1: {  	v5 =	vmov s19;
	[tilespmem:v7+s16+$0x0] =	vst.idx.msk $0xffff, v61;
	v7 =	vshll.u32 v12, $0x2;
	v12 =	vor.u32 $0x1, v18  }
0x1a2: {  	v3 =	vld.idx.msk [tilespmem:v24+s25+$0x0], $0xffff;
	v40 =	vor.u32 v17, v35;
	[tilespmem:v30+s16+$0x0] =	vst.idx.msk $0xffff, v8;
	v5 =	vshll.u32 v5, $0x3;
	v7 =	vand.u32 $0x4, v7  }
0x1a3: {  	v10 =	vld.idx.msk [tilespmem:v10+s25+$0x0], $0xffff;
	v44 =	vor.u32 v0, v7;
	v7 =	vshll.u32 v34, $0x2;
	v59 =	vmul.f32 v11, v32  }
0x1a4: {  	v45 =	vld [tilespmem:s31+$0x10];
	s31 =	simm.s32 $0x4B60;
	[tilespmem:v9+s16+$0x0] =	vst.idx.msk $0xffff, v61;
	v7 =	vand.u32 $0x4, v7;
	v11 =	vshll.u32 v39, $0x2;
	v9 =	vshll.u32 v6, $0x2  }
0x1a5: {  	v6 =	vor.u32 v17, v7;
	v39 =	vsub.s32 v17, v7;
	v11 =	vand.u32 $0x4, v11;
	v7 =	vld [tilespmem:s31+$0x0]  }
0x1a6: {  	v5 =	vor.u32 v60, v5;
	v12 =	vld.idx.msk [tilespmem:v12+s25+$0x0], $0xffff;
	v11 =	vor.u32 v16, v11;
	v9 =	vand.u32 $0x4, v9  }
0x1a7: {  	v42 =	vadd.s32 $0x5, v4;
	v3 =	vmul.f32 v3, v20;
	[tilespmem:v37+s16+$0x0] =	vst.idx.msk $0xffff, v59;
	v37 =	vor.u32 v5, v9;
	v9 =	vld [tilespmem:s31+$0xFFFFFFE0]  }
0x1a8: {  	v38 =	vadd.s32 $0x5, v29;
	v47 =	vor.u32 $0x2, v13;
	[tilespmem:v2+s16+$0x0] =	vst.idx.msk $0xffff, v61;
	v10 =	vmul.f32 v10, v23;
	v2 =	vld.idx.msk [tilespmem:v44+s25+$0x0], $0xffff  }
0x1a9: {  	v41 =	vor.u32 $0x1, v30;
	v8 =	vor.u32 v16, v46;
	[tilespmem:v22+s16+$0x0] =	vst.idx.msk $0xffff, v3;
	v17 =	vor.u32 $0x1, v24;
	v14 =	vld.idx.msk [tilespmem:v14+s25+$0x0], $0xffff  }
0x1aa: {  	[tilespmem:v43+s16+$0x0] =	vst.idx.msk $0xffff, v10;
	v43 =	vadd.s32 $0x6, v4;
	v4 =	vand.u32 $0x4, v15;
	v15 =	vsub.s32 v16, v46;
	v46 =	vld.idx.msk [tilespmem:v40+s25+$0x0], $0xffff  }
0x1ab: {  	[tilespmem:v1+s16+$0x0] =	vst.idx.msk $0xffff, v61;
	v34 =	vor.u32 $0x2, v33;
	v10 =	vshll.u32 v45, $0x2;
	v45 =	vor.u32 v0, v4;
	v50 =	vld.idx.msk [tilespmem:v11+s25+$0x0], $0xffff  }
0x1ac: {  	[tilespmem:v42+s16+$0x0] =	vst.idx.msk $0xffff, v61;
	v0 =	vsub.s32 v0, v4;
	v3 =	vand.u32 $0x4, v10;
	v49 =	vmul.f32 v12, v28;
	v10 =	vld [tilespmem:s31+$0xFFFFFFF0]  }
0x1ad: {  	v42 =	vld.idx.msk [tilespmem:v47+s25+$0x0], $0xffff;
	v12 =	vor.u32 v5, v3;
	v4 =	vsub.s32 v5, v3;
	v5 =	vor.u32 $0x1, v6  }
0x1ae: {  	v26 =	vadd.s32 $0x6, v26;
	v54 =	vor.u32 $0x2, v30;
	v3 =	vld.idx.msk [tilespmem:v17+s25+$0x0], $0xffff;
	[tilespmem:$0x1FF10] =	vst v5;
	v5 =	vadd.s32 $0x5, v39  }
0x1af: {  	v1 =	vor.u32 $0x2, v18;
	v48 =	vxor.u32 $0x4, v45;
	v53 =	vmul.f32 v14, v32;
	[tilespmem:$0x1FF20] =	vst v5  }
0x1b0: {  	v63 =	vor.u32 $0x3, v13;
	v35 =	vor.u32 $0x2, v21;
	v57 =	vor.u32 $0x1, v44;
	[tilespmem:v41+s16+$0x0] =	vst.idx.msk $0xffff, v49  }
0x1b1: {  	v58 =	vor.u32 $0x3, v21;
	v56 =	vxor.u32 $0x4, v8;
	v2 =	vmul.f32 v2, v9;
	v62 =	vld.idx.msk [tilespmem:v37+s25+$0x0], $0xffff;
	[tilespmem:v34+s16+$0x0] =	vst.idx.msk $0xffff, v53  }
0x1b2: {  	s0 =	simm.s32 $0xFA0;
	v36 =	vxor.u32 $0x4, v6;
	v59 =	vxor.u32 $0x7, v21;
	v47 =	vxor.u32 $0x7, v30;
	v13 =	vld [tilespmem:s31+$0x10];
	[tilespmem:v38+s16+$0x0] =	vst.idx.msk $0xffff, v61  }
0x1b3: {  	v51 =	vmovc v7;
	v16 =	vadd.s32 $0x6, v0;
	v0 =	vadd.s32 $0x5, v0;
	[tilespmem:v45+s16+$0x0] =	vst.idx.msk $0xffff, v2;
	v2 =	vld [tilespmem:s0+$0xFFFFFFE0];
	v41 =	vmul.f32 v42, v23  }
0x1b4: {  	v30 =	vor.u32 $0x3, v30;
	v55 =	vxor.u32 $0x4, v12;
	v1 =	vld.idx.msk [tilespmem:v1+s25+$0x0], $0xffff;
	v3 =	vmul.f32 v3, v20;
	[tilespmem:v48+s16+$0x0] =	vst.idx.msk $0xffff, v61  }
0x1b5: {  	s10 =	simm.s32 $0x2DA0;
	v5 =	vor.u32 $0x3, v33;
	v38 =	vxor.u32 $0x7, v33;
	v33 =	vmul.f32 v46, v7;
	v7 =	vld.idx.msk [tilespmem:v57+s25+$0x0], $0xffff;
	[tilespmem:v35+s16+$0x0] =	vst.idx.msk $0xffff, v41  }
0x1b6: {  	v14 =	vxor.u32 $0x7, v22;
	v53 =	vor.u32 $0x3, v22;
	v50 =	vmul.f32 v50, v10;
	v57 =	vld [tilespmem:s10+$0x0];
	[tilespmem:v31+s16+$0x0] =	vst.idx.msk $0xffff, v3  }
0x1b7: {  	v17 =	vmovc v10;
	v46 =	vadd.s32 $0x6, v29;
	v29 =	vor.u32 $0x2, v22;
	v10 =	vor.u32 $0x3, v44;
	v3 =	vld [tilespmem:s10+$0xFFFFFFE0];
	[tilespmem:v27+s16+$0x0] =	vst.idx.msk $0xffff, v61  }
0x1b8: {  	s11 =	simm.s32 $0x90;
	s18 =	simm.s32 $0xA0;
	v35 =	vor.u32 $0x3, v24;
	v41 =	vor.u32 $0x2, v44;
	[tilespmem:v43+s16+$0x0] =	vst.idx.msk $0xffff, v61;
	v34 =	vmul.f32 v62, v13;
	v48 =	vld.idx.msk [tilespmem:v52+s25+$0x0], $0xffff  }
0x1b9: {  	v24 =	vmov s11;
	v31 =	vmov s18;
	v44 =	vor.u32 $0x1, v45;
	v42 =	vld.idx.msk [tilespmem:v63+s25+$0x0], $0xffff;
	[tilespmem:$0x1FF30] =	vst v10  }
0x1ba: {  	s19 =	simm.s32 $0xB0;
	s31 =	simm.s32 $0x80;
	v27 =	vshll.u32 v24, $0x3;
	v31 =	vshll.u32 v31, $0x3;
	v10 =	vimm.f32 $0.0e+00;
	[tilespmem:v12+s16+$0x0] =	vst.idx.msk $0xffff, v34  }
0x1bb: {  	v43 =	vmov s19;
	v61 =	vmov s31;
	v52 =	vor.u32 $0x1, v37;
	v22 =	vld [tilespmem:s0+$0x0];
	[tilespmem:v19+s16+$0x0] =	vst.idx.msk $0xffff, v10  }
0x1bc: {  	v2 =	vshll.u32 v2, $0x2;
	v1 =	vmul.f32 v1, v28;
	v34 =	vor.u32 $0x3, v18;
	v18 =	vld [tilespmem:s10+$0xFFFFFFF0];
	[tilespmem:v8+s16+$0x0] =	vst.idx.msk $0xffff, v50  }
0x1bd: {  	v31 =	vor.u32 v60, v31;
	v62 =	vld [tilespmem:s0+$0xFFFFFFF0];
	v2 =	vand.u32 $0x4, v2;
	[tilespmem:v55+s16+$0x0] =	vst.idx.msk $0xffff, v10;
	v55 =	vor.u32 $0x1, v8  }
0x1be: {  	v63 =	vld [tilespmem:s0+$0x10];
	v7 =	vmul.f32 v7, v9;
	[tilespmem:v54+s16+$0x0] =	vst.idx.msk $0xffff, v1;
	v1 =	vshll.u32 v61, $0x3;
	v3 =	vshll.u32 v3, $0x2  }
0x1bf: {  	[tilespmem:v6+s16+$0x0] =	vst.idx.msk $0xffff, v33;
	v61 =	vadd.s32 $0x5, v15;
	v1 =	vor.u32 v60, v1;
	v3 =	vand.u32 $0x4, v3  }
0x1c0: {  	v48 =	vmul.f32 v48, v20;
	v49 =	vld.idx.msk [tilespmem:v52+s25+$0x0], $0xffff;
	v52 =	vadd.s32 $0x5, v4;
	v42 =	vmul.f32 v42, v23  }
0x1c1: {  	[tilespmem:v56+s16+$0x0] =	vst.idx.msk $0xffff, v10;
	v50 =	vld.idx.msk [tilespmem:v25+s25+$0x0], $0xffff;
	v25 =	vor.u32 v1, v2;
	v2 =	vshll.u32 v57, $0x2;
	v57 =	vor.u32 $0x2, v37  }
0x1c2: {  	[tilespmem:v46+s16+$0x0] =	vst.idx.msk $0xffff, v10;
	v22 =	vshll.u32 v22, $0x2;
	v18 =	vshll.u32 v18, $0x2;
	v2 =	vand.u32 $0x4, v2  }
0x1c3: {  	[tilespmem:v44+s16+$0x0] =	vst.idx.msk $0xffff, v7;
	v44 =	vshll.u32 v63, $0x2;
	v62 =	vshll.u32 v62, $0x2;
	v46 =	vld.idx.msk [tilespmem:v34+s25+$0x0], $0xffff;
	v34 =	vor.u32 v1, v3  }
0x1c4: {  	[tilespmem:v29+s16+$0x0] =	vst.idx.msk $0xffff, v48;
	v29 =	vshll.u32 v43, $0x3;
	v43 =	vor.u32 v60, v27;
	v27 =	vor.u32 $0x1, v12  }
0x1c5: {  	s0 =	simm.s32 $0x4BA0;
	[tilespmem:v36+s16+$0x0] =	vst.idx.msk $0xffff, v10;
	v56 =	vand.u32 $0x4, v18;
	v7 =	vor.u32 v60, v29;
	v60 =	vor.u32 $0x1, v11  }
0x1c6: {  	v33 =	vld [tilespmem:s0+$0xFFFFFFE0];
	[tilespmem:v0+s16+$0x0] =	vst.idx.msk $0xffff, v10;
	v23 =	vor.u32 v31, v2;
	v22 =	vand.u32 $0x4, v22;
	v0 =	vand.u32 $0x4, v44  }
0x1c7: {  	[tilespmem:v58+s16+$0x0] =	vst.idx.msk $0xffff, v42;
	v48 =	vadd.s32 $0x6, v4;
	v4 =	vmul.f32 v50, v32;
	v18 =	vmul.f32 v49, v13;
	v49 =	vld [tilespmem:s10+$0x10]  }
0x1c8: {  	v58 =	vor.u32 $0x2, v12;
	v32 =	vld.idx.msk [tilespmem:v41+s25+$0x0], $0xffff;
	v50 =	vsub.s32 v1, v3;
	v54 =	vxor.u32 $0x4, v34;
	[tilespmem:v26+s16+$0x0] =	vst.idx.msk $0xffff, v10  }
0x1c9: {  	v36 =	vld [tilespmem:s0+$0xFFFFFFF0];
	[tilespmem:v27+s16+$0x0] =	vst.idx.msk $0xffff, v18;
	v18 =	vsub.s32 v31, v2;
	v31 =	vor.u32 v31, v22;
	v22 =	vand.u32 $0x4, v62  }
0x1ca: {  	v44 =	vxor.u32 $0x7, v8;
	v29 =	vor.u32 $0x2, v45;
	[tilespmem:v59+s16+$0x0] =	vst.idx.msk $0xffff, v10;
	v2 =	vld.idx.msk [tilespmem:v60+s25+$0x0], $0xffff;
	v27 =	vor.u32 v43, v22  }
0x1cb: {  	v19 =	vor.u32 v43, v56;
	v41 =	vsub.s32 v43, v56;
	[tilespmem:v5+s16+$0x0] =	vst.idx.msk $0xffff, v4;
	v60 =	vld.idx.msk [tilespmem:v35+s25+$0x0], $0xffff  }
0x1cc: {  	v26 =	vxor.u32 $0x4, v23;
	v22 =	vor.u32 v7, v0;
	v0 =	vld.idx.msk [tilespmem:v25+s25+$0x0], $0xffff;
	[tilespmem:v52+s16+$0x0] =	vst.idx.msk $0xffff, v10;
	v63 =	vshll.u32 v49, $0x2  }
0x1cd: {  	v56 =	vor.u32 $0x2, v11;
	[tilespmem:v38+s16+$0x0] =	vst.idx.msk $0xffff, v10;
	v5 =	vmul.f32 v46, v28;
	v3 =	vld.idx.msk [tilespmem:v57+s25+$0x0], $0xffff;
	v1 =	vand.u32 $0x4, v63  }
0x1ce: {  	v38 =	vadd.s32 $0x6, v50;
	v35 =	vor.u32 v7, v1;
	v28 =	vsub.s32 v7, v1;
	v7 =	vld.idx.msk [tilespmem:v31+s25+$0x0], $0xffff  }
0x1cf: {  	v46 =	vor.u32 $0x2, v8;
	[tilespmem:v30+s16+$0x0] =	vst.idx.msk $0xffff, v5;
	v52 =	vor.u32 $0x2, v40;
	v2 =	vmul.f32 v2, v17;
	v4 =	vld.idx.msk [tilespmem:v27+s25+$0x0], $0xffff  }
0x1d0: {  	v43 =	vor.u32 $0x1, v23;
	[tilespmem:v47+s16+$0x0] =	vst.idx.msk $0xffff, v10;
	v1 =	vor.u32 $0x1, v40;
	v5 =	vmul.f32 v60, v20;
	v20 =	vld [tilespmem:s0+$0x0]  }
0x1d1: {  	v42 =	vadd.s32 $0x5, v18;
	v30 =	vxor.u32 $0x7, v45;
	v47 =	vadd.s32 $0x6, v39;
	[tilespmem:v55+s16+$0x0] =	vst.idx.msk $0xffff, v2  }
0x1d2: {  	v39 =	vor.u32 $0x3, v40;
	v60 =	vmul.f32 v0, v33;
	v2 =	vmul.f32 v3, v13;
	[tilespmem:v53+s16+$0x0] =	vst.idx.msk $0xffff, v5  }
0x1d3: {  	v49 =	vor.u32 $0x1, v25;
	v0 =	vmul.f32 v32, v9;
	v32 =	vor.u32 $0x3, v45;
	v5 =	vld.idx.msk [tilespmem:v22+s25+$0x0], $0xffff;
	[tilespmem:v61+s16+$0x0] =	vst.idx.msk $0xffff, v10  }
0x1d4: {  	s6 =	simm.s32 $0x2DE0;
	v55 =	vxor.u32 $0x4, v35;
	v53 =	vor.u32 $0x3, v37;
	v37 =	vld [tilespmem:s0+$0x10];
	v61 =	vimm.f32 $0.0e+00;
	[tilespmem:v58+s16+$0x0] =	vst.idx.msk $0xffff, v2  }
0x1d5: {  	s3 =	simm.s32 $0x8;
	s18 =	simm.s32 $0xC0;
	s19 =	simm.s32 $0xFE0;
	v59 =	vmovc v8;
	v58 =	vxor.u32 $0x4, v19;
	v63 =	vld.idx.msk [tilespmem:v1+s25+$0x0], $0xffff;
	v62 =	vmul.f32 v4, v36;
	v57 =	vmul.f32 v7, v20  }
.LBB2_11:
0x1d6: {  	_ =	sdelay $0x1  }
0x1d7: {  	[tilespmem:$0x1FEF0] =	vst v18  }
0x1d8: {  	v1 =	vld [tilespmem:s19+$0xFFFFFFE0];
	[tilespmem:v48+s16+$0x0] =	vst.idx.msk $0xffff, v61  }
0x1d9: {  	s10 =	sadd.s32 $0x20, s18;
	v40 =	vmov v31;
	v31 =	vld [tilespmem:s6+$0xFFFFFFE0];
	[tilespmem:v34+s16+$0x0] =	vst.idx.msk $0xffff, v60  }
0x1da: {  	v10 =	vmov s10;
	v48 =	vld.idx.msk [tilespmem:v53+s25+$0x0], $0xffff;
	[tilespmem:v54+s16+$0x0] =	vst.idx.msk $0xffff, v61  }
0x1db: {  	v45 =	vmov v34;
	v21 =	vimm.f32 $0.0e+00;
	v34 =	vshll.u32 v10, $0x3;
	v10 =	vld [tilespmem:$0x1FFF0];
	[tilespmem:v29+s16+$0x0] =	vst.idx.msk $0xffff, v0  }
0x1dc: {  	v53 =	vmov s18;
	v54 =	vor.u32 $0x3, v12;
	[tilespmem:v14+s16+$0x0] =	vst.idx.msk $0xffff, v61;
	v61 =	vxor.u32 $0x7, v12;
	v12 =	vmovc v35;
	v35 =	vld.idx.msk [tilespmem:v49+s25+$0x0], $0xffff  }
0x1dd: {  	v7 =	vxor.u32 $0x7, v6;
	v29 =	vshll.u32 v53, $0x3;
	[tilespmem:v16+s16+$0x0] =	vst.idx.msk $0xffff, v21;
	v16 =	vor.u32 $0x3, v11;
	v11 =	vld [tilespmem:$0x1FF10]  }
0x1de: {  	s11 =	sadd.s32 $0x30, s18;
	[tilespmem:$0x1FF00] =	vst v7;
	v7 =	vor.u32 $0x3, v6  }
0x1df: {  	v24 =	vmov v36;
	v60 =	vmov v17;
	v36 =	vmov s11;
	v17 =	vld [tilespmem:$0x1FF20];
	[tilespmem:$0x1FEE0] =	vst v7  }
0x1e0: {  	v0 =	vld.idx.msk [tilespmem:v56+s25+$0x0], $0xffff;
	v56 =	vmovc v44;
	v5 =	vmul.f32 v5, v37;
	v44 =	vor.u32 v10, v29;
	v29 =	vmov v43  }
0x1e1: {  	s9 =	sadd.s32 $0x10, s18;
	v8 =	vor.u32 $0x2, v25;
	v2 =	vadd.s32 $0x6, v15;
	v3 =	vor.u32 $0x2, v6;
	v7 =	vmovc v38;
	v38 =	vld [tilespmem:s19+$0xFFFFFFF0];
	[tilespmem:$0x1FF10] =	vst v29  }
0x1e2: {  	v4 =	vmovc v9;
	v9 =	vmovc v33;
	v18 =	vmov s9;
	v14 =	vld [tilespmem:s6+$0x0];
	v29 =	vshll.u32 v36, $0x3;
	v36 =	vmov v42;
	[tilespmem:v12+s16+$0x0] =	vst.idx.msk $0xffff, v5  }
0x1e3: {  	v15 =	vmovc v41;
	v41 =	vor.u32 $0x3, v25;
	v25 =	vmul.f32 v63, v51;
	v6 =	vmovc v23;
	v33 =	vshll.u32 v18, $0x3;
	v23 =	vld [tilespmem:s19+$0x0];
	[tilespmem:$0x1FF20] =	vst v36  }
0x1e4: {  	v43 =	vor.u32 v10, v33;
	v33 =	vld [tilespmem:s19+$0x10];
	[tilespmem:v55+s16+$0x0] =	vst.idx.msk $0xffff, v21  }
0x1e5: {  	v49 =	vor.u32 $0x1, v22;
	v34 =	vor.u32 v10, v34;
	v42 =	vor.u32 v10, v29;
	v10 =	vld [tilespmem:$0x1FF30];
	[tilespmem:v11+s16+$0x0] =	vst.idx.msk $0xffff, v25  }
0x1e6: {  	v25 =	vld [tilespmem:s6+$0xFFFFFFF0];
	[tilespmem:v19+s16+$0x0] =	vst.idx.msk $0xffff, v62  }
0x1e7: {  	v0 =	vmul.f32 v0, v60;
	[tilespmem:v17+s16+$0x0] =	vst.idx.msk $0xffff, v21  }
0x1e8: {  	v50 =	vadd.s32 $0x5, v50;
	s0 =	sadd.s32 $0x40, s0;
	v11 =	vmovc v27;
	v17 =	vshll.u32 v31, $0x2;
	v31 =	vor.u32 $0x1, v45;
	[tilespmem:v58+s16+$0x0] =	vst.idx.msk $0xffff, v21;
	v27 =	vld.idx.msk [tilespmem:v52+s25+$0x0], $0xffff  }
0x1e9: {  	v63 =	vor.u32 $0x1, v19;
	v18 =	vadd.s32 $0x5, v28;
	v1 =	vshll.u32 v1, $0x2;
	v58 =	vld [tilespmem:s0+$0x0];
	[tilespmem:v6+s16+$0x0] =	vst.idx.msk $0xffff, v57  }
0x1ea: {  	v1 =	vand.u32 $0x4, v1;
	v35 =	vmul.f32 v35, v9;
	v49 =	vld.idx.msk [tilespmem:v49+s25+$0x0], $0xffff;
	v52 =	vor.u32 $0x1, v11;
	[tilespmem:v46+s16+$0x0] =	vst.idx.msk $0xffff, v0  }
0x1eb: {  	v5 =	vor.u32 $0x1, v12;
	v36 =	vshll.u32 v23, $0x2;
	v57 =	vmul.f32 v48, v13;
	[tilespmem:v2+s16+$0x0] =	vst.idx.msk $0xffff, v21;
	v2 =	vmovc v41  }
0x1ec: {  	v46 =	vor.u32 $0x2, v22;
	v13 =	vmovc v37;
	v37 =	vld [tilespmem:s6+$0x10];
	v33 =	vshll.u32 v33, $0x2;
	[tilespmem:$0x1FF30] =	vst v2;
	v2 =	vshll.u32 v38, $0x2  }
0x1ed: {  	v33 =	vand.u32 $0x4, v33;
	v38 =	vor.u32 $0x3, v59;
	v55 =	vld.idx.msk [tilespmem:v10+s25+$0x0], $0xffff;
	[tilespmem:v31+s16+$0x0] =	vst.idx.msk $0xffff, v35;
	v0 =	vmul.f32 v27, v51  }
0x1ee: {  	v16 =	vld.idx.msk [tilespmem:v16+s25+$0x0], $0xffff;
	v23 =	vshll.u32 v25, $0x2;
	v25 =	vor.u32 v44, v1;
	v10 =	vshll.u32 v14, $0x2;
	[tilespmem:v50+s16+$0x0] =	vst.idx.msk $0xffff, v21  }
0x1ef: {  	v1 =	vand.u32 $0x4, v23;
	v14 =	vand.u32 $0x4, v10;
	[tilespmem:v3+s16+$0x0] =	vst.idx.msk $0xffff, v0;
	v3 =	vld.idx.msk [tilespmem:v52+s25+$0x0], $0xffff;
	v52 =	vmul.f32 v49, v13  }
0x1f0: {  	v62 =	vor.u32 v43, v1;
	v23 =	vor.u32 v34, v14;
	v0 =	vand.u32 $0x4, v2;
	[tilespmem:v47+s16+$0x0] =	vst.idx.msk $0xffff, v21  }
0x1f1: {  	v27 =	vor.u32 v43, v0;
	v0 =	vand.u32 $0x4, v36;
	v47 =	vor.u32 v42, v33;
	v33 =	vld [tilespmem:s0+$0xFFFFFFE0];
	[tilespmem:v5+s16+$0x0] =	vst.idx.msk $0xffff, v52  }
0x1f2: {  	v4 =	vmul.f32 v55, v4;
	v31 =	vor.u32 v34, v0;
	v0 =	vld.idx.msk [tilespmem:v39+s25+$0x0], $0xffff;
	[tilespmem:v26+s16+$0x0] =	vst.idx.msk $0xffff, v21  }
0x1f3: {  	v14 =	vsub.s32 v34, v14;
	v41 =	vsub.s32 v43, v1;
	v39 =	vld.idx.msk [tilespmem:v25+s25+$0x0], $0xffff;
	[tilespmem:v54+s16+$0x0] =	vst.idx.msk $0xffff, v57  }
0x1f4: {  	v1 =	vor.u32 $0x1, v40;
	v5 =	vand.u32 $0x4, v17;
	v17 =	vshll.u32 v37, $0x2;
	v37 =	vld.idx.msk [tilespmem:v8+s25+$0x0], $0xffff;
	[tilespmem:v32+s16+$0x0] =	vst.idx.msk $0xffff, v4  }
0x1f5: {  	v16 =	vmul.f32 v16, v60;
	v36 =	vld [tilespmem:s0+$0xFFFFFFF0];
	v34 =	vor.u32 v44, v5;
	[tilespmem:v18+s16+$0x0] =	vst.idx.msk $0xffff, v21  }
0x1f6: {  	v50 =	vsub.s32 v44, v5;
	v5 =	vand.u32 $0x4, v17;
	v17 =	vld.idx.msk [tilespmem:v46+s25+$0x0], $0xffff;
	[tilespmem:v61+s16+$0x0] =	vst.idx.msk $0xffff, v21  }
0x1f7: {  	v3 =	vmul.f32 v3, v24;
	v61 =	vimm.f32 $0.0e+00;
	v4 =	vld.idx.msk [tilespmem:v27+s25+$0x0], $0xffff;
	[tilespmem:v38+s16+$0x0] =	vst.idx.msk $0xffff, v16  }
0x1f8: {  	[tilespmem:v56+s16+$0x0] =	vst.idx.msk $0xffff, v61  }
0x1f9: {  	[tilespmem:v63+s16+$0x0] =	vst.idx.msk $0xffff, v3;
	v63 =	vld.idx.msk [tilespmem:v1+s25+$0x0], $0xffff  }
0x1fa: {  	v1 =	vld [tilespmem:$0x1FEE0];
	_ =	sdelay $0x2  }
0x1fb: {  	v53 =	vadd.s32 $0x5, v15  }
0x1fc: {  	v29 =	vor.u32 $0x2, v45;
	v48 =	vadd.s32 $0x6, v28;
	v10 =	vor.u32 $0x2, v12  }
0x1fd: {  	v59 =	vmovc v19;
	v2 =	vxor.u32 $0x4, v23;
	v49 =	vor.u32 $0x1, v25;
	v43 =	vor.u32 $0x1, v23  }
0x1fe: {  	v52 =	vor.u32 $0x2, v40;
	v44 =	vxor.u32 $0x7, v59;
	v16 =	vmul.f32 v0, v51  }
0x1ff: {  	s3 =	sadd.s32 $0x4, s3;
	v32 =	vor.u32 $0x3, v45;
	v54 =	vxor.u32 $0x4, v34;
	v35 =	vor.u32 v42, v5;
	v18 =	vld.idx.msk [tilespmem:v31+s25+$0x0], $0xffff  }
0x200: {  	p0 =	slt.u32 s3, $0xEC;
	v28 =	vsub.s32 v42, v5;
	v42 =	vadd.s32 $0x5, v14;
	v46 =	vor.u32 $0x2, v59;
	[tilespmem:v1+s16+$0x0] =	vst.idx.msk $0xffff, v16;
	v1 =	vld [tilespmem:$0x1FEF0]  }
.Ltmp4:
0x201: {  	v55 =	vxor.u32 $0x4, v35;
	[tilespmem:v30+s16+$0x0] =	vst.idx.msk $0xffff, v61;
	v38 =	vadd.s32 $0x6, v50;
	v30 =	vxor.u32 $0x7, v45;
	(pc) =	sbr.rel @p0 .LBB2_11-.Ltmp4, $4  }
0x202: {  	v19 =	vmovc v62;
	v26 =	vmovc v2;
	v60 =	vmul.f32 v39, v33;
	v0 =	vmul.f32 v37, v9;
	v56 =	vor.u32 $0x2, v11  }
0x203: {  	v5 =	vld.idx.msk [tilespmem:v47+s25+$0x0], $0xffff;
	v51 =	vmovc v20;
	v20 =	vmovc v58;
	v58 =	vxor.u32 $0x4, v19;
	v39 =	vor.u32 $0x3, v40;
	v3 =	vmul.f32 v17, v13  }
0x204: {  	v37 =	vld [tilespmem:s0+$0x10];
	[tilespmem:v53+s16+$0x0] =	vst.idx.msk $0xffff, v61;
	v53 =	vor.u32 $0x3, v22;
	v22 =	vmovc v47;
	v17 =	vmov v24;
	v62 =	vmul.f32 v4, v36  }
0x205: {  	s18 =	sadd.s32 $0x40, s18;
	s19 =	sadd.s32 $0x40, s19;
	s6 =	sadd.s32 $0x40, s6;
	v57 =	vmul.f32 v18, v20;
	[tilespmem:v10+s16+$0x0] =	vst.idx.msk $0xffff, v3;
	v18 =	vmovc v14;
	v14 =	vld [tilespmem:$0x1FF00];
	v16 =	vmov v7;
	v47 =	vadd.s32 $0x6, v1  }
0x206: {  	_ =	sdelay $0x3  }
0x207: {  	[tilespmem:v34+s16+$0x0] =	vst.idx.msk $0xffff, v60  }
0x208: {  	[tilespmem:v48+s16+$0x0] =	vst.idx.msk $0xffff, v61  }
0x209: {  	[tilespmem:v29+s16+$0x0] =	vst.idx.msk $0xffff, v0  }
0x20a: {  	[tilespmem:v54+s16+$0x0] =	vst.idx.msk $0xffff, v61  }
0x20b: {  	[tilespmem:v16+s16+$0x0] =	vst.idx.msk $0xffff, v61  }
0x20c: {  	[tilespmem:v14+s16+$0x0] =	vst.idx.msk $0xffff, v61  }
0x20d: {  	v2 =	vld [tilespmem:$0x1FF10];
	_ =	sdelay $0x5  }
0x20e: {  	v14 =	vmul.f32 v63, v51;
	_ =	sdelay $0x1  }
0x20f: {  	[tilespmem:v2+s16+$0x0] =	vst.idx.msk $0xffff, v14  }
0x210: {  	v3 =	vld [tilespmem:$0x1FF20];
	_ =	sdelay $0x6  }
0x211: {  	v1 =	vld.idx.msk [tilespmem:v56+s25+$0x0], $0xffff;
	v16 =	vmul.f32 v5, v37  }
0x212: {  	v21 =	vor.u32 $0x1, v22;
	[tilespmem:v3+s16+$0x0] =	vst.idx.msk $0xffff, v61  }
0x213: {  	v40 =	vadd.s32 $0x5, v50;
	v50 =	vor.u32 $0x1, v27;
	[tilespmem:v35+s16+$0x0] =	vst.idx.msk $0xffff, v16;
	v3 =	vld.idx.msk [tilespmem:v52+s25+$0x0], $0xffff  }
0x214: {  	v24 =	vadd.s32 $0x6, v15;
	[tilespmem:v19+s16+$0x0] =	vst.idx.msk $0xffff, v62  }
0x215: {  	v4 =	vor.u32 $0x2, v6;
	v29 =	vld.idx.msk [tilespmem:v49+s25+$0x0], $0xffff;
	[tilespmem:v23+s16+$0x0] =	vst.idx.msk $0xffff, v57  }
0x216: {  	v45 =	vld.idx.msk [tilespmem:v53+s25+$0x0], $0xffff;
	v1 =	vmul.f32 v1, v17;
	[tilespmem:v55+s16+$0x0] =	vst.idx.msk $0xffff, v61  }
0x217: {  	v10 =	vor.u32 $0x1, v34;
	[tilespmem:v58+s16+$0x0] =	vst.idx.msk $0xffff, v61;
	v2 =	vld.idx.msk [tilespmem:v21+s25+$0x0], $0xffff  }
0x218: {  	v11 =	vor.u32 $0x3, v11;
	[tilespmem:v46+s16+$0x0] =	vst.idx.msk $0xffff, v1;
	v58 =	vld.idx.msk [tilespmem:v50+s25+$0x0], $0xffff;
	v46 =	vmul.f32 v3, v51  }
0x219: {  	v48 =	vor.u32 $0x1, v35;
	[tilespmem:v24+s16+$0x0] =	vst.idx.msk $0xffff, v61;
	v55 =	vor.u32 $0x1, v31  }
0x21a: {  	v63 =	vor.u32 $0x1, v19;
	v5 =	vmul.f32 v29, v33;
	[tilespmem:v4+s16+$0x0] =	vst.idx.msk $0xffff, v46  }
0x21b: {  	v52 =	vadd.s32 $0x5, v28;
	v4 =	vld [tilespmem:$0x1FF30];
	[tilespmem:v47+s16+$0x0] =	vst.idx.msk $0xffff, v61  }
0x21c: {  	v53 =	vmul.f32 v45, v13;
	v57 =	vor.u32 $0x2, v22;
	v2 =	vmul.f32 v2, v37;
	[tilespmem:v10+s16+$0x0] =	vst.idx.msk $0xffff, v5  }
0x21d: {  	v13 =	vadd.s32 $0x5, v41;
	v62 =	vor.u32 $0x2, v25;
	v54 =	vld.idx.msk [tilespmem:v11+s25+$0x0], $0xffff;
	v3 =	vmul.f32 v58, v36;
	[tilespmem:v26+s16+$0x0] =	vst.idx.msk $0xffff, v61  }
0x21e: {  	v49 =	vor.u32 $0x3, v12;
	v16 =	vor.u32 $0x2, v27;
	[tilespmem:v48+s16+$0x0] =	vst.idx.msk $0xffff, v2;
	v15 =	vld.idx.msk [tilespmem:v55+s25+$0x0], $0xffff  }
0x21f: {  	v8 =	vor.u32 $0x3, v59;
	[tilespmem:v63+s16+$0x0] =	vst.idx.msk $0xffff, v3  }
0x220: {  	[tilespmem:v52+s16+$0x0] =	vst.idx.msk $0xffff, v61  }
0x221: {  	[tilespmem:v40+s16+$0x0] =	vst.idx.msk $0xffff, v61;
	v2 =	vld.idx.msk [tilespmem:v57+s25+$0x0], $0xffff  }
0x222: {  	v21 =	vor.u32 $0x2, v31;
	v14 =	vmul.f32 v54, v17;
	[tilespmem:v13+s16+$0x0] =	vst.idx.msk $0xffff, v61;
	v1 =	vld.idx.msk [tilespmem:v62+s25+$0x0], $0xffff  }
0x223: {  	v17 =	vor.u32 $0x2, v35;
	[tilespmem:v49+s16+$0x0] =	vst.idx.msk $0xffff, v53;
	v29 =	vld.idx.msk [tilespmem:v16+s25+$0x0], $0xffff;
	v26 =	vmul.f32 v15, v20  }
0x224: {  	v24 =	vadd.s32 $0x6, v28;
	v28 =	vor.u32 $0x2, v34;
	[tilespmem:v8+s16+$0x0] =	vst.idx.msk $0xffff, v14  }
0x225: {  	v40 =	vor.u32 $0x2, v19;
	v4 =	vld.idx.msk [tilespmem:v4+s25+$0x0], $0xffff;
	[tilespmem:v43+s16+$0x0] =	vst.idx.msk $0xffff, v26  }
0x226: {  	v41 =	vadd.s32 $0x6, v41;
	v2 =	vmul.f32 v2, v37;
	[tilespmem:v42+s16+$0x0] =	vst.idx.msk $0xffff, v61  }
0x227: {  	[tilespmem:v44+s16+$0x0] =	vst.idx.msk $0xffff, v61;
	v1 =	vmul.f32 v1, v33;
	v42 =	vld.idx.msk [tilespmem:v21+s25+$0x0], $0xffff  }
0x228: {  	v46 =	vmul.f32 v29, v36;
	[tilespmem:v17+s16+$0x0] =	vst.idx.msk $0xffff, v2  }
0x229: {  	v45 =	vor.u32 $0x2, v23;
	v44 =	vor.u32 $0x3, v27;
	[tilespmem:v28+s16+$0x0] =	vst.idx.msk $0xffff, v1  }
0x22a: {  	v47 =	vadd.s32 $0x6, v18;
	[tilespmem:v40+s16+$0x0] =	vst.idx.msk $0xffff, v46;
	v60 =	vmul.f32 v4, v9  }
0x22b: {  	v50 =	vor.u32 $0x3, v31;
	[tilespmem:v41+s16+$0x0] =	vst.idx.msk $0xffff, v61  }
0x22c: {  	v56 =	vxor.u32 $0x7, v12;
	v39 =	vld.idx.msk [tilespmem:v39+s25+$0x0], $0xffff;
	[tilespmem:v32+s16+$0x0] =	vst.idx.msk $0xffff, v60;
	v32 =	vor.u32 $0x3, v25;
	v2 =	vmul.f32 v42, v20  }
0x22d: {  	[tilespmem:v30+s16+$0x0] =	vst.idx.msk $0xffff, v61  }
0x22e: {  	v43 =	vor.u32 $0x3, v6;
	v3 =	vld.idx.msk [tilespmem:v44+s25+$0x0], $0xffff;
	v30 =	vor.u32 $0x3, v22;
	[tilespmem:v45+s16+$0x0] =	vst.idx.msk $0xffff, v2  }
0x22f: {  	v49 =	vxor.u32 $0x7, v6;
	[tilespmem:v47+s16+$0x0] =	vst.idx.msk $0xffff, v61  }
0x230: {  	v55 =	vor.u32 $0x3, v19;
	[tilespmem:v38+s16+$0x0] =	vst.idx.msk $0xffff, v61;
	v57 =	vld.idx.msk [tilespmem:v50+s25+$0x0], $0xffff  }
0x231: {  	v58 =	vxor.u32 $0x7, v19;
	[tilespmem:v56+s16+$0x0] =	vst.idx.msk $0xffff, v61;
	v7 =	vmul.f32 v39, v51;
	v4 =	vld.idx.msk [tilespmem:v32+s25+$0x0], $0xffff  }
0x232: {  	v59 =	vor.u32 $0x3, v23;
	[tilespmem:v24+s16+$0x0] =	vst.idx.msk $0xffff, v61  }
0x233: {  	v52 =	vor.u32 $0x3, v34;
	[tilespmem:v43+s16+$0x0] =	vst.idx.msk $0xffff, v7;
	v60 =	vmul.f32 v3, v36;
	v48 =	vld.idx.msk [tilespmem:v30+s25+$0x0], $0xffff  }
0x234: {  	v62 =	vxor.u32 $0x7, v23;
	[tilespmem:v49+s16+$0x0] =	vst.idx.msk $0xffff, v61  }
0x235: {  	v51 =	vor.u32 $0x3, v35;
	[tilespmem:v55+s16+$0x0] =	vst.idx.msk $0xffff, v60;
	v63 =	vmul.f32 v57, v20  }
0x236: {  	v56 =	vxor.u32 $0x7, v34;
	[tilespmem:v58+s16+$0x0] =	vst.idx.msk $0xffff, v61;
	v4 =	vmul.f32 v4, v33  }
0x237: {  	v53 =	vxor.u32 $0x7, v35;
	[tilespmem:v59+s16+$0x0] =	vst.idx.msk $0xffff, v63  }
0x238: {  	v54 =	vmul.f32 v48, v37;
	[tilespmem:v52+s16+$0x0] =	vst.idx.msk $0xffff, v4  }
0x239: {  	[tilespmem:v62+s16+$0x0] =	vst.idx.msk $0xffff, v61  }
0x23a: {  	s30 =	sadd.s32 $0x1, s30;
	[tilespmem:v51+s16+$0x0] =	vst.idx.msk $0xffff, v54  }
0x23b: {  	p0 =	sne.s32 s30, $0xC;
	[tilespmem:v56+s16+$0x0] =	vst.idx.msk $0xffff, v61  }
.Ltmp5:
0x23c: {  	[tilespmem:v53+s16+$0x0] =	vst.idx.msk $0xffff, v61;
	(pc) =	sbr.rel @p0 .LBB2_4-.Ltmp5, $4  }
0x23d: {  	[spmem:s5] =	stream.indirect.scatter.add.f32 [tilespmem:s16], [sflag:$0x3], $0x8, s26, s21, $0xb8;
	[tilespmem:$0x1C200] =	vst v63  }
0x23e: {  	_ =	swait.ge [sflag:s17], $0x7800  }
0x23f: {  	[sflag:s17] =	ssyncset.done $0x0  }
0x240: {  	v63 =	vld [tilespmem:$0x1FFF0];
	[sflag:s17] =	ssyncadd.s32 $0xFFFF8800  }
0x241: {  	s0 =	simm.s32 $0xE;
	s3 =	simm.s32 $0x0  }
0x242: {  	s6 =	simm.s32 $0x2;
	v0 =	vmov s0;
	s9 =	sand.u32 $0xFC0, s3;
	v1 =	vmov s3  }
0x243: {  	v2 =	vmov s6;
	s18 =	sor.u32 $0x30, s3;
	s3 =	sor.u32 $0x38, s3;
	v3 =	vshll.u32 v0, $0x3;
	v0 =	vmov s9  }
0x244: {  	v24 =	vld [tilespmem:$0x1FFD0];
	v1 =	vshll.u32 v1, $0x3;
	s19 =	sor.u32 $0x8, s9;
	s10 =	sor.u32 $0x10, s9;
	v4 =	vmov s18;
	v11 =	vmov s3  }
0x245: {  	v25 =	vld [tilespmem:$0x1FFE0];
	s11 =	sor.u32 $0x28, s9;
	s30 =	sor.u32 $0x18, s9;
	s9 =	sor.u32 $0x20, s9;
	v2 =	vshll.u32 v2, $0x3;
	v5 =	vmov s19;
	v6 =	vmov s10  }
0x246: {  	[bflag:$0x0] =	sbarrier.arrive $0xFFFF;
	v7 =	vmov s11;
	v8 =	vmov s30;
	v9 =	vmov s9  }
0x247: {  	[tilespmem:s25], [sflag:$0x3] =	stream.linear.gather [spmem:s8], $0x5A00, $0x38;
	v0 =	vshll.u32 v0, $0x3;
	v4 =	vshll.u32 v4, $0x3;
	v11 =	vshll.u32 v11, $0x3;
	[tilespmem:$0x1C200] =	vst v63  }
0x248: {  	s0 =	simm.s32 $0x0;
	s11 =	simm.s32 $0xA;
	v7 =	vshll.u32 v7, $0x3;
	v5 =	vshll.u32 v5, $0x3;
	v6 =	vshll.u32 v6, $0x3  }
0x249: {  	s31 =	sand.u32 $0x3, s0;
	_ =	swait.ge [sflag:s17], $0x5A00;
	v8 =	vshll.u32 v8, $0x3;
	v9 =	vshll.u32 v9, $0x3;
	v12 =	vmov s11  }
0x24a: {  	v22 =	vld [tilespmem:$0x1FFB0];
	v10 =	vor.u32 s31, v24;
	v7 =	vor.u32 v25, v7;
	v5 =	vor.u32 v25, v5  }
0x24b: {  	v23 =	vld [tilespmem:$0x1FFC0];
	v6 =	vor.u32 v25, v6;
	v8 =	vor.u32 v25, v8;
	v7 =	vor.u32 v10, v7  }
0x24c: {  	v0 =	vor.u32 v25, v0;
	v9 =	vor.u32 v25, v9;
	v12 =	vshll.u32 v12, $0x3  }
0x24d: {  	v4 =	vor.u32 v25, v4;
	v11 =	vor.u32 v25, v11;
	v5 =	vor.u32 v10, v5  }
0x24e: {  	[sflag:s17] =	ssyncset.done $0x0;
	v6 =	vor.u32 v10, v6;
	v17 =	vor.u32 v10, v0;
	v14 =	vor.u32 v10, v8  }
0x24f: {  	s19 =	simm.s32 $0x6;
	[sflag:s17] =	ssyncadd.s32 $0xFFFFA600;
	v9 =	vor.u32 v10, v9;
	v8 =	vor.u32 v10, v4;
	v12 =	vor.u32 v22, v12  }
0x250: {  	s30 =	simm.s32 $0x8;
	s31 =	simm.s32 $0xC;
	v0 =	vor.u32 v10, v11;
	v4 =	vmov s19;
	v12 =	vor.u32 v23, v12;
	v13 =	vld.idx.msk [tilespmem:v7+s25+$0x0], $0xffff  }
0x251: {  	v10 =	vmov s30;
	v11 =	vmov s31;
	v4 =	vshll.u32 v4, $0x3  }
0x252: {  	s18 =	simm.s32 $0x4;
	v10 =	vshll.u32 v10, $0x3;
	v11 =	vshll.u32 v11, $0x3;
	v1 =	vor.u32 v22, v1  }
0x253: {  	v2 =	vor.u32 v22, v2;
	v18 =	vor.u32 v22, v10;
	v7 =	vmov s18;
	v6 =	vld.idx.msk [tilespmem:v6+s25+$0x0], $0xffff  }
0x254: {  	v19 =	vor.u32 v22, v11;
	v16 =	vor.u32 v22, v3;
	v11 =	vld.idx.msk [tilespmem:v9+s25+$0x0], $0xffff;
	v15 =	vshll.u32 v7, $0x3  }
0x255: {  	v10 =	vld.idx.msk [tilespmem:v17+s25+$0x0], $0xffff;
	v9 =	vor.u32 v23, v19;
	[tilespmem:v12+s16+$0x0] =	vst.idx.msk $0xffff, v13;
	v12 =	vor.u32 v22, v15  }
0x256: {  	v7 =	vld.idx.msk [tilespmem:v5+s25+$0x0], $0xffff;
	v13 =	vor.u32 v22, v4;
	v4 =	vor.u32 v23, v1;
	v15 =	vor.u32 v23, v2  }
0x257: {  	s6 =	simm.s32 $0x1E;
	s3 =	simm.s32 $0x0;
	v5 =	vld.idx.msk [tilespmem:v14+s25+$0x0], $0xffff;
	v14 =	vor.u32 v23, v12;
	v13 =	vor.u32 v23, v13;
	v12 =	vor.u32 v23, v18  }
.LBB2_14:
0x258: {  	s9 =	sadd.s32 $0xFFFFFFF2, s6;
	s10 =	sadd.s32 $0xFFFFFFF4, s6;
	v1 =	vmov s6;
	s3 =	sadd.s32 $0x8, s3;
	v2 =	vld.idx.msk [tilespmem:v8+s25+$0x0], $0xffff;
	v3 =	vor.u32 v23, v16  }
0x259: {  	s11 =	sand.u32 $0xFC0, s9;
	v8 =	vmov s9;
	v16 =	vmov s10;
	s10 =	sor.u32 $0x30, s9;
	v1 =	vshll.u32 v1, $0x3;
	p0 =	slt.u32 s3, $0x598;
	v0 =	vld.idx.msk [tilespmem:v0+s25+$0x0], $0xffff  }
0x25a: {  	v17 =	vmov s11;
	v18 =	vshll.u32 v8, $0x3;
	s18 =	sor.u32 $0x8, s11;
	s19 =	sor.u32 $0x10, s11;
	s30 =	sor.u32 $0x28, s11;
	v8 =	vmov s10  }
0x25b: {  	s0 =	sadd.s32 $0x1, s0;
	s10 =	sor.u32 $0x18, s11;
	s11 =	sor.u32 $0x20, s11;
	v19 =	vmov s18;
	v20 =	vmov s19;
	v21 =	vmov s30;
	[tilespmem:v15+s16+$0x0] =	vst.idx.msk $0xffff, v7  }
0x25c: {  	s9 =	sor.u32 $0x38, s9;
	s18 =	sand.u32 $0x3, s0;
	s19 =	sadd.s32 $0xFFFFFFF6, s6;
	v7 =	vmov s10;
	v15 =	vmov s11;
	v21 =	vshll.u32 v21, $0x3;
	[tilespmem:v14+s16+$0x0] =	vst.idx.msk $0xffff, v6  }
0x25d: {  	s10 =	sadd.s32 $0xFFFFFFF8, s6;
	s11 =	sadd.s32 $0xFFFFFFFA, s6;
	v6 =	vor.u32 s18, v24;
	s18 =	sadd.s32 $0xFFFFFFFE, s6;
	v14 =	vor.u32 v25, v21;
	v21 =	vmov s9;
	[tilespmem:v13+s16+$0x0] =	vst.idx.msk $0xffff, v5  }
0x25e: {  	v5 =	vshll.u32 v19, $0x3;
	v13 =	vshll.u32 v20, $0x3;
	v14 =	vor.u32 v6, v14;
	[tilespmem:v12+s16+$0x0] =	vst.idx.msk $0xffff, v11  }
0x25f: {  	v7 =	vshll.u32 v7, $0x3;
	v11 =	vshll.u32 v17, $0x3;
	v12 =	vshll.u32 v15, $0x3;
	[tilespmem:v4+s16+$0x0] =	vst.idx.msk $0xffff, v10  }
0x260: {  	s9 =	sadd.s32 $0xFFFFFFFC, s6;
	v4 =	vor.u32 v25, v5;
	v5 =	vshll.u32 v8, $0x3;
	v8 =	vshll.u32 v21, $0x3;
	[tilespmem:v9+s16+$0x0] =	vst.idx.msk $0xffff, v2  }
0x261: {  	v7 =	vor.u32 v25, v7;
	v2 =	vor.u32 v25, v13;
	v9 =	vmov s9;
	[tilespmem:v3+s16+$0x0] =	vst.idx.msk $0xffff, v0  }
0x262: {  	v0 =	vor.u32 v25, v11;
	v3 =	vor.u32 v25, v12;
	v9 =	vshll.u32 v9, $0x3  }
0x263: {  	v5 =	vor.u32 v25, v5;
	v11 =	vor.u32 v25, v8;
	v9 =	vor.u32 v22, v9;
	v10 =	vld.idx.msk [tilespmem:v14+s25+$0x0], $0xffff  }
0x264: {  	v4 =	vor.u32 v6, v4;
	v2 =	vor.u32 v6, v2;
	v9 =	vor.u32 v23, v9  }
0x265: {  	v13 =	vor.u32 v6, v7;
	v12 =	vor.u32 v6, v0;
	v3 =	vor.u32 v6, v3  }
0x266: {  	v7 =	vmov s19;
	v8 =	vor.u32 v6, v5;
	v0 =	vor.u32 v6, v11  }
0x267: {  	v5 =	vmov s10;
	v6 =	vmov s11;
	v11 =	vmov s18  }
0x268: {  	v15 =	vshll.u32 v7, $0x3;
	v5 =	vshll.u32 v5, $0x3;
	v14 =	vshll.u32 v16, $0x3  }
.Ltmp6:
0x269: {  	v17 =	vor.u32 v22, v18;
	v7 =	vld.idx.msk [tilespmem:v4+s25+$0x0], $0xffff;
	v4 =	vshll.u32 v6, $0x3;
	[tilespmem:v9+s16+$0x0] =	vst.idx.msk $0xffff, v10;
	v9 =	vshll.u32 v11, $0x3;
	(pc) =	sbr.rel @p0 .LBB2_14-.Ltmp6, $4  }
0x26a: {  	v18 =	vor.u32 v22, v5;
	v10 =	vor.u32 v22, v14;
	v6 =	vld.idx.msk [tilespmem:v2+s25+$0x0], $0xffff;
	v2 =	vor.u32 v22, v15  }
0x26b: {  	v16 =	vor.u32 v22, v1;
	v19 =	vor.u32 v22, v4;
	v9 =	vor.u32 v22, v9;
	v5 =	vld.idx.msk [tilespmem:v13+s25+$0x0], $0xffff  }
0x26c: {  	v4 =	vor.u32 v23, v17;
	v15 =	vor.u32 v23, v10;
	v14 =	vor.u32 v23, v2;
	v11 =	vld.idx.msk [tilespmem:v3+s25+$0x0], $0xffff  }
0x26d: {  	s6 =	sadd.s32 $0x10, s6;
	v13 =	vor.u32 v23, v18;
	v9 =	vor.u32 v23, v9;
	v10 =	vld.idx.msk [tilespmem:v12+s25+$0x0], $0xffff;
	v12 =	vor.u32 v23, v19  }
0x26e: {  	_ =	sdelay $0x3  }
0x26f: {  	v1 =	vld.idx.msk [tilespmem:v8+s25+$0x0], $0xffff;
	[tilespmem:v15+s16+$0x0] =	vst.idx.msk $0xffff, v7  }
0x270: {  	v2 =	vor.u32 v23, v16;
	v0 =	vld.idx.msk [tilespmem:v0+s25+$0x0], $0xffff;
	[tilespmem:v14+s16+$0x0] =	vst.idx.msk $0xffff, v6  }
0x271: {  	[tilespmem:v13+s16+$0x0] =	vst.idx.msk $0xffff, v5  }
0x272: {  	[tilespmem:v12+s16+$0x0] =	vst.idx.msk $0xffff, v11  }
0x273: {  	s29 =	sadd.s32 $0x1, s29;
	[tilespmem:v4+s16+$0x0] =	vst.idx.msk $0xffff, v10  }
0x274: {  	p0 =	sne.s32 s29, s15;
	[tilespmem:v9+s16+$0x0] =	vst.idx.msk $0xffff, v1  }
.Ltmp7:
0x275: {  	s0 =	simm.s32 $0x0;
	[tilespmem:v2+s16+$0x0] =	vst.idx.msk $0xffff, v0;
	(pc) =	sbr.rel @p0 .LBB2_1-.Ltmp7, $4  }
0x276: {  	[hbm4b:s14+s0] =	stream.linear.scatter [tilespmem:s16], [sflag:$0x3], $0x5A00, $0x38;
	[tilespmem:$0x1C200] =	vst v63  }
0x277: {  	_ =	swait.ge [sflag:s17], $0x5A00  }
0x278: {  	[sflag:s17] =	ssyncset.done $0x0  }
0x279: {  	[sflag:s17] =	ssyncadd.s32 $0xFFFFA600  }
0x27a: {  	_ =	sfence.sel $0x180000  }
0x27b: {  	[bflag:$0x0] =	sbarrier.arrive $0xFFFF  }
0x27c: {  	_ =	strace $0x9000004A  }
0x27d: {  	s0 =	stileid.u32;
	[bflag:$0x2] =	sbarrier.arrive $0xFFFF  }
0x27e: {  	p0 =	sne.s32 s0, $0x0;
	s0 =	rddreg [dreg:$0x5]  }
0x27f: {  	s0 =	sadd.s32 @!p0 $0x100000, s0  }
0x280: {  	[sflag:s0] =	ssyncadd.tile.s32 @!p0 $0x1;
	_ =	shalt  }
.Lfunc_end2:
_tile_overlayer_lowered:
.L_overlay_start_2:
0x281: {  	(tag) =	ssettag $0x2  }
0x282: {  	s0 =	rddreg [dreg:$0x0];
	s2 =	stileid.u32  }
0x283: {  	s1 =	rddreg [dreg:$0x1];
	p0 =	sne.s32 s2, $0x0  }
0x284: {  	s3 =	rddreg [dreg:$0x2];
	[bflag:$0x3] =	sbarrier.arrive $0xFFFF;
	s2 =	simm.s32 @!p0 $0x1C03  }
0x285: {  	[timem:s3], [sflag:s2] =	dma.local @!p0 [hbm:s0], s1  }
0x286: {  	s0 =	simm.s32 @!p0 $0x3  }
0x287: {  	_ =	swait.ge @!p0 [sflag:s0], s1  }
0x288: {  	s1 =	ssub.s32 @!p0 $0x0, s1;
	[sflag:s0] =	ssyncset.done @!p0 $0x0  }
0x289: {  	[sflag:s0] =	ssyncadd.s32 @!p0 s1  }
0x28a: {  	[bflag:$0x3] =	sbarrier.arrive $0xFFFF  }
0x28b: {  	_ =	shalt  }

</sc_bundles>
